<compile_context>
chip_gen: v7x
topology: tpu7x:2x2x1
jax: 0.10.2.dev20260603
libtpu: 0.0.44.dev20260713+nightly
codegen_flags: <defaults>
</compile_context>

<pallas_src>
import jax
import jax.numpy as jnp
from jax import lax
from jax.experimental import pallas as pl
from jax.experimental.pallas import tpu as pltpu
from jax.experimental.pallas import tpu_sc as plsc

_N = 100000
_E = 1600000
_H = 1024
_D1 = 48
_NC = 2
_NS = 16
_NPAD = 100352
_ROWS = _NPAD // _NS
_G = 4
_CH = 10000
_EPT = _E // _NS


def _mesh():
    return plsc.VectorSubcoreMesh(core_axis_name="c", subcore_axis_name="s")


def _degree(dst):
    def body(dst_hbm, cnt_hbm, dstage, ones, zpart, cacc):
        c = lax.axis_index("c")
        s = lax.axis_index("s")

        def _f1(j, carry):
            ones[pl.ds(j * 16, 16)] = jnp.full((16,), jnp.float32(1.0))
            return carry
        lax.fori_loop(0, _CH // 16, _f1, 0)

        def _f0(j, carry):
            zpart[pl.ds(j * 16, 16)] = jnp.zeros((16,), jnp.float32)
            return carry
        lax.fori_loop(0, _ROWS // 16, _f0, 0)

        @pl.when(c == 0)
        def _():
            pltpu.sync_copy(zpart, cacc.at[pl.ds(s * _ROWS, _ROWS)])
            plsc.subcore_barrier()

            def chunk_body(k, carry):
                base = s * _EPT + k * _CH
                pltpu.sync_copy(dst_hbm.at[pl.ds(base, _CH)], dstage)
                pltpu.sync_copy(ones, cacc.at[dstage], add=True)
                return carry
            lax.fori_loop(0, _EPT // _CH, chunk_body, 0)

            plsc.subcore_barrier()
            pltpu.sync_copy(cacc.at[pl.ds(s * _ROWS, _ROWS)],
                            cnt_hbm.at[pl.ds(s * _ROWS, _ROWS)])

    f = pl.kernel(
        body,
        compiler_params=pltpu.CompilerParams(needs_layout_passes=False),
        out_type=jax.ShapeDtypeStruct((_NPAD,), jnp.float32),
        mesh=_mesh(),
        scratch_types=[
            pltpu.VMEM((_CH,), jnp.int32),
            pltpu.VMEM((_CH,), jnp.float32),
            pltpu.VMEM((_ROWS,), jnp.float32),
            pltpu.VMEM_SHARED((_NPAD,), jnp.float32),
        ],
    )
    return f(dst)


def _segment_sum_t(src, dst, x_t, d):
    ngrp = d // (_G * _NC)

    def body(src_hbm, dst_hbm, x_hbm, seg_hbm,
             ss0, ds0, zpart,
             v00, v01, v02, v03,
             cb0, cb1, cb2, cb3, ac0, ac1, ac2, ac3,
             gs0, gs1, gs2, gs3):
        c = lax.axis_index("c")
        s = lax.axis_index("s")
        sstage = (ss0,)
        dstage = (ds0,)
        vals = ((v00, v01, v02, v03),)
        cols = (cb0, cb1, cb2, cb3)
        accs = (ac0, ac1, ac2, ac3)
        gsem = (gs0, gs1, gs2, gs3)

        def _f0(j, carry):
            zpart[pl.ds(j * 16, 16)] = jnp.zeros((16,), jnp.float32)
            return carry
        lax.fori_loop(0, _ROWS // 16, _f0, 0)

        def grp_body(grp, carry):
            cbase = (grp * _NC + c) * _G
            for g in range(_G):
                pltpu.sync_copy(
                    x_hbm.at[cbase + g, pl.ds(s * _ROWS, _ROWS)],
                    cols[g].at[pl.ds(s * _ROWS, _ROWS)])
                pltpu.sync_copy(zpart, accs[g].at[pl.ds(s * _ROWS, _ROWS)])
            plsc.subcore_barrier()

            def chunk_body(k, carry2):
                base = s * _EPT + k * _CH
                pltpu.sync_copy(src_hbm.at[pl.ds(base, _CH)], sstage[0])
                pltpu.sync_copy(dst_hbm.at[pl.ds(base, _CH)], dstage[0])
                gd = [pltpu.async_copy(cols[g].at[sstage[0]], vals[0][g],
                                       gsem[g]) for g in range(_G)]
                for g in range(_G):
                    gd[g].wait()
                    pltpu.sync_copy(vals[0][g], accs[g].at[dstage[0]],
                                    add=True)
                return carry2
            lax.fori_loop(0, _EPT // _CH, chunk_body, 0)

            plsc.subcore_barrier()
            for g in range(_G):
                pltpu.sync_copy(accs[g].at[pl.ds(s * _ROWS, _ROWS)],
                                seg_hbm.at[cbase + g, pl.ds(s * _ROWS, _ROWS)])
            plsc.subcore_barrier()
            return carry
        lax.fori_loop(0, ngrp, grp_body, 0)

    f = pl.kernel(
        body,
        compiler_params=pltpu.CompilerParams(needs_layout_passes=False),
        out_type=jax.ShapeDtypeStruct((d, _NPAD), jnp.float32),
        mesh=_mesh(),
        scratch_types=(
            [pltpu.VMEM((_CH,), jnp.int32)] * 2
            + [pltpu.VMEM((_ROWS,), jnp.float32)]
            + [pltpu.VMEM((_CH,), jnp.float32)] * 4
            + [pltpu.VMEM_SHARED((_NPAD,), jnp.float32)] * 8
            + [pltpu.SemaphoreType.DMA] * 4
        ),
    )
    return f(src, dst, x_t)


_BN = 1024


def _tc_layer_t(seg_t, cnt1r, x_t, wl, blc, wr):
    d = x_t.shape[0]
    h = wl.shape[0]

    def tc_body(seg_ref, cnt_ref, x_ref, wl_ref, bl_ref, wr_ref, o_ref):
        inv = 1.0 / jnp.maximum(cnt_ref[...], 1.0)
        mean_t = seg_ref[...] * inv
        acc = lax.dot_general(wl_ref[...], mean_t, (((1,), (0,)), ((), ())),
                              preferred_element_type=jnp.float32)
        acc = acc + lax.dot_general(wr_ref[...], x_ref[...],
                                    (((1,), (0,)), ((), ())),
                                    preferred_element_type=jnp.float32)
        acc = acc + bl_ref[...]
        o_ref[...] = jnp.maximum(acc, 0.0)

    return pl.pallas_call(
        tc_body,
        grid=(_NPAD // _BN,),
        in_specs=[
            pl.BlockSpec((d, _BN), lambda i: (0, i)),
            pl.BlockSpec((1, _BN), lambda i: (0, i)),
            pl.BlockSpec((d, _BN), lambda i: (0, i)),
            pl.BlockSpec((h, d), lambda i: (0, 0)),
            pl.BlockSpec((h, 1), lambda i: (0, 0)),
            pl.BlockSpec((h, d), lambda i: (0, 0)),
        ],
        out_specs=pl.BlockSpec((h, _BN), lambda i: (0, i)),
        out_shape=jax.ShapeDtypeStruct((h, _NPAD), jnp.float32),
    )(seg_t, cnt1r, x_t, wl, blc, wr)


def _tc_layer_final_t(seg_t, cnt1r, x_t, wl, blc, wr, wlin, blin2d):
    d = x_t.shape[0]
    h = wl.shape[0]

    def tc_body(seg_ref, cnt_ref, x_ref, wl_ref, bl_ref, wr_ref, wlin_ref,
                blin_ref, o_ref):
        inv = 1.0 / jnp.maximum(cnt_ref[...], 1.0)
        mean_t = seg_ref[...] * inv
        acc = lax.dot_general(wl_ref[...], mean_t, (((1,), (0,)), ((), ())),
                              preferred_element_type=jnp.float32)
        acc = acc + lax.dot_general(wr_ref[...], x_ref[...],
                                    (((1,), (0,)), ((), ())),
                                    preferred_element_type=jnp.float32)
        acc = acc + bl_ref[...]
        hrelu = jnp.maximum(acc, 0.0)
        o_ref[...] = lax.dot_general(hrelu, wlin_ref[...],
                                     (((0,), (1,)), ((), ())),
                                     preferred_element_type=jnp.float32) \
            + blin_ref[...]

    return pl.pallas_call(
        tc_body,
        grid=(_NPAD // _BN,),
        in_specs=[
            pl.BlockSpec((d, _BN), lambda i: (0, i)),
            pl.BlockSpec((1, _BN), lambda i: (0, i)),
            pl.BlockSpec((d, _BN), lambda i: (0, i)),
            pl.BlockSpec((h, d), lambda i: (0, 0)),
            pl.BlockSpec((h, 1), lambda i: (0, 0)),
            pl.BlockSpec((h, d), lambda i: (0, 0)),
            pl.BlockSpec((1, h), lambda i: (0, 0)),
            pl.BlockSpec((1, 1), lambda i: (0, 0)),
        ],
        out_specs=pl.BlockSpec((_BN, 1), lambda i: (i, 0)),
        out_shape=jax.ShapeDtypeStruct((_NPAD, 1), jnp.float32),
    )(seg_t, cnt1r, x_t, wl, blc, wr, wlin, blin2d)


def kernel(feature, edge_index, W1l, b1l, W1r, W2l, b2l, W2r, W3l, b3l, W3r,
           Wlin, blin):
    src = edge_index[0]
    dst = edge_index[1]

    feat_t = jnp.pad(feature, ((0, _NPAD - _N), (0, _D1 - feature.shape[1]))).T
    w1l = jnp.pad(W1l, ((0, 0), (0, _D1 - W1l.shape[1])))
    w1r = jnp.pad(W1r, ((0, 0), (0, _D1 - W1r.shape[1])))

    cnt1r = _degree(dst).reshape(1, _NPAD)

    b1 = b1l.reshape(_H, 1)
    b2 = b2l.reshape(_H, 1)
    b3 = b3l.reshape(_H, 1)
    blin2d = blin.reshape(1, 1)

    seg1 = _segment_sum_t(src, dst, feat_t, _D1)
    h1 = _tc_layer_t(seg1, cnt1r, feat_t, w1l, b1, w1r)
    seg2 = _segment_sum_t(src, dst, h1, _H)
    h2 = _tc_layer_t(seg2, cnt1r, h1, W2l, b2, W2r)
    seg3 = _segment_sum_t(src, dst, h2, _H)
    out = _tc_layer_final_t(seg3, cnt1r, h2, W3l, b3, W3r, Wlin, blin2d)
    return out[:_N]

# --- scband reference (transcript-rebuilt; emitter-appended) ---
"""Pipeline reference for scband-model-36532991820041 (READ-ONLY COPY).

The authoritative reference and input builder live on the scoring server;
editing this copy changes nothing except your own understanding.
"""

import jax, jax.numpy as jnp
import numpy as np

N = 100000
E = 1600000
D_IN = 47
H = 1024


def setup_inputs(seed: int = 0) -> dict:
    key = jax.random.key(seed)
    ks = jax.random.split(key, 16)
    feature = jax.random.normal(ks[0], (N, D_IN), dtype=jnp.float32)
    edge_index = jax.random.randint(ks[1], (2, E), 0, N, dtype=jnp.int32)
    s = 0.05
    W1l = s * jax.random.normal(ks[2], (H, D_IN), dtype=jnp.float32)
    b1l = jnp.zeros((H,), dtype=jnp.float32)
    W1r = s * jax.random.normal(ks[3], (H, D_IN), dtype=jnp.float32)
    W2l = s * jax.random.normal(ks[4], (H, H), dtype=jnp.float32)
    b2l = jnp.zeros((H,), dtype=jnp.float32)
    W2r = s * jax.random.normal(ks[5], (H, H), dtype=jnp.float32)
    W3l = s * jax.random.normal(ks[6], (H, H), dtype=jnp.float32)
    b3l = jnp.zeros((H,), dtype=jnp.float32)
    W3r = s * jax.random.normal(ks[7], (H, H), dtype=jnp.float32)
    Wlin = s * jax.random.normal(ks[8], (1, H), dtype=jnp.float32)
    blin = jnp.zeros((1,), dtype=jnp.float32)
    return {"feature": feature, "edge_index": edge_index,
            "W1l": W1l, "b1l": b1l, "W1r": W1r,
            "W2l": W2l, "b2l": b2l, "W2r": W2r,
            "W3l": W3l, "b3l": b3l, "W3r": W3r,
            "Wlin": Wlin, "blin": blin}


def _sage(x, src, dst, Wl, bl, Wr):
    # PyG SAGEConv (mean aggr): out = lin_l(mean_{j->i} x_j) + lin_r(x_i)
    msg = jnp.take(x, src, axis=0)
    summed = jax.ops.segment_sum(msg, dst, num_segments=N)
    cnt = jax.ops.segment_sum(jnp.ones((src.shape[0],), dtype=x.dtype), dst, num_segments=N)
    mean = summed / jnp.clip(cnt, 1.0)[:, None]
    return mean @ Wl.T + bl + x @ Wr.T


def reference(feature, edge_index, W1l, b1l, W1r, W2l, b2l, W2r, W3l, b3l, W3r, Wlin, blin):
    src = edge_index[0]
    dst = edge_index[1]
    h = jax.nn.relu(_sage(feature, src, dst, W1l, b1l, W1r))
    h = jax.nn.relu(_sage(h, src, dst, W2l, b2l, W2r))
    h = jax.nn.relu(_sage(h, src, dst, W3l, b3l, W3r))
    out = h @ Wlin.T + blin
    return out

if __name__ == "__main__":
    import jax
    _d = setup_inputs()
    print(jax.jit(kernel)(*tuple(_d.values())))

</pallas_src>

<mosaic_0001>
#map = affine_map<(d0, d1) -> (0)>
#map1 = affine_map<(d0, d1) -> (0, 0)>
module attributes {stable_mosaic.version = 14 : i64} {
  func.func @body(%arg0: i32, %arg1: i32, %arg2: memref<1600000xi32, #tpu.memory_space<hbm>>, %arg3: memref<1600000xi32, #tpu.memory_space<hbm>>, %arg4: memref<1024x100352xf32, #tpu.memory_space<hbm>>, %arg5: memref<1024x100352xf32, #tpu.memory_space<hbm>>, %arg6: memref<10000xi32, #tpu.memory_space<vmem>>, %arg7: memref<10000xi32, #tpu.memory_space<vmem>>, %arg8: memref<6272xf32, #tpu.memory_space<vmem>>, %arg9: memref<10000xf32, #tpu.memory_space<vmem>>, %arg10: memref<10000xf32, #tpu.memory_space<vmem>>, %arg11: memref<10000xf32, #tpu.memory_space<vmem>>, %arg12: memref<10000xf32, #tpu.memory_space<vmem>>, %arg13: memref<100352xf32, #tpu.memory_space<vmem_shared>>, %arg14: memref<100352xf32, #tpu.memory_space<vmem_shared>>, %arg15: memref<100352xf32, #tpu.memory_space<vmem_shared>>, %arg16: memref<100352xf32, #tpu.memory_space<vmem_shared>>, %arg17: memref<100352xf32, #tpu.memory_space<vmem_shared>>, %arg18: memref<100352xf32, #tpu.memory_space<vmem_shared>>, %arg19: memref<100352xf32, #tpu.memory_space<vmem_shared>>, %arg20: memref<100352xf32, #tpu.memory_space<vmem_shared>>, %arg21: memref<!tpu.dma_semaphore, #tpu.memory_space<semaphore_mem>>, %arg22: memref<!tpu.dma_semaphore, #tpu.memory_space<semaphore_mem>>, %arg23: memref<!tpu.dma_semaphore, #tpu.memory_space<semaphore_mem>>, %arg24: memref<!tpu.dma_semaphore, #tpu.memory_space<semaphore_mem>>) attributes {dimension_semantics = [#tpu.dimension_semantics<core_parallel>, #tpu.dimension_semantics<subcore_parallel>], iteration_bounds = array<i64: 2, 16>, scalar_prefetch = 0 : i64, scratch_operands = 19 : i64, tpu.core_type = #tpu.core_type<sc_vector_subcore>, window_params = [{transform_indices = #map}, {transform_indices = #map}, {transform_indices = #map1}, {transform_indices = #map1}]} {
    %scan3A = arith.constant 0 : i32
    %scan3A_0 = arith.constant 0 : i32
    %scan3A_1 = arith.constant 392 : i32
    %scan3A_2 = arith.addi %scan3A_0, %scan3A_1 : i32
    %scan3A_3 = arith.constant 1 : i32
    scf.for %scan3A_11 = %scan3A_0 to %scan3A_2 step %scan3A_3  : i32 {
      %broadcast_in_dim3A = arith.constant 0.000000e+00 : f32
      %broadcast_in_dim3A_12 = vector.broadcast %broadcast_in_dim3A : f32 to vector<16xf32>
      %mul3A = arith.constant 16 : i32
      %mul3A_13 = arith.muli %scan3A_11, %mul3A : i32
      %swap3A = arith.index_cast %mul3A_13 : i32 to index
      %swap3A_14 = tpu.vector_load %arg8[%swap3A] {strides = array<i32>} : memref<6272xf32, #tpu.memory_space<vmem>>, vector<16xf32>,
      tpu.vector_store %arg8[%swap3A], %broadcast_in_dim3A_12 {strides = array<i32>} : memref<6272xf32, #tpu.memory_space<vmem>>, vector<16xf32>,
    }
    %scan3A_4 = arith.constant 392 : i32
    %scan3A_5 = arith.constant 0 : i32
    %scan3A_6 = arith.constant 0 : i32
    %scan3A_7 = arith.constant 128 : i32
    %scan3A_8 = arith.addi %scan3A_6, %scan3A_7 : i32
    %scan3A_9 = arith.constant 1 : i32
    scf.for %scan3A_11 = %scan3A_6 to %scan3A_8 step %scan3A_9  : i32 {
      %mul3A = arith.constant 2 : i32
      %mul3A_12 = arith.muli %scan3A_11, %mul3A : i32
      %add3A = arith.addi %mul3A_12, %arg0 : i32
      %mul3A_13 = arith.constant 4 : i32
      %mul3A_14 = arith.muli %add3A, %mul3A_13 : i32
      %add3A_15 = arith.constant 0 : i32
      %add3A_16 = arith.addi %mul3A_14, %add3A_15 : i32
      %mul3A_17 = arith.constant 6272 : i32
      %mul3A_18 = arith.muli %arg1, %mul3A_17 : i32
      %mul3A_19 = arith.constant 6272 : i32
      %mul3A_20 = arith.muli %arg1, %mul3A_19 : i32
      "tpu.region"() ({
        %run_scoped3A = tpu.sem_alloc : memref<!tpu.dma_semaphore, #tpu.memory_space<semaphore_mem>>
        %dma_start3A = tpu.memref_slice %arg13[%mul3A_20] : memref<100352xf32, #tpu.memory_space<vmem_shared>> -> memref<6272xf32, #tpu.memory_space<vmem_shared>>
        %dma_start3A_79 = tpu.memref_slice %arg4[%add3A_16, %mul3A_18] : memref<1024x100352xf32, #tpu.memory_space<hbm>> -> memref<1x6272xf32, #tpu.memory_space<hbm>>
        %dma_start3A_80 = tpu.memref_squeeze %dma_start3A_79 : memref<1x6272xf32, #tpu.memory_space<hbm>> -> memref<6272xf32, #tpu.memory_space<hbm>>
        tpu.enqueue_dma source(%dma_start3A_80 : memref<6272xf32, #tpu.memory_space<hbm>>) target(%dma_start3A : memref<6272xf32, #tpu.memory_space<vmem_shared>>) target_semaphore(%run_scoped3A : memref<!tpu.dma_semaphore, #tpu.memory_space<semaphore_mem>>)
        %dma_wait3A = tpu.memref_slice %arg13[%mul3A_20] : memref<100352xf32, #tpu.memory_space<vmem_shared>> -> memref<6272xf32, #tpu.memory_space<vmem_shared>>
        %dma_wait3A_81 = tpu.memref_slice %arg4[%add3A_16, %mul3A_18] : memref<1024x100352xf32, #tpu.memory_space<hbm>> -> memref<1x6272xf32, #tpu.memory_space<hbm>>
        %dma_wait3A_82 = tpu.memref_squeeze %dma_wait3A_81 : memref<1x6272xf32, #tpu.memory_space<hbm>> -> memref<6272xf32, #tpu.memory_space<hbm>>
        tpu.wait_dma2 semaphore(%run_scoped3A : memref<!tpu.dma_semaphore, #tpu.memory_space<semaphore_mem>>) src(%dma_wait3A_82 : memref<6272xf32, #tpu.memory_space<hbm>>) dst(%dma_wait3A : memref<6272xf32, #tpu.memory_space<vmem_shared>>)
        tpu.yield
      }) : () -> ()
      %mul3A_21 = arith.constant 6272 : i32
      %mul3A_22 = arith.muli %arg1, %mul3A_21 : i32
      "tpu.region"() ({
        %run_scoped3A = tpu.sem_alloc : memref<!tpu.dma_semaphore, #tpu.memory_space<semaphore_mem>>
        %dma_start3A = tpu.memref_slice %arg17[%mul3A_22] : memref<100352xf32, #tpu.memory_space<vmem_shared>> -> memref<6272xf32, #tpu.memory_space<vmem_shared>>
        %dma_start3A_79 = tpu.memref_slice %arg17[%mul3A_22] : memref<100352xf32, #tpu.memory_space<vmem_shared>> -> memref<6272xf32, #tpu.memory_space<vmem_shared>>
        tpu.enqueue_dma source(%arg8 : memref<6272xf32, #tpu.memory_space<vmem>>) target(%dma_start3A_79 : memref<6272xf32, #tpu.memory_space<vmem_shared>>) target_semaphore(%run_scoped3A : memref<!tpu.dma_semaphore, #tpu.memory_space<semaphore_mem>>)
        %dma_wait3A = tpu.memref_slice %arg17[%mul3A_22] : memref<100352xf32, #tpu.memory_space<vmem_shared>> -> memref<6272xf32, #tpu.memory_space<vmem_shared>>
        %dma_wait3A_80 = tpu.memref_slice %arg17[%mul3A_22] : memref<100352xf32, #tpu.memory_space<vmem_shared>> -> memref<6272xf32, #tpu.memory_space<vmem_shared>>
        tpu.wait_dma2 semaphore(%run_scoped3A : memref<!tpu.dma_semaphore, #tpu.memory_space<semaphore_mem>>) src(%arg8 : memref<6272xf32, #tpu.memory_space<vmem>>) dst(%dma_wait3A_80 : memref<6272xf32, #tpu.memory_space<vmem_shared>>)
        tpu.yield
      }) : () -> ()
      %add3A_23 = arith.constant 1 : i32
      %add3A_24 = arith.addi %mul3A_14, %add3A_23 : i32
      %mul3A_25 = arith.constant 6272 : i32
      %mul3A_26 = arith.muli %arg1, %mul3A_25 : i32
      %mul3A_27 = arith.constant 6272 : i32
      %mul3A_28 = arith.muli %arg1, %mul3A_27 : i32
      "tpu.region"() ({
        %run_scoped3A = tpu.sem_alloc : memref<!tpu.dma_semaphore, #tpu.memory_space<semaphore_mem>>
        %dma_start3A = tpu.memref_slice %arg14[%mul3A_28] : memref<100352xf32, #tpu.memory_space<vmem_shared>> -> memref<6272xf32, #tpu.memory_space<vmem_shared>>
        %dma_start3A_79 = tpu.memref_slice %arg4[%add3A_24, %mul3A_26] : memref<1024x100352xf32, #tpu.memory_space<hbm>> -> memref<1x6272xf32, #tpu.memory_space<hbm>>
        %dma_start3A_80 = tpu.memref_squeeze %dma_start3A_79 : memref<1x6272xf32, #tpu.memory_space<hbm>> -> memref<6272xf32, #tpu.memory_space<hbm>>
        tpu.enqueue_dma source(%dma_start3A_80 : memref<6272xf32, #tpu.memory_space<hbm>>) target(%dma_start3A : memref<6272xf32, #tpu.memory_space<vmem_shared>>) target_semaphore(%run_scoped3A : memref<!tpu.dma_semaphore, #tpu.memory_space<semaphore_mem>>)
        %dma_wait3A = tpu.memref_slice %arg14[%mul3A_28] : memref<100352xf32, #tpu.memory_space<vmem_shared>> -> memref<6272xf32, #tpu.memory_space<vmem_shared>>
        %dma_wait3A_81 = tpu.memref_slice %arg4[%add3A_24, %mul3A_26] : memref<1024x100352xf32, #tpu.memory_space<hbm>> -> memref<1x6272xf32, #tpu.memory_space<hbm>>
        %dma_wait3A_82 = tpu.memref_squeeze %dma_wait3A_81 : memref<1x6272xf32, #tpu.memory_space<hbm>> -> memref<6272xf32, #tpu.memory_space<hbm>>
        tpu.wait_dma2 semaphore(%run_scoped3A : memref<!tpu.dma_semaphore, #tpu.memory_space<semaphore_mem>>) src(%dma_wait3A_82 : memref<6272xf32, #tpu.memory_space<hbm>>) dst(%dma_wait3A : memref<6272xf32, #tpu.memory_space<vmem_shared>>)
        tpu.yield
      }) : () -> ()
      %mul3A_29 = arith.constant 6272 : i32
      %mul3A_30 = arith.muli %arg1, %mul3A_29 : i32
      "tpu.region"() ({
        %run_scoped3A = tpu.sem_alloc : memref<!tpu.dma_semaphore, #tpu.memory_space<semaphore_mem>>
        %dma_start3A = tpu.memref_slice %arg18[%mul3A_30] : memref<100352xf32, #tpu.memory_space<vmem_shared>> -> memref<6272xf32, #tpu.memory_space<vmem_shared>>
        %dma_start3A_79 = tpu.memref_slice %arg18[%mul3A_30] : memref<100352xf32, #tpu.memory_space<vmem_shared>> -> memref<6272xf32, #tpu.memory_space<vmem_shared>>
        tpu.enqueue_dma source(%arg8 : memref<6272xf32, #tpu.memory_space<vmem>>) target(%dma_start3A_79 : memref<6272xf32, #tpu.memory_space<vmem_shared>>) target_semaphore(%run_scoped3A : memref<!tpu.dma_semaphore, #tpu.memory_space<semaphore_mem>>)
        %dma_wait3A = tpu.memref_slice %arg18[%mul3A_30] : memref<100352xf32, #tpu.memory_space<vmem_shared>> -> memref<6272xf32, #tpu.memory_space<vmem_shared>>
        %dma_wait3A_80 = tpu.memref_slice %arg18[%mul3A_30] : memref<100352xf32, #tpu.memory_space<vmem_shared>> -> memref<6272xf32, #tpu.memory_space<vmem_shared>>
        tpu.wait_dma2 semaphore(%run_scoped3A : memref<!tpu.dma_semaphore, #tpu.memory_space<semaphore_mem>>) src(%arg8 : memref<6272xf32, #tpu.memory_space<vmem>>) dst(%dma_wait3A_80 : memref<6272xf32, #tpu.memory_space<vmem_shared>>)
        tpu.yield
      }) : () -> ()
      %add3A_31 = arith.constant 2 : i32
      %add3A_32 = arith.addi %mul3A_14, %add3A_31 : i32
      %mul3A_33 = arith.constant 6272 : i32
      %mul3A_34 = arith.muli %arg1, %mul3A_33 : i32
      %mul3A_35 = arith.constant 6272 : i32
      %mul3A_36 = arith.muli %arg1, %mul3A_35 : i32
      "tpu.region"() ({
        %run_scoped3A = tpu.sem_alloc : memref<!tpu.dma_semaphore, #tpu.memory_space<semaphore_mem>>
        %dma_start3A = tpu.memref_slice %arg15[%mul3A_36] : memref<100352xf32, #tpu.memory_space<vmem_shared>> -> memref<6272xf32, #tpu.memory_space<vmem_shared>>
        %dma_start3A_79 = tpu.memref_slice %arg4[%add3A_32, %mul3A_34] : memref<1024x100352xf32, #tpu.memory_space<hbm>> -> memref<1x6272xf32, #tpu.memory_space<hbm>>
        %dma_start3A_80 = tpu.memref_squeeze %dma_start3A_79 : memref<1x6272xf32, #tpu.memory_space<hbm>> -> memref<6272xf32, #tpu.memory_space<hbm>>
        tpu.enqueue_dma source(%dma_start3A_80 : memref<6272xf32, #tpu.memory_space<hbm>>) target(%dma_start3A : memref<6272xf32, #tpu.memory_space<vmem_shared>>) target_semaphore(%run_scoped3A : memref<!tpu.dma_semaphore, #tpu.memory_space<semaphore_mem>>)
        %dma_wait3A = tpu.memref_slice %arg15[%mul3A_36] : memref<100352xf32, #tpu.memory_space<vmem_shared>> -> memref<6272xf32, #tpu.memory_space<vmem_shared>>
        %dma_wait3A_81 = tpu.memref_slice %arg4[%add3A_32, %mul3A_34] : memref<1024x100352xf32, #tpu.memory_space<hbm>> -> memref<1x6272xf32, #tpu.memory_space<hbm>>
        %dma_wait3A_82 = tpu.memref_squeeze %dma_wait3A_81 : memref<1x6272xf32, #tpu.memory_space<hbm>> -> memref<6272xf32, #tpu.memory_space<hbm>>
        tpu.wait_dma2 semaphore(%run_scoped3A : memref<!tpu.dma_semaphore, #tpu.memory_space<semaphore_mem>>) src(%dma_wait3A_82 : memref<6272xf32, #tpu.memory_space<hbm>>) dst(%dma_wait3A : memref<6272xf32, #tpu.memory_space<vmem_shared>>)
        tpu.yield
      }) : () -> ()
      %mul3A_37 = arith.constant 6272 : i32
      %mul3A_38 = arith.muli %arg1, %mul3A_37 : i32
      "tpu.region"() ({
        %run_scoped3A = tpu.sem_alloc : memref<!tpu.dma_semaphore, #tpu.memory_space<semaphore_mem>>
        %dma_start3A = tpu.memref_slice %arg19[%mul3A_38] : memref<100352xf32, #tpu.memory_space<vmem_shared>> -> memref<6272xf32, #tpu.memory_space<vmem_shared>>
        %dma_start3A_79 = tpu.memref_slice %arg19[%mul3A_38] : memref<100352xf32, #tpu.memory_space<vmem_shared>> -> memref<6272xf32, #tpu.memory_space<vmem_shared>>
        tpu.enqueue_dma source(%arg8 : memref<6272xf32, #tpu.memory_space<vmem>>) target(%dma_start3A_79 : memref<6272xf32, #tpu.memory_space<vmem_shared>>) target_semaphore(%run_scoped3A : memref<!tpu.dma_semaphore, #tpu.memory_space<semaphore_mem>>)
        %dma_wait3A = tpu.memref_slice %arg19[%mul3A_38] : memref<100352xf32, #tpu.memory_space<vmem_shared>> -> memref<6272xf32, #tpu.memory_space<vmem_shared>>
        %dma_wait3A_80 = tpu.memref_slice %arg19[%mul3A_38] : memref<100352xf32, #tpu.memory_space<vmem_shared>> -> memref<6272xf32, #tpu.memory_space<vmem_shared>>
        tpu.wait_dma2 semaphore(%run_scoped3A : memref<!tpu.dma_semaphore, #tpu.memory_space<semaphore_mem>>) src(%arg8 : memref<6272xf32, #tpu.memory_space<vmem>>) dst(%dma_wait3A_80 : memref<6272xf32, #tpu.memory_space<vmem_shared>>)
        tpu.yield
      }) : () -> ()
      %add3A_39 = arith.constant 3 : i32
      %add3A_40 = arith.addi %mul3A_14, %add3A_39 : i32
      %mul3A_41 = arith.constant 6272 : i32
      %mul3A_42 = arith.muli %arg1, %mul3A_41 : i32
      %mul3A_43 = arith.constant 6272 : i32
      %mul3A_44 = arith.muli %arg1, %mul3A_43 : i32
      "tpu.region"() ({
        %run_scoped3A = tpu.sem_alloc : memref<!tpu.dma_semaphore, #tpu.memory_space<semaphore_mem>>
        %dma_start3A = tpu.memref_slice %arg16[%mul3A_44] : memref<100352xf32, #tpu.memory_space<vmem_shared>> -> memref<6272xf32, #tpu.memory_space<vmem_shared>>
        %dma_start3A_79 = tpu.memref_slice %arg4[%add3A_40, %mul3A_42] : memref<1024x100352xf32, #tpu.memory_space<hbm>> -> memref<1x6272xf32, #tpu.memory_space<hbm>>
        %dma_start3A_80 = tpu.memref_squeeze %dma_start3A_79 : memref<1x6272xf32, #tpu.memory_space<hbm>> -> memref<6272xf32, #tpu.memory_space<hbm>>
        tpu.enqueue_dma source(%dma_start3A_80 : memref<6272xf32, #tpu.memory_space<hbm>>) target(%dma_start3A : memref<6272xf32, #tpu.memory_space<vmem_shared>>) target_semaphore(%run_scoped3A : memref<!tpu.dma_semaphore, #tpu.memory_space<semaphore_mem>>)
        %dma_wait3A = tpu.memref_slice %arg16[%mul3A_44] : memref<100352xf32, #tpu.memory_space<vmem_shared>> -> memref<6272xf32, #tpu.memory_space<vmem_shared>>
        %dma_wait3A_81 = tpu.memref_slice %arg4[%add3A_40, %mul3A_42] : memref<1024x100352xf32, #tpu.memory_space<hbm>> -> memref<1x6272xf32, #tpu.memory_space<hbm>>
        %dma_wait3A_82 = tpu.memref_squeeze %dma_wait3A_81 : memref<1x6272xf32, #tpu.memory_space<hbm>> -> memref<6272xf32, #tpu.memory_space<hbm>>
        tpu.wait_dma2 semaphore(%run_scoped3A : memref<!tpu.dma_semaphore, #tpu.memory_space<semaphore_mem>>) src(%dma_wait3A_82 : memref<6272xf32, #tpu.memory_space<hbm>>) dst(%dma_wait3A : memref<6272xf32, #tpu.memory_space<vmem_shared>>)
        tpu.yield
      }) : () -> ()
      %mul3A_45 = arith.constant 6272 : i32
      %mul3A_46 = arith.muli %arg1, %mul3A_45 : i32
      "tpu.region"() ({
        %run_scoped3A = tpu.sem_alloc : memref<!tpu.dma_semaphore, #tpu.memory_space<semaphore_mem>>
        %dma_start3A = tpu.memref_slice %arg20[%mul3A_46] : memref<100352xf32, #tpu.memory_space<vmem_shared>> -> memref<6272xf32, #tpu.memory_space<vmem_shared>>
        %dma_start3A_79 = tpu.memref_slice %arg20[%mul3A_46] : memref<100352xf32, #tpu.memory_space<vmem_shared>> -> memref<6272xf32, #tpu.memory_space<vmem_shared>>
        tpu.enqueue_dma source(%arg8 : memref<6272xf32, #tpu.memory_space<vmem>>) target(%dma_start3A_79 : memref<6272xf32, #tpu.memory_space<vmem_shared>>) target_semaphore(%run_scoped3A : memref<!tpu.dma_semaphore, #tpu.memory_space<semaphore_mem>>)
        %dma_wait3A = tpu.memref_slice %arg20[%mul3A_46] : memref<100352xf32, #tpu.memory_space<vmem_shared>> -> memref<6272xf32, #tpu.memory_space<vmem_shared>>
        %dma_wait3A_80 = tpu.memref_slice %arg20[%mul3A_46] : memref<100352xf32, #tpu.memory_space<vmem_shared>> -> memref<6272xf32, #tpu.memory_space<vmem_shared>>
        tpu.wait_dma2 semaphore(%run_scoped3A : memref<!tpu.dma_semaphore, #tpu.memory_space<semaphore_mem>>) src(%arg8 : memref<6272xf32, #tpu.memory_space<vmem>>) dst(%dma_wait3A_80 : memref<6272xf32, #tpu.memory_space<vmem_shared>>)
        tpu.yield
      }) : () -> ()
      %barrier3A = arith.constant 0 : index
      tpu.barrier barrier_id(%barrier3A)
      %scan3A_47 = arith.constant 0 : i32
      %scan3A_48 = arith.constant 0 : i32
      %scan3A_49 = arith.constant 10 : i32
      %scan3A_50 = arith.addi %scan3A_48, %scan3A_49 : i32
      %scan3A_51 = arith.constant 1 : i32
      scf.for %scan3A_79 = %scan3A_48 to %scan3A_50 step %scan3A_51  : i32 {
        %mul3A_80 = arith.constant 100000 : i32
        %mul3A_81 = arith.muli %arg1, %mul3A_80 : i32
        %mul3A_82 = arith.constant 10000 : i32
        %mul3A_83 = arith.muli %scan3A_79, %mul3A_82 : i32
        %add3A_84 = arith.addi %mul3A_81, %mul3A_83 : i32
        "tpu.region"() ({
          %run_scoped3A = tpu.sem_alloc : memref<!tpu.dma_semaphore, #tpu.memory_space<semaphore_mem>>
          %dma_start3A_99 = tpu.memref_slice %arg2[%add3A_84] : memref<1600000xi32, #tpu.memory_space<hbm>> -> memref<10000xi32, #tpu.memory_space<hbm>>
          %dma_start3A_100 = tpu.memref_slice %arg2[%add3A_84] : memref<1600000xi32, #tpu.memory_space<hbm>> -> memref<10000xi32, #tpu.memory_space<hbm>>
          tpu.enqueue_dma source(%dma_start3A_100 : memref<10000xi32, #tpu.memory_space<hbm>>) target(%arg6 : memref<10000xi32, #tpu.memory_space<vmem>>) target_semaphore(%run_scoped3A : memref<!tpu.dma_semaphore, #tpu.memory_space<semaphore_mem>>)
          %dma_wait3A_101 = tpu.memref_slice %arg2[%add3A_84] : memref<1600000xi32, #tpu.memory_space<hbm>> -> memref<10000xi32, #tpu.memory_space<hbm>>
          %dma_wait3A_102 = tpu.memref_slice %arg2[%add3A_84] : memref<1600000xi32, #tpu.memory_space<hbm>> -> memref<10000xi32, #tpu.memory_space<hbm>>
          tpu.wait_dma2 semaphore(%run_scoped3A : memref<!tpu.dma_semaphore, #tpu.memory_space<semaphore_mem>>) src(%dma_wait3A_102 : memref<10000xi32, #tpu.memory_space<hbm>>) dst(%arg6 : memref<10000xi32, #tpu.memory_space<vmem>>)
          tpu.yield
        }) : () -> ()
        "tpu.region"() ({
          %run_scoped3A = tpu.sem_alloc : memref<!tpu.dma_semaphore, #tpu.memory_space<semaphore_mem>>
          %dma_start3A_99 = tpu.memref_slice %arg3[%add3A_84] : memref<1600000xi32, #tpu.memory_space<hbm>> -> memref<10000xi32, #tpu.memory_space<hbm>>
          %dma_start3A_100 = tpu.memref_slice %arg3[%add3A_84] : memref<1600000xi32, #tpu.memory_space<hbm>> -> memref<10000xi32, #tpu.memory_space<hbm>>
          tpu.enqueue_dma source(%dma_start3A_100 : memref<10000xi32, #tpu.memory_space<hbm>>) target(%arg7 : memref<10000xi32, #tpu.memory_space<vmem>>) target_semaphore(%run_scoped3A : memref<!tpu.dma_semaphore, #tpu.memory_space<semaphore_mem>>)
          %dma_wait3A_101 = tpu.memref_slice %arg3[%add3A_84] : memref<1600000xi32, #tpu.memory_space<hbm>> -> memref<10000xi32, #tpu.memory_space<hbm>>
          %dma_wait3A_102 = tpu.memref_slice %arg3[%add3A_84] : memref<1600000xi32, #tpu.memory_space<hbm>> -> memref<10000xi32, #tpu.memory_space<hbm>>
          tpu.wait_dma2 semaphore(%run_scoped3A : memref<!tpu.dma_semaphore, #tpu.memory_space<semaphore_mem>>) src(%dma_wait3A_102 : memref<10000xi32, #tpu.memory_space<hbm>>) dst(%arg7 : memref<10000xi32, #tpu.memory_space<vmem>>)
          tpu.yield
        }) : () -> ()
        %dma_start3A = arith.constant 0 : i32
        %dma_start3A_85 = tpu.memref_slice %arg13[%dma_start3A] : memref<100352xf32, #tpu.memory_space<vmem_shared>> -> memref<100352xf32, #tpu.memory_space<vmem_shared>>
        tpu.enqueue_indirect_dma source(%dma_start3A_85 : memref<100352xf32, #tpu.memory_space<vmem_shared>>) target(%arg9 : memref<10000xf32, #tpu.memory_space<vmem>>) offsets(%arg6 : memref<10000xi32, #tpu.memory_space<vmem>>) semaphore(%arg21 : memref<!tpu.dma_semaphore, #tpu.memory_space<semaphore_mem>>)
        %dma_start3A_86 = arith.constant 0 : i32
        %dma_start3A_87 = tpu.memref_slice %arg14[%dma_start3A_86] : memref<100352xf32, #tpu.memory_space<vmem_shared>> -> memref<100352xf32, #tpu.memory_space<vmem_shared>>
        tpu.enqueue_indirect_dma source(%dma_start3A_87 : memref<100352xf32, #tpu.memory_space<vmem_shared>>) target(%arg10 : memref<10000xf32, #tpu.memory_space<vmem>>) offsets(%arg6 : memref<10000xi32, #tpu.memory_space<vmem>>) semaphore(%arg22 : memref<!tpu.dma_semaphore, #tpu.memory_space<semaphore_mem>>)
        %dma_start3A_88 = arith.constant 0 : i32
        %dma_start3A_89 = tpu.memref_slice %arg15[%dma_start3A_88] : memref<100352xf32, #tpu.memory_space<vmem_shared>> -> memref<100352xf32, #tpu.memory_space<vmem_shared>>
        tpu.enqueue_indirect_dma source(%dma_start3A_89 : memref<100352xf32, #tpu.memory_space<vmem_shared>>) target(%arg11 : memref<10000xf32, #tpu.memory_space<vmem>>) offsets(%arg6 : memref<10000xi32, #tpu.memory_space<vmem>>) semaphore(%arg23 : memref<!tpu.dma_semaphore, #tpu.memory_space<semaphore_mem>>)
        %dma_start3A_90 = arith.constant 0 : i32
        %dma_start3A_91 = tpu.memref_slice %arg16[%dma_start3A_90] : memref<100352xf32, #tpu.memory_space<vmem_shared>> -> memref<100352xf32, #tpu.memory_space<vmem_shared>>
        tpu.enqueue_indirect_dma source(%dma_start3A_91 : memref<100352xf32, #tpu.memory_space<vmem_shared>>) target(%arg12 : memref<10000xf32, #tpu.memory_space<vmem>>) offsets(%arg6 : memref<10000xi32, #tpu.memory_space<vmem>>) semaphore(%arg24 : memref<!tpu.dma_semaphore, #tpu.memory_space<semaphore_mem>>)
        %dma_wait3A = arith.constant 0 : i32
        %dma_wait3A_92 = tpu.memref_slice %arg13[%dma_wait3A] : memref<100352xf32, #tpu.memory_space<vmem_shared>> -> memref<100352xf32, #tpu.memory_space<vmem_shared>>
        tpu.wait_indirect_dma semaphore(%arg21 : memref<!tpu.dma_semaphore, #tpu.memory_space<semaphore_mem>>) src(%dma_wait3A_92 : memref<100352xf32, #tpu.memory_space<vmem_shared>>) dst(%arg9 : memref<10000xf32, #tpu.memory_space<vmem>>)
        "tpu.region"() ({
          %run_scoped3A = tpu.sem_alloc : memref<!tpu.dma_semaphore, #tpu.memory_space<semaphore_mem>>
          %dma_start3A_99 = arith.constant 0 : i32
          %dma_start3A_100 = tpu.memref_slice %arg17[%dma_start3A_99] : memref<100352xf32, #tpu.memory_space<vmem_shared>> -> memref<100352xf32, #tpu.memory_space<vmem_shared>>
          tpu.enqueue_indirect_dma source(%arg9 : memref<10000xf32, #tpu.memory_space<vmem>>) target(%dma_start3A_100 : memref<100352xf32, #tpu.memory_space<vmem_shared>>) offsets(%arg7 : memref<10000xi32, #tpu.memory_space<vmem>>) semaphore(%run_scoped3A : memref<!tpu.dma_semaphore, #tpu.memory_space<semaphore_mem>>) {add = true}
          %dma_wait3A_101 = arith.constant 0 : i32
          %dma_wait3A_102 = tpu.memref_slice %arg17[%dma_wait3A_101] : memref<100352xf32, #tpu.memory_space<vmem_shared>> -> memref<100352xf32, #tpu.memory_space<vmem_shared>>
          tpu.wait_indirect_dma semaphore(%run_scoped3A : memref<!tpu.dma_semaphore, #tpu.memory_space<semaphore_mem>>) src(%arg9 : memref<10000xf32, #tpu.memory_space<vmem>>) dst(%dma_wait3A_102 : memref<100352xf32, #tpu.memory_space<vmem_shared>>)
          tpu.yield
        }) : () -> ()
        %dma_wait3A_93 = arith.constant 0 : i32
        %dma_wait3A_94 = tpu.memref_slice %arg14[%dma_wait3A_93] : memref<100352xf32, #tpu.memory_space<vmem_shared>> -> memref<100352xf32, #tpu.memory_space<vmem_shared>>
        tpu.wait_indirect_dma semaphore(%arg22 : memref<!tpu.dma_semaphore, #tpu.memory_space<semaphore_mem>>) src(%dma_wait3A_94 : memref<100352xf32, #tpu.memory_space<vmem_shared>>) dst(%arg10 : memref<10000xf32, #tpu.memory_space<vmem>>)
        "tpu.region"() ({
          %run_scoped3A = tpu.sem_alloc : memref<!tpu.dma_semaphore, #tpu.memory_space<semaphore_mem>>
          %dma_start3A_99 = arith.constant 0 : i32
          %dma_start3A_100 = tpu.memref_slice %arg18[%dma_start3A_99] : memref<100352xf32, #tpu.memory_space<vmem_shared>> -> memref<100352xf32, #tpu.memory_space<vmem_shared>>
          tpu.enqueue_indirect_dma source(%arg10 : memref<10000xf32, #tpu.memory_space<vmem>>) target(%dma_start3A_100 : memref<100352xf32, #tpu.memory_space<vmem_shared>>) offsets(%arg7 : memref<10000xi32, #tpu.memory_space<vmem>>) semaphore(%run_scoped3A : memref<!tpu.dma_semaphore, #tpu.memory_space<semaphore_mem>>) {add = true}
          %dma_wait3A_101 = arith.constant 0 : i32
          %dma_wait3A_102 = tpu.memref_slice %arg18[%dma_wait3A_101] : memref<100352xf32, #tpu.memory_space<vmem_shared>> -> memref<100352xf32, #tpu.memory_space<vmem_shared>>
          tpu.wait_indirect_dma semaphore(%run_scoped3A : memref<!tpu.dma_semaphore, #tpu.memory_space<semaphore_mem>>) src(%arg10 : memref<10000xf32, #tpu.memory_space<vmem>>) dst(%dma_wait3A_102 : memref<100352xf32, #tpu.memory_space<vmem_shared>>)
          tpu.yield
        }) : () -> ()
        %dma_wait3A_95 = arith.constant 0 : i32
        %dma_wait3A_96 = tpu.memref_slice %arg15[%dma_wait3A_95] : memref<100352xf32, #tpu.memory_space<vmem_shared>> -> memref<100352xf32, #tpu.memory_space<vmem_shared>>
        tpu.wait_indirect_dma semaphore(%arg23 : memref<!tpu.dma_semaphore, #tpu.memory_space<semaphore_mem>>) src(%dma_wait3A_96 : memref<100352xf32, #tpu.memory_space<vmem_shared>>) dst(%arg11 : memref<10000xf32, #tpu.memory_space<vmem>>)
        "tpu.region"() ({
          %run_scoped3A = tpu.sem_alloc : memref<!tpu.dma_semaphore, #tpu.memory_space<semaphore_mem>>
          %dma_start3A_99 = arith.constant 0 : i32
          %dma_start3A_100 = tpu.memref_slice %arg19[%dma_start3A_99] : memref<100352xf32, #tpu.memory_space<vmem_shared>> -> memref<100352xf32, #tpu.memory_space<vmem_shared>>
          tpu.enqueue_indirect_dma source(%arg11 : memref<10000xf32, #tpu.memory_space<vmem>>) target(%dma_start3A_100 : memref<100352xf32, #tpu.memory_space<vmem_shared>>) offsets(%arg7 : memref<10000xi32, #tpu.memory_space<vmem>>) semaphore(%run_scoped3A : memref<!tpu.dma_semaphore, #tpu.memory_space<semaphore_mem>>) {add = true}
          %dma_wait3A_101 = arith.constant 0 : i32
          %dma_wait3A_102 = tpu.memref_slice %arg19[%dma_wait3A_101] : memref<100352xf32, #tpu.memory_space<vmem_shared>> -> memref<100352xf32, #tpu.memory_space<vmem_shared>>
          tpu.wait_indirect_dma semaphore(%run_scoped3A : memref<!tpu.dma_semaphore, #tpu.memory_space<semaphore_mem>>) src(%arg11 : memref<10000xf32, #tpu.memory_space<vmem>>) dst(%dma_wait3A_102 : memref<100352xf32, #tpu.memory_space<vmem_shared>>)
          tpu.yield
        }) : () -> ()
        %dma_wait3A_97 = arith.constant 0 : i32
        %dma_wait3A_98 = tpu.memref_slice %arg16[%dma_wait3A_97] : memref<100352xf32, #tpu.memory_space<vmem_shared>> -> memref<100352xf32, #tpu.memory_space<vmem_shared>>
        tpu.wait_indirect_dma semaphore(%arg24 : memref<!tpu.dma_semaphore, #tpu.memory_space<semaphore_mem>>) src(%dma_wait3A_98 : memref<100352xf32, #tpu.memory_space<vmem_shared>>) dst(%arg12 : memref<10000xf32, #tpu.memory_space<vmem>>)
        "tpu.region"() ({
          %run_scoped3A = tpu.sem_alloc : memref<!tpu.dma_semaphore, #tpu.memory_space<semaphore_mem>>
          %dma_start3A_99 = arith.constant 0 : i32
          %dma_start3A_100 = tpu.memref_slice %arg20[%dma_start3A_99] : memref<100352xf32, #tpu.memory_space<vmem_shared>> -> memref<100352xf32, #tpu.memory_space<vmem_shared>>
          tpu.enqueue_indirect_dma source(%arg12 : memref<10000xf32, #tpu.memory_space<vmem>>) target(%dma_start3A_100 : memref<100352xf32, #tpu.memory_space<vmem_shared>>) offsets(%arg7 : memref<10000xi32, #tpu.memory_space<vmem>>) semaphore(%run_scoped3A : memref<!tpu.dma_semaphore, #tpu.memory_space<semaphore_mem>>) {add = true}
          %dma_wait3A_101 = arith.constant 0 : i32
          %dma_wait3A_102 = tpu.memref_slice %arg20[%dma_wait3A_101] : memref<100352xf32, #tpu.memory_space<vmem_shared>> -> memref<100352xf32, #tpu.memory_space<vmem_shared>>
          tpu.wait_indirect_dma semaphore(%run_scoped3A : memref<!tpu.dma_semaphore, #tpu.memory_space<semaphore_mem>>) src(%arg12 : memref<10000xf32, #tpu.memory_space<vmem>>) dst(%dma_wait3A_102 : memref<100352xf32, #tpu.memory_space<vmem_shared>>)
          tpu.yield
        }) : () -> ()
      }
      %scan3A_52 = arith.constant 10 : i32
      %barrier3A_53 = arith.constant 0 : index
      tpu.barrier barrier_id(%barrier3A_53)
      %mul3A_54 = arith.constant 6272 : i32
      %mul3A_55 = arith.muli %arg1, %mul3A_54 : i32
      %add3A_56 = arith.constant 0 : i32
      %add3A_57 = arith.addi %mul3A_14, %add3A_56 : i32
      %mul3A_58 = arith.constant 6272 : i32
      %mul3A_59 = arith.muli %arg1, %mul3A_58 : i32
      "tpu.region"() ({
        %run_scoped3A = tpu.sem_alloc : memref<!tpu.dma_semaphore, #tpu.memory_space<semaphore_mem>>
        %dma_start3A = tpu.memref_slice %arg5[%add3A_57, %mul3A_59] : memref<1024x100352xf32, #tpu.memory_space<hbm>> -> memref<1x6272xf32, #tpu.memory_space<hbm>>
        %dma_start3A_79 = tpu.memref_squeeze %dma_start3A : memref<1x6272xf32, #tpu.memory_space<hbm>> -> memref<6272xf32, #tpu.memory_space<hbm>>
        %dma_start3A_80 = tpu.memref_slice %arg17[%mul3A_55] : memref<100352xf32, #tpu.memory_space<vmem_shared>> -> memref<6272xf32, #tpu.memory_space<vmem_shared>>
        tpu.enqueue_dma source(%dma_start3A_80 : memref<6272xf32, #tpu.memory_space<vmem_shared>>) target(%dma_start3A_79 : memref<6272xf32, #tpu.memory_space<hbm>>) target_semaphore(%run_scoped3A : memref<!tpu.dma_semaphore, #tpu.memory_space<semaphore_mem>>)
        %dma_wait3A = tpu.memref_slice %arg5[%add3A_57, %mul3A_59] : memref<1024x100352xf32, #tpu.memory_space<hbm>> -> memref<1x6272xf32, #tpu.memory_space<hbm>>
        %dma_wait3A_81 = tpu.memref_squeeze %dma_wait3A : memref<1x6272xf32, #tpu.memory_space<hbm>> -> memref<6272xf32, #tpu.memory_space<hbm>>
        %dma_wait3A_82 = tpu.memref_slice %arg17[%mul3A_55] : memref<100352xf32, #tpu.memory_space<vmem_shared>> -> memref<6272xf32, #tpu.memory_space<vmem_shared>>
        tpu.wait_dma2 semaphore(%run_scoped3A : memref<!tpu.dma_semaphore, #tpu.memory_space<semaphore_mem>>) src(%dma_wait3A_82 : memref<6272xf32, #tpu.memory_space<vmem_shared>>) dst(%dma_wait3A_81 : memref<6272xf32, #tpu.memory_space<hbm>>)
        tpu.yield
      }) : () -> ()
      %mul3A_60 = arith.constant 6272 : i32
      %mul3A_61 = arith.muli %arg1, %mul3A_60 : i32
      %add3A_62 = arith.constant 1 : i32
      %add3A_63 = arith.addi %mul3A_14, %add3A_62 : i32
      %mul3A_64 = arith.constant 6272 : i32
      %mul3A_65 = arith.muli %arg1, %mul3A_64 : i32
      "tpu.region"() ({
        %run_scoped3A = tpu.sem_alloc : memref<!tpu.dma_semaphore, #tpu.memory_space<semaphore_mem>>
        %dma_start3A = tpu.memref_slice %arg5[%add3A_63, %mul3A_65] : memref<1024x100352xf32, #tpu.memory_space<hbm>> -> memref<1x6272xf32, #tpu.memory_space<hbm>>
        %dma_start3A_79 = tpu.memref_squeeze %dma_start3A : memref<1x6272xf32, #tpu.memory_space<hbm>> -> memref<6272xf32, #tpu.memory_space<hbm>>
        %dma_start3A_80 = tpu.memref_slice %arg18[%mul3A_61] : memref<100352xf32, #tpu.memory_space<vmem_shared>> -> memref<6272xf32, #tpu.memory_space<vmem_shared>>
        tpu.enqueue_dma source(%dma_start3A_80 : memref<6272xf32, #tpu.memory_space<vmem_shared>>) target(%dma_start3A_79 : memref<6272xf32, #tpu.memory_space<hbm>>) target_semaphore(%run_scoped3A : memref<!tpu.dma_semaphore, #tpu.memory_space<semaphore_mem>>)
        %dma_wait3A = tpu.memref_slice %arg5[%add3A_63, %mul3A_65] : memref<1024x100352xf32, #tpu.memory_space<hbm>> -> memref<1x6272xf32, #tpu.memory_space<hbm>>
        %dma_wait3A_81 = tpu.memref_squeeze %dma_wait3A : memref<1x6272xf32, #tpu.memory_space<hbm>> -> memref<6272xf32, #tpu.memory_space<hbm>>
        %dma_wait3A_82 = tpu.memref_slice %arg18[%mul3A_61] : memref<100352xf32, #tpu.memory_space<vmem_shared>> -> memref<6272xf32, #tpu.memory_space<vmem_shared>>
        tpu.wait_dma2 semaphore(%run_scoped3A : memref<!tpu.dma_semaphore, #tpu.memory_space<semaphore_mem>>) src(%dma_wait3A_82 : memref<6272xf32, #tpu.memory_space<vmem_shared>>) dst(%dma_wait3A_81 : memref<6272xf32, #tpu.memory_space<hbm>>)
        tpu.yield
      }) : () -> ()
      %mul3A_66 = arith.constant 6272 : i32
      %mul3A_67 = arith.muli %arg1, %mul3A_66 : i32
      %add3A_68 = arith.constant 2 : i32
      %add3A_69 = arith.addi %mul3A_14, %add3A_68 : i32
      %mul3A_70 = arith.constant 6272 : i32
      %mul3A_71 = arith.muli %arg1, %mul3A_70 : i32
      "tpu.region"() ({
        %run_scoped3A = tpu.sem_alloc : memref<!tpu.dma_semaphore, #tpu.memory_space<semaphore_mem>>
        %dma_start3A = tpu.memref_slice %arg5[%add3A_69, %mul3A_71] : memref<1024x100352xf32, #tpu.memory_space<hbm>> -> memref<1x6272xf32, #tpu.memory_space<hbm>>
        %dma_start3A_79 = tpu.memref_squeeze %dma_start3A : memref<1x6272xf32, #tpu.memory_space<hbm>> -> memref<6272xf32, #tpu.memory_space<hbm>>
        %dma_start3A_80 = tpu.memref_slice %arg19[%mul3A_67] : memref<100352xf32, #tpu.memory_space<vmem_shared>> -> memref<6272xf32, #tpu.memory_space<vmem_shared>>
        tpu.enqueue_dma source(%dma_start3A_80 : memref<6272xf32, #tpu.memory_space<vmem_shared>>) target(%dma_start3A_79 : memref<6272xf32, #tpu.memory_space<hbm>>) target_semaphore(%run_scoped3A : memref<!tpu.dma_semaphore, #tpu.memory_space<semaphore_mem>>)
        %dma_wait3A = tpu.memref_slice %arg5[%add3A_69, %mul3A_71] : memref<1024x100352xf32, #tpu.memory_space<hbm>> -> memref<1x6272xf32, #tpu.memory_space<hbm>>
        %dma_wait3A_81 = tpu.memref_squeeze %dma_wait3A : memref<1x6272xf32, #tpu.memory_space<hbm>> -> memref<6272xf32, #tpu.memory_space<hbm>>
        %dma_wait3A_82 = tpu.memref_slice %arg19[%mul3A_67] : memref<100352xf32, #tpu.memory_space<vmem_shared>> -> memref<6272xf32, #tpu.memory_space<vmem_shared>>
        tpu.wait_dma2 semaphore(%run_scoped3A : memref<!tpu.dma_semaphore, #tpu.memory_space<semaphore_mem>>) src(%dma_wait3A_82 : memref<6272xf32, #tpu.memory_space<vmem_shared>>) dst(%dma_wait3A_81 : memref<6272xf32, #tpu.memory_space<hbm>>)
        tpu.yield
      }) : () -> ()
      %mul3A_72 = arith.constant 6272 : i32
      %mul3A_73 = arith.muli %arg1, %mul3A_72 : i32
      %add3A_74 = arith.constant 3 : i32
      %add3A_75 = arith.addi %mul3A_14, %add3A_74 : i32
      %mul3A_76 = arith.constant 6272 : i32
      %mul3A_77 = arith.muli %arg1, %mul3A_76 : i32
      "tpu.region"() ({
        %run_scoped3A = tpu.sem_alloc : memref<!tpu.dma_semaphore, #tpu.memory_space<semaphore_mem>>
        %dma_start3A = tpu.memref_slice %arg5[%add3A_75, %mul3A_77] : memref<1024x100352xf32, #tpu.memory_space<hbm>> -> memref<1x6272xf32, #tpu.memory_space<hbm>>
        %dma_start3A_79 = tpu.memref_squeeze %dma_start3A : memref<1x6272xf32, #tpu.memory_space<hbm>> -> memref<6272xf32, #tpu.memory_space<hbm>>
        %dma_start3A_80 = tpu.memref_slice %arg20[%mul3A_73] : memref<100352xf32, #tpu.memory_space<vmem_shared>> -> memref<6272xf32, #tpu.memory_space<vmem_shared>>
        tpu.enqueue_dma source(%dma_start3A_80 : memref<6272xf32, #tpu.memory_space<vmem_shared>>) target(%dma_start3A_79 : memref<6272xf32, #tpu.memory_space<hbm>>) target_semaphore(%run_scoped3A : memref<!tpu.dma_semaphore, #tpu.memory_space<semaphore_mem>>)
        %dma_wait3A = tpu.memref_slice %arg5[%add3A_75, %mul3A_77] : memref<1024x100352xf32, #tpu.memory_space<hbm>> -> memref<1x6272xf32, #tpu.memory_space<hbm>>
        %dma_wait3A_81 = tpu.memref_squeeze %dma_wait3A : memref<1x6272xf32, #tpu.memory_space<hbm>> -> memref<6272xf32, #tpu.memory_space<hbm>>
        %dma_wait3A_82 = tpu.memref_slice %arg20[%mul3A_73] : memref<100352xf32, #tpu.memory_space<vmem_shared>> -> memref<6272xf32, #tpu.memory_space<vmem_shared>>
        tpu.wait_dma2 semaphore(%run_scoped3A : memref<!tpu.dma_semaphore, #tpu.memory_space<semaphore_mem>>) src(%dma_wait3A_82 : memref<6272xf32, #tpu.memory_space<vmem_shared>>) dst(%dma_wait3A_81 : memref<6272xf32, #tpu.memory_space<hbm>>)
        tpu.yield
      }) : () -> ()
      %barrier3A_78 = arith.constant 0 : index
      tpu.barrier barrier_id(%barrier3A_78)
    }
    %scan3A_10 = arith.constant 128 : i32
    return
  }
}

#map = affine_map<(d0, d1) -> (0)>
#map1 = affine_map<(d0, d1) -> (0, 0)>
module attributes {stable_mosaic.version = 14 : i64} {
  func.func @body(%arg0: i32, %arg1: i32, %arg2: memref<1600000xi32, #tpu.memory_space<hbm>>, %arg3: memref<1600000xi32, #tpu.memory_space<hbm>>, %arg4: memref<48x100352xf32, #tpu.memory_space<hbm>>, %arg5: memref<48x100352xf32, #tpu.memory_space<hbm>>, %arg6: memref<10000xi32, #tpu.memory_space<vmem>>, %arg7: memref<10000xi32, #tpu.memory_space<vmem>>, %arg8: memref<6272xf32, #tpu.memory_space<vmem>>, %arg9: memref<10000xf32, #tpu.memory_space<vmem>>, %arg10: memref<10000xf32, #tpu.memory_space<vmem>>, %arg11: memref<10000xf32, #tpu.memory_space<vmem>>, %arg12: memref<10000xf32, #tpu.memory_space<vmem>>, %arg13: memref<100352xf32, #tpu.memory_space<vmem_shared>>, %arg14: memref<100352xf32, #tpu.memory_space<vmem_shared>>, %arg15: memref<100352xf32, #tpu.memory_space<vmem_shared>>, %arg16: memref<100352xf32, #tpu.memory_space<vmem_shared>>, %arg17: memref<100352xf32, #tpu.memory_space<vmem_shared>>, %arg18: memref<100352xf32, #tpu.memory_space<vmem_shared>>, %arg19: memref<100352xf32, #tpu.memory_space<vmem_shared>>, %arg20: memref<100352xf32, #tpu.memory_space<vmem_shared>>, %arg21: memref<!tpu.dma_semaphore, #tpu.memory_space<semaphore_mem>>, %arg22: memref<!tpu.dma_semaphore, #tpu.memory_space<semaphore_mem>>, %arg23: memref<!tpu.dma_semaphore, #tpu.memory_space<semaphore_mem>>, %arg24: memref<!tpu.dma_semaphore, #tpu.memory_space<semaphore_mem>>) attributes {dimension_semantics = [#tpu.dimension_semantics<core_parallel>, #tpu.dimension_semantics<subcore_parallel>], iteration_bounds = array<i64: 2, 16>, scalar_prefetch = 0 : i64, scratch_operands = 19 : i64, tpu.core_type = #tpu.core_type<sc_vector_subcore>, window_params = [{transform_indices = #map}, {transform_indices = #map}, {transform_indices = #map1}, {transform_indices = #map1}]} {
    %scan3A = arith.constant 0 : i32
    %scan3A_0 = arith.constant 0 : i32
    %scan3A_1 = arith.constant 392 : i32
    %scan3A_2 = arith.addi %scan3A_0, %scan3A_1 : i32
    %scan3A_3 = arith.constant 1 : i32
    scf.for %scan3A_11 = %scan3A_0 to %scan3A_2 step %scan3A_3  : i32 {
      %broadcast_in_dim3A = arith.constant 0.000000e+00 : f32
      %broadcast_in_dim3A_12 = vector.broadcast %broadcast_in_dim3A : f32 to vector<16xf32>
      %mul3A = arith.constant 16 : i32
      %mul3A_13 = arith.muli %scan3A_11, %mul3A : i32
      %swap3A = arith.index_cast %mul3A_13 : i32 to index
      %swap3A_14 = tpu.vector_load %arg8[%swap3A] {strides = array<i32>} : memref<6272xf32, #tpu.memory_space<vmem>>, vector<16xf32>,
      tpu.vector_store %arg8[%swap3A], %broadcast_in_dim3A_12 {strides = array<i32>} : memref<6272xf32, #tpu.memory_space<vmem>>, vector<16xf32>,
    }
    %scan3A_4 = arith.constant 392 : i32
    %scan3A_5 = arith.constant 0 : i32
    %scan3A_6 = arith.constant 0 : i32
    %scan3A_7 = arith.constant 6 : i32
    %scan3A_8 = arith.addi %scan3A_6, %scan3A_7 : i32
    %scan3A_9 = arith.constant 1 : i32
    scf.for %scan3A_11 = %scan3A_6 to %scan3A_8 step %scan3A_9  : i32 {
      %mul3A = arith.constant 2 : i32
      %mul3A_12 = arith.muli %scan3A_11, %mul3A : i32
      %add3A = arith.addi %mul3A_12, %arg0 : i32
      %mul3A_13 = arith.constant 4 : i32
      %mul3A_14 = arith.muli %add3A, %mul3A_13 : i32
      %add3A_15 = arith.constant 0 : i32
      %add3A_16 = arith.addi %mul3A_14, %add3A_15 : i32
      %mul3A_17 = arith.constant 6272 : i32
      %mul3A_18 = arith.muli %arg1, %mul3A_17 : i32
      %mul3A_19 = arith.constant 6272 : i32
      %mul3A_20 = arith.muli %arg1, %mul3A_19 : i32
      "tpu.region"() ({
        %run_scoped3A = tpu.sem_alloc : memref<!tpu.dma_semaphore, #tpu.memory_space<semaphore_mem>>
        %dma_start3A = tpu.memref_slice %arg13[%mul3A_20] : memref<100352xf32, #tpu.memory_space<vmem_shared>> -> memref<6272xf32, #tpu.memory_space<vmem_shared>>
        %dma_start3A_79 = tpu.memref_slice %arg4[%add3A_16, %mul3A_18] : memref<48x100352xf32, #tpu.memory_space<hbm>> -> memref<1x6272xf32, #tpu.memory_space<hbm>>
        %dma_start3A_80 = tpu.memref_squeeze %dma_start3A_79 : memref<1x6272xf32, #tpu.memory_space<hbm>> -> memref<6272xf32, #tpu.memory_space<hbm>>
        tpu.enqueue_dma source(%dma_start3A_80 : memref<6272xf32, #tpu.memory_space<hbm>>) target(%dma_start3A : memref<6272xf32, #tpu.memory_space<vmem_shared>>) target_semaphore(%run_scoped3A : memref<!tpu.dma_semaphore, #tpu.memory_space<semaphore_mem>>)
        %dma_wait3A = tpu.memref_slice %arg13[%mul3A_20] : memref<100352xf32, #tpu.memory_space<vmem_shared>> -> memref<6272xf32, #tpu.memory_space<vmem_shared>>
        %dma_wait3A_81 = tpu.memref_slice %arg4[%add3A_16, %mul3A_18] : memref<48x100352xf32, #tpu.memory_space<hbm>> -> memref<1x6272xf32, #tpu.memory_space<hbm>>
        %dma_wait3A_82 = tpu.memref_squeeze %dma_wait3A_81 : memref<1x6272xf32, #tpu.memory_space<hbm>> -> memref<6272xf32, #tpu.memory_space<hbm>>
        tpu.wait_dma2 semaphore(%run_scoped3A : memref<!tpu.dma_semaphore, #tpu.memory_space<semaphore_mem>>) src(%dma_wait3A_82 : memref<6272xf32, #tpu.memory_space<hbm>>) dst(%dma_wait3A : memref<6272xf32, #tpu.memory_space<vmem_shared>>)
        tpu.yield
      }) : () -> ()
      %mul3A_21 = arith.constant 6272 : i32
      %mul3A_22 = arith.muli %arg1, %mul3A_21 : i32
      "tpu.region"() ({
        %run_scoped3A = tpu.sem_alloc : memref<!tpu.dma_semaphore, #tpu.memory_space<semaphore_mem>>
        %dma_start3A = tpu.memref_slice %arg17[%mul3A_22] : memref<100352xf32, #tpu.memory_space<vmem_shared>> -> memref<6272xf32, #tpu.memory_space<vmem_shared>>
        %dma_start3A_79 = tpu.memref_slice %arg17[%mul3A_22] : memref<100352xf32, #tpu.memory_space<vmem_shared>> -> memref<6272xf32, #tpu.memory_space<vmem_shared>>
        tpu.enqueue_dma source(%arg8 : memref<6272xf32, #tpu.memory_space<vmem>>) target(%dma_start3A_79 : memref<6272xf32, #tpu.memory_space<vmem_shared>>) target_semaphore(%run_scoped3A : memref<!tpu.dma_semaphore, #tpu.memory_space<semaphore_mem>>)
        %dma_wait3A = tpu.memref_slice %arg17[%mul3A_22] : memref<100352xf32, #tpu.memory_space<vmem_shared>> -> memref<6272xf32, #tpu.memory_space<vmem_shared>>
        %dma_wait3A_80 = tpu.memref_slice %arg17[%mul3A_22] : memref<100352xf32, #tpu.memory_space<vmem_shared>> -> memref<6272xf32, #tpu.memory_space<vmem_shared>>
        tpu.wait_dma2 semaphore(%run_scoped3A : memref<!tpu.dma_semaphore, #tpu.memory_space<semaphore_mem>>) src(%arg8 : memref<6272xf32, #tpu.memory_space<vmem>>) dst(%dma_wait3A_80 : memref<6272xf32, #tpu.memory_space<vmem_shared>>)
        tpu.yield
      }) : () -> ()
      %add3A_23 = arith.constant 1 : i32
      %add3A_24 = arith.addi %mul3A_14, %add3A_23 : i32
      %mul3A_25 = arith.constant 6272 : i32
      %mul3A_26 = arith.muli %arg1, %mul3A_25 : i32
      %mul3A_27 = arith.constant 6272 : i32
      %mul3A_28 = arith.muli %arg1, %mul3A_27 : i32
      "tpu.region"() ({
        %run_scoped3A = tpu.sem_alloc : memref<!tpu.dma_semaphore, #tpu.memory_space<semaphore_mem>>
        %dma_start3A = tpu.memref_slice %arg14[%mul3A_28] : memref<100352xf32, #tpu.memory_space<vmem_shared>> -> memref<6272xf32, #tpu.memory_space<vmem_shared>>
        %dma_start3A_79 = tpu.memref_slice %arg4[%add3A_24, %mul3A_26] : memref<48x100352xf32, #tpu.memory_space<hbm>> -> memref<1x6272xf32, #tpu.memory_space<hbm>>
        %dma_start3A_80 = tpu.memref_squeeze %dma_start3A_79 : memref<1x6272xf32, #tpu.memory_space<hbm>> -> memref<6272xf32, #tpu.memory_space<hbm>>
        tpu.enqueue_dma source(%dma_start3A_80 : memref<6272xf32, #tpu.memory_space<hbm>>) target(%dma_start3A : memref<6272xf32, #tpu.memory_space<vmem_shared>>) target_semaphore(%run_scoped3A : memref<!tpu.dma_semaphore, #tpu.memory_space<semaphore_mem>>)
        %dma_wait3A = tpu.memref_slice %arg14[%mul3A_28] : memref<100352xf32, #tpu.memory_space<vmem_shared>> -> memref<6272xf32, #tpu.memory_space<vmem_shared>>
        %dma_wait3A_81 = tpu.memref_slice %arg4[%add3A_24, %mul3A_26] : memref<48x100352xf32, #tpu.memory_space<hbm>> -> memref<1x6272xf32, #tpu.memory_space<hbm>>
        %dma_wait3A_82 = tpu.memref_squeeze %dma_wait3A_81 : memref<1x6272xf32, #tpu.memory_space<hbm>> -> memref<6272xf32, #tpu.memory_space<hbm>>
        tpu.wait_dma2 semaphore(%run_scoped3A : memref<!tpu.dma_semaphore, #tpu.memory_space<semaphore_mem>>) src(%dma_wait3A_82 : memref<6272xf32, #tpu.memory_space<hbm>>) dst(%dma_wait3A : memref<6272xf32, #tpu.memory_space<vmem_shared>>)
        tpu.yield
      }) : () -> ()
      %mul3A_29 = arith.constant 6272 : i32
      %mul3A_30 = arith.muli %arg1, %mul3A_29 : i32
      "tpu.region"() ({
        %run_scoped3A = tpu.sem_alloc : memref<!tpu.dma_semaphore, #tpu.memory_space<semaphore_mem>>
        %dma_start3A = tpu.memref_slice %arg18[%mul3A_30] : memref<100352xf32, #tpu.memory_space<vmem_shared>> -> memref<6272xf32, #tpu.memory_space<vmem_shared>>
        %dma_start3A_79 = tpu.memref_slice %arg18[%mul3A_30] : memref<100352xf32, #tpu.memory_space<vmem_shared>> -> memref<6272xf32, #tpu.memory_space<vmem_shared>>
        tpu.enqueue_dma source(%arg8 : memref<6272xf32, #tpu.memory_space<vmem>>) target(%dma_start3A_79 : memref<6272xf32, #tpu.memory_space<vmem_shared>>) target_semaphore(%run_scoped3A : memref<!tpu.dma_semaphore, #tpu.memory_space<semaphore_mem>>)
        %dma_wait3A = tpu.memref_slice %arg18[%mul3A_30] : memref<100352xf32, #tpu.memory_space<vmem_shared>> -> memref<6272xf32, #tpu.memory_space<vmem_shared>>
        %dma_wait3A_80 = tpu.memref_slice %arg18[%mul3A_30] : memref<100352xf32, #tpu.memory_space<vmem_shared>> -> memref<6272xf32, #tpu.memory_space<vmem_shared>>
        tpu.wait_dma2 semaphore(%run_scoped3A : memref<!tpu.dma_semaphore, #tpu.memory_space<semaphore_mem>>) src(%arg8 : memref<6272xf32, #tpu.memory_space<vmem>>) dst(%dma_wait3A_80 : memref<6272xf32, #tpu.memory_space<vmem_shared>>)
        tpu.yield
      }) : () -> ()
      %add3A_31 = arith.constant 2 : i32
      %add3A_32 = arith.addi %mul3A_14, %add3A_31 : i32
      %mul3A_33 = arith.constant 6272 : i32
      %mul3A_34 = arith.muli %arg1, %mul3A_33 : i32
      %mul3A_35 = arith.constant 6272 : i32
      %mul3A_36 = arith.muli %arg1, %mul3A_35 : i32
      "tpu.region"() ({
        %run_scoped3A = tpu.sem_alloc : memref<!tpu.dma_semaphore, #tpu.memory_space<semaphore_mem>>
        %dma_start3A = tpu.memref_slice %arg15[%mul3A_36] : memref<100352xf32, #tpu.memory_space<vmem_shared>> -> memref<6272xf32, #tpu.memory_space<vmem_shared>>
        %dma_start3A_79 = tpu.memref_slice %arg4[%add3A_32, %mul3A_34] : memref<48x100352xf32, #tpu.memory_space<hbm>> -> memref<1x6272xf32, #tpu.memory_space<hbm>>
        %dma_start3A_80 = tpu.memref_squeeze %dma_start3A_79 : memref<1x6272xf32, #tpu.memory_space<hbm>> -> memref<6272xf32, #tpu.memory_space<hbm>>
        tpu.enqueue_dma source(%dma_start3A_80 : memref<6272xf32, #tpu.memory_space<hbm>>) target(%dma_start3A : memref<6272xf32, #tpu.memory_space<vmem_shared>>) target_semaphore(%run_scoped3A : memref<!tpu.dma_semaphore, #tpu.memory_space<semaphore_mem>>)
        %dma_wait3A = tpu.memref_slice %arg15[%mul3A_36] : memref<100352xf32, #tpu.memory_space<vmem_shared>> -> memref<6272xf32, #tpu.memory_space<vmem_shared>>
        %dma_wait3A_81 = tpu.memref_slice %arg4[%add3A_32, %mul3A_34] : memref<48x100352xf32, #tpu.memory_space<hbm>> -> memref<1x6272xf32, #tpu.memory_space<hbm>>
        %dma_wait3A_82 = tpu.memref_squeeze %dma_wait3A_81 : memref<1x6272xf32, #tpu.memory_space<hbm>> -> memref<6272xf32, #tpu.memory_space<hbm>>
        tpu.wait_dma2 semaphore(%run_scoped3A : memref<!tpu.dma_semaphore, #tpu.memory_space<semaphore_mem>>) src(%dma_wait3A_82 : memref<6272xf32, #tpu.memory_space<hbm>>) dst(%dma_wait3A : memref<6272xf32, #tpu.memory_space<vmem_shared>>)
        tpu.yield
      }) : () -> ()
      %mul3A_37 = arith.constant 6272 : i32
      %mul3A_38 = arith.muli %arg1, %mul3A_37 : i32
      "tpu.region"() ({
        %run_scoped3A = tpu.sem_alloc : memref<!tpu.dma_semaphore, #tpu.memory_space<semaphore_mem>>
        %dma_start3A = tpu.memref_slice %arg19[%mul3A_38] : memref<100352xf32, #tpu.memory_space<vmem_shared>> -> memref<6272xf32, #tpu.memory_space<vmem_shared>>
        %dma_start3A_79 = tpu.memref_slice %arg19[%mul3A_38] : memref<100352xf32, #tpu.memory_space<vmem_shared>> -> memref<6272xf32, #tpu.memory_space<vmem_shared>>
        tpu.enqueue_dma source(%arg8 : memref<6272xf32, #tpu.memory_space<vmem>>) target(%dma_start3A_79 : memref<6272xf32, #tpu.memory_space<vmem_shared>>) target_semaphore(%run_scoped3A : memref<!tpu.dma_semaphore, #tpu.memory_space<semaphore_mem>>)
        %dma_wait3A = tpu.memref_slice %arg19[%mul3A_38] : memref<100352xf32, #tpu.memory_space<vmem_shared>> -> memref<6272xf32, #tpu.memory_space<vmem_shared>>
        %dma_wait3A_80 = tpu.memref_slice %arg19[%mul3A_38] : memref<100352xf32, #tpu.memory_space<vmem_shared>> -> memref<6272xf32, #tpu.memory_space<vmem_shared>>
        tpu.wait_dma2 semaphore(%run_scoped3A : memref<!tpu.dma_semaphore, #tpu.memory_space<semaphore_mem>>) src(%arg8 : memref<6272xf32, #tpu.memory_space<vmem>>) dst(%dma_wait3A_80 : memref<6272xf32, #tpu.memory_space<vmem_shared>>)
        tpu.yield
      }) : () -> ()
      %add3A_39 = arith.constant 3 : i32
      %add3A_40 = arith.addi %mul3A_14, %add3A_39 : i32
      %mul3A_41 = arith.constant 6272 : i32
      %mul3A_42 = arith.muli %arg1, %mul3A_41 : i32
      %mul3A_43 = arith.constant 6272 : i32
      %mul3A_44 = arith.muli %arg1, %mul3A_43 : i32
      "tpu.region"() ({
        %run_scoped3A = tpu.sem_alloc : memref<!tpu.dma_semaphore, #tpu.memory_space<semaphore_mem>>
        %dma_start3A = tpu.memref_slice %arg16[%mul3A_44] : memref<100352xf32, #tpu.memory_space<vmem_shared>> -> memref<6272xf32, #tpu.memory_space<vmem_shared>>
        %dma_start3A_79 = tpu.memref_slice %arg4[%add3A_40, %mul3A_42] : memref<48x100352xf32, #tpu.memory_space<hbm>> -> memref<1x6272xf32, #tpu.memory_space<hbm>>
        %dma_start3A_80 = tpu.memref_squeeze %dma_start3A_79 : memref<1x6272xf32, #tpu.memory_space<hbm>> -> memref<6272xf32, #tpu.memory_space<hbm>>
        tpu.enqueue_dma source(%dma_start3A_80 : memref<6272xf32, #tpu.memory_space<hbm>>) target(%dma_start3A : memref<6272xf32, #tpu.memory_space<vmem_shared>>) target_semaphore(%run_scoped3A : memref<!tpu.dma_semaphore, #tpu.memory_space<semaphore_mem>>)
        %dma_wait3A = tpu.memref_slice %arg16[%mul3A_44] : memref<100352xf32, #tpu.memory_space<vmem_shared>> -> memref<6272xf32, #tpu.memory_space<vmem_shared>>
        %dma_wait3A_81 = tpu.memref_slice %arg4[%add3A_40, %mul3A_42] : memref<48x100352xf32, #tpu.memory_space<hbm>> -> memref<1x6272xf32, #tpu.memory_space<hbm>>
        %dma_wait3A_82 = tpu.memref_squeeze %dma_wait3A_81 : memref<1x6272xf32, #tpu.memory_space<hbm>> -> memref<6272xf32, #tpu.memory_space<hbm>>
        tpu.wait_dma2 semaphore(%run_scoped3A : memref<!tpu.dma_semaphore, #tpu.memory_space<semaphore_mem>>) src(%dma_wait3A_82 : memref<6272xf32, #tpu.memory_space<hbm>>) dst(%dma_wait3A : memref<6272xf32, #tpu.memory_space<vmem_shared>>)
        tpu.yield
      }) : () -> ()
      %mul3A_45 = arith.constant 6272 : i32
      %mul3A_46 = arith.muli %arg1, %mul3A_45 : i32
      "tpu.region"() ({
        %run_scoped3A = tpu.sem_alloc : memref<!tpu.dma_semaphore, #tpu.memory_space<semaphore_mem>>
        %dma_start3A = tpu.memref_slice %arg20[%mul3A_46] : memref<100352xf32, #tpu.memory_space<vmem_shared>> -> memref<6272xf32, #tpu.memory_space<vmem_shared>>
        %dma_start3A_79 = tpu.memref_slice %arg20[%mul3A_46] : memref<100352xf32, #tpu.memory_space<vmem_shared>> -> memref<6272xf32, #tpu.memory_space<vmem_shared>>
        tpu.enqueue_dma source(%arg8 : memref<6272xf32, #tpu.memory_space<vmem>>) target(%dma_start3A_79 : memref<6272xf32, #tpu.memory_space<vmem_shared>>) target_semaphore(%run_scoped3A : memref<!tpu.dma_semaphore, #tpu.memory_space<semaphore_mem>>)
        %dma_wait3A = tpu.memref_slice %arg20[%mul3A_46] : memref<100352xf32, #tpu.memory_space<vmem_shared>> -> memref<6272xf32, #tpu.memory_space<vmem_shared>>
        %dma_wait3A_80 = tpu.memref_slice %arg20[%mul3A_46] : memref<100352xf32, #tpu.memory_space<vmem_shared>> -> memref<6272xf32, #tpu.memory_space<vmem_shared>>
        tpu.wait_dma2 semaphore(%run_scoped3A : memref<!tpu.dma_semaphore, #tpu.memory_space<semaphore_mem>>) src(%arg8 : memref<6272xf32, #tpu.memory_space<vmem>>) dst(%dma_wait3A_80 : memref<6272xf32, #tpu.memory_space<vmem_shared>>)
        tpu.yield
      }) : () -> ()
      %barrier3A = arith.constant 0 : index
      tpu.barrier barrier_id(%barrier3A)
      %scan3A_47 = arith.constant 0 : i32
      %scan3A_48 = arith.constant 0 : i32
      %scan3A_49 = arith.constant 10 : i32
      %scan3A_50 = arith.addi %scan3A_48, %scan3A_49 : i32
      %scan3A_51 = arith.constant 1 : i32
      scf.for %scan3A_79 = %scan3A_48 to %scan3A_50 step %scan3A_51  : i32 {
        %mul3A_80 = arith.constant 100000 : i32
        %mul3A_81 = arith.muli %arg1, %mul3A_80 : i32
        %mul3A_82 = arith.constant 10000 : i32
        %mul3A_83 = arith.muli %scan3A_79, %mul3A_82 : i32
        %add3A_84 = arith.addi %mul3A_81, %mul3A_83 : i32
        "tpu.region"() ({
          %run_scoped3A = tpu.sem_alloc : memref<!tpu.dma_semaphore, #tpu.memory_space<semaphore_mem>>
          %dma_start3A_99 = tpu.memref_slice %arg2[%add3A_84] : memref<1600000xi32, #tpu.memory_space<hbm>> -> memref<10000xi32, #tpu.memory_space<hbm>>
          %dma_start3A_100 = tpu.memref_slice %arg2[%add3A_84] : memref<1600000xi32, #tpu.memory_space<hbm>> -> memref<10000xi32, #tpu.memory_space<hbm>>
          tpu.enqueue_dma source(%dma_start3A_100 : memref<10000xi32, #tpu.memory_space<hbm>>) target(%arg6 : memref<10000xi32, #tpu.memory_space<vmem>>) target_semaphore(%run_scoped3A : memref<!tpu.dma_semaphore, #tpu.memory_space<semaphore_mem>>)
          %dma_wait3A_101 = tpu.memref_slice %arg2[%add3A_84] : memref<1600000xi32, #tpu.memory_space<hbm>> -> memref<10000xi32, #tpu.memory_space<hbm>>
          %dma_wait3A_102 = tpu.memref_slice %arg2[%add3A_84] : memref<1600000xi32, #tpu.memory_space<hbm>> -> memref<10000xi32, #tpu.memory_space<hbm>>
          tpu.wait_dma2 semaphore(%run_scoped3A : memref<!tpu.dma_semaphore, #tpu.memory_space<semaphore_mem>>) src(%dma_wait3A_102 : memref<10000xi32, #tpu.memory_space<hbm>>) dst(%arg6 : memref<10000xi32, #tpu.memory_space<vmem>>)
          tpu.yield
        }) : () -> ()
        "tpu.region"() ({
          %run_scoped3A = tpu.sem_alloc : memref<!tpu.dma_semaphore, #tpu.memory_space<semaphore_mem>>
          %dma_start3A_99 = tpu.memref_slice %arg3[%add3A_84] : memref<1600000xi32, #tpu.memory_space<hbm>> -> memref<10000xi32, #tpu.memory_space<hbm>>
          %dma_start3A_100 = tpu.memref_slice %arg3[%add3A_84] : memref<1600000xi32, #tpu.memory_space<hbm>> -> memref<10000xi32, #tpu.memory_space<hbm>>
          tpu.enqueue_dma source(%dma_start3A_100 : memref<10000xi32, #tpu.memory_space<hbm>>) target(%arg7 : memref<10000xi32, #tpu.memory_space<vmem>>) target_semaphore(%run_scoped3A : memref<!tpu.dma_semaphore, #tpu.memory_space<semaphore_mem>>)
          %dma_wait3A_101 = tpu.memref_slice %arg3[%add3A_84] : memref<1600000xi32, #tpu.memory_space<hbm>> -> memref<10000xi32, #tpu.memory_space<hbm>>
          %dma_wait3A_102 = tpu.memref_slice %arg3[%add3A_84] : memref<1600000xi32, #tpu.memory_space<hbm>> -> memref<10000xi32, #tpu.memory_space<hbm>>
          tpu.wait_dma2 semaphore(%run_scoped3A : memref<!tpu.dma_semaphore, #tpu.memory_space<semaphore_mem>>) src(%dma_wait3A_102 : memref<10000xi32, #tpu.memory_space<hbm>>) dst(%arg7 : memref<10000xi32, #tpu.memory_space<vmem>>)
          tpu.yield
        }) : () -> ()
        %dma_start3A = arith.constant 0 : i32
        %dma_start3A_85 = tpu.memref_slice %arg13[%dma_start3A] : memref<100352xf32, #tpu.memory_space<vmem_shared>> -> memref<100352xf32, #tpu.memory_space<vmem_shared>>
        tpu.enqueue_indirect_dma source(%dma_start3A_85 : memref<100352xf32, #tpu.memory_space<vmem_shared>>) target(%arg9 : memref<10000xf32, #tpu.memory_space<vmem>>) offsets(%arg6 : memref<10000xi32, #tpu.memory_space<vmem>>) semaphore(%arg21 : memref<!tpu.dma_semaphore, #tpu.memory_space<semaphore_mem>>)
        %dma_start3A_86 = arith.constant 0 : i32
        %dma_start3A_87 = tpu.memref_slice %arg14[%dma_start3A_86] : memref<100352xf32, #tpu.memory_space<vmem_shared>> -> memref<100352xf32, #tpu.memory_space<vmem_shared>>
        tpu.enqueue_indirect_dma source(%dma_start3A_87 : memref<100352xf32, #tpu.memory_space<vmem_shared>>) target(%arg10 : memref<10000xf32, #tpu.memory_space<vmem>>) offsets(%arg6 : memref<10000xi32, #tpu.memory_space<vmem>>) semaphore(%arg22 : memref<!tpu.dma_semaphore, #tpu.memory_space<semaphore_mem>>)
        %dma_start3A_88 = arith.constant 0 : i32
        %dma_start3A_89 = tpu.memref_slice %arg15[%dma_start3A_88] : memref<100352xf32, #tpu.memory_space<vmem_shared>> -> memref<100352xf32, #tpu.memory_space<vmem_shared>>
        tpu.enqueue_indirect_dma source(%dma_start3A_89 : memref<100352xf32, #tpu.memory_space<vmem_shared>>) target(%arg11 : memref<10000xf32, #tpu.memory_space<vmem>>) offsets(%arg6 : memref<10000xi32, #tpu.memory_space<vmem>>) semaphore(%arg23 : memref<!tpu.dma_semaphore, #tpu.memory_space<semaphore_mem>>)
        %dma_start3A_90 = arith.constant 0 : i32
        %dma_start3A_91 = tpu.memref_slice %arg16[%dma_start3A_90] : memref<100352xf32, #tpu.memory_space<vmem_shared>> -> memref<100352xf32, #tpu.memory_space<vmem_shared>>
        tpu.enqueue_indirect_dma source(%dma_start3A_91 : memref<100352xf32, #tpu.memory_space<vmem_shared>>) target(%arg12 : memref<10000xf32, #tpu.memory_space<vmem>>) offsets(%arg6 : memref<10000xi32, #tpu.memory_space<vmem>>) semaphore(%arg24 : memref<!tpu.dma_semaphore, #tpu.memory_space<semaphore_mem>>)
        %dma_wait3A = arith.constant 0 : i32
        %dma_wait3A_92 = tpu.memref_slice %arg13[%dma_wait3A] : memref<100352xf32, #tpu.memory_space<vmem_shared>> -> memref<100352xf32, #tpu.memory_space<vmem_shared>>
        tpu.wait_indirect_dma semaphore(%arg21 : memref<!tpu.dma_semaphore, #tpu.memory_space<semaphore_mem>>) src(%dma_wait3A_92 : memref<100352xf32, #tpu.memory_space<vmem_shared>>) dst(%arg9 : memref<10000xf32, #tpu.memory_space<vmem>>)
        "tpu.region"() ({
          %run_scoped3A = tpu.sem_alloc : memref<!tpu.dma_semaphore, #tpu.memory_space<semaphore_mem>>
          %dma_start3A_99 = arith.constant 0 : i32
          %dma_start3A_100 = tpu.memref_slice %arg17[%dma_start3A_99] : memref<100352xf32, #tpu.memory_space<vmem_shared>> -> memref<100352xf32, #tpu.memory_space<vmem_shared>>
          tpu.enqueue_indirect_dma source(%arg9 : memref<10000xf32, #tpu.memory_space<vmem>>) target(%dma_start3A_100 : memref<100352xf32, #tpu.memory_space<vmem_shared>>) offsets(%arg7 : memref<10000xi32, #tpu.memory_space<vmem>>) semaphore(%run_scoped3A : memref<!tpu.dma_semaphore, #tpu.memory_space<semaphore_mem>>) {add = true}
          %dma_wait3A_101 = arith.constant 0 : i32
          %dma_wait3A_102 = tpu.memref_slice %arg17[%dma_wait3A_101] : memref<100352xf32, #tpu.memory_space<vmem_shared>> -> memref<100352xf32, #tpu.memory_space<vmem_shared>>
          tpu.wait_indirect_dma semaphore(%run_scoped3A : memref<!tpu.dma_semaphore, #tpu.memory_space<semaphore_mem>>) src(%arg9 : memref<10000xf32, #tpu.memory_space<vmem>>) dst(%dma_wait3A_102 : memref<100352xf32, #tpu.memory_space<vmem_shared>>)
          tpu.yield
        }) : () -> ()
        %dma_wait3A_93 = arith.constant 0 : i32
        %dma_wait3A_94 = tpu.memref_slice %arg14[%dma_wait3A_93] : memref<100352xf32, #tpu.memory_space<vmem_shared>> -> memref<100352xf32, #tpu.memory_space<vmem_shared>>
        tpu.wait_indirect_dma semaphore(%arg22 : memref<!tpu.dma_semaphore, #tpu.memory_space<semaphore_mem>>) src(%dma_wait3A_94 : memref<100352xf32, #tpu.memory_space<vmem_shared>>) dst(%arg10 : memref<10000xf32, #tpu.memory_space<vmem>>)
        "tpu.region"() ({
          %run_scoped3A = tpu.sem_alloc : memref<!tpu.dma_semaphore, #tpu.memory_space<semaphore_mem>>
          %dma_start3A_99 = arith.constant 0 : i32
          %dma_start3A_100 = tpu.memref_slice %arg18[%dma_start3A_99] : memref<100352xf32, #tpu.memory_space<vmem_shared>> -> memref<100352xf32, #tpu.memory_space<vmem_shared>>
          tpu.enqueue_indirect_dma source(%arg10 : memref<10000xf32, #tpu.memory_space<vmem>>) target(%dma_start3A_100 : memref<100352xf32, #tpu.memory_space<vmem_shared>>) offsets(%arg7 : memref<10000xi32, #tpu.memory_space<vmem>>) semaphore(%run_scoped3A : memref<!tpu.dma_semaphore, #tpu.memory_space<semaphore_mem>>) {add = true}
          %dma_wait3A_101 = arith.constant 0 : i32
          %dma_wait3A_102 = tpu.memref_slice %arg18[%dma_wait3A_101] : memref<100352xf32, #tpu.memory_space<vmem_shared>> -> memref<100352xf32, #tpu.memory_space<vmem_shared>>
          tpu.wait_indirect_dma semaphore(%run_scoped3A : memref<!tpu.dma_semaphore, #tpu.memory_space<semaphore_mem>>) src(%arg10 : memref<10000xf32, #tpu.memory_space<vmem>>) dst(%dma_wait3A_102 : memref<100352xf32, #tpu.memory_space<vmem_shared>>)
          tpu.yield
        }) : () -> ()
        %dma_wait3A_95 = arith.constant 0 : i32
        %dma_wait3A_96 = tpu.memref_slice %arg15[%dma_wait3A_95] : memref<100352xf32, #tpu.memory_space<vmem_shared>> -> memref<100352xf32, #tpu.memory_space<vmem_shared>>
        tpu.wait_indirect_dma semaphore(%arg23 : memref<!tpu.dma_semaphore, #tpu.memory_space<semaphore_mem>>) src(%dma_wait3A_96 : memref<100352xf32, #tpu.memory_space<vmem_shared>>) dst(%arg11 : memref<10000xf32, #tpu.memory_space<vmem>>)
        "tpu.region"() ({
          %run_scoped3A = tpu.sem_alloc : memref<!tpu.dma_semaphore, #tpu.memory_space<semaphore_mem>>
          %dma_start3A_99 = arith.constant 0 : i32
          %dma_start3A_100 = tpu.memref_slice %arg19[%dma_start3A_99] : memref<100352xf32, #tpu.memory_space<vmem_shared>> -> memref<100352xf32, #tpu.memory_space<vmem_shared>>
          tpu.enqueue_indirect_dma source(%arg11 : memref<10000xf32, #tpu.memory_space<vmem>>) target(%dma_start3A_100 : memref<100352xf32, #tpu.memory_space<vmem_shared>>) offsets(%arg7 : memref<10000xi32, #tpu.memory_space<vmem>>) semaphore(%run_scoped3A : memref<!tpu.dma_semaphore, #tpu.memory_space<semaphore_mem>>) {add = true}
          %dma_wait3A_101 = arith.constant 0 : i32
          %dma_wait3A_102 = tpu.memref_slice %arg19[%dma_wait3A_101] : memref<100352xf32, #tpu.memory_space<vmem_shared>> -> memref<100352xf32, #tpu.memory_space<vmem_shared>>
          tpu.wait_indirect_dma semaphore(%run_scoped3A : memref<!tpu.dma_semaphore, #tpu.memory_space<semaphore_mem>>) src(%arg11 : memref<10000xf32, #tpu.memory_space<vmem>>) dst(%dma_wait3A_102 : memref<100352xf32, #tpu.memory_space<vmem_shared>>)
          tpu.yield
        }) : () -> ()
        %dma_wait3A_97 = arith.constant 0 : i32
        %dma_wait3A_98 = tpu.memref_slice %arg16[%dma_wait3A_97] : memref<100352xf32, #tpu.memory_space<vmem_shared>> -> memref<100352xf32, #tpu.memory_space<vmem_shared>>
        tpu.wait_indirect_dma semaphore(%arg24 : memref<!tpu.dma_semaphore, #tpu.memory_space<semaphore_mem>>) src(%dma_wait3A_98 : memref<100352xf32, #tpu.memory_space<vmem_shared>>) dst(%arg12 : memref<10000xf32, #tpu.memory_space<vmem>>)
        "tpu.region"() ({
          %run_scoped3A = tpu.sem_alloc : memref<!tpu.dma_semaphore, #tpu.memory_space<semaphore_mem>>
          %dma_start3A_99 = arith.constant 0 : i32
          %dma_start3A_100 = tpu.memref_slice %arg20[%dma_start3A_99] : memref<100352xf32, #tpu.memory_space<vmem_shared>> -> memref<100352xf32, #tpu.memory_space<vmem_shared>>
          tpu.enqueue_indirect_dma source(%arg12 : memref<10000xf32, #tpu.memory_space<vmem>>) target(%dma_start3A_100 : memref<100352xf32, #tpu.memory_space<vmem_shared>>) offsets(%arg7 : memref<10000xi32, #tpu.memory_space<vmem>>) semaphore(%run_scoped3A : memref<!tpu.dma_semaphore, #tpu.memory_space<semaphore_mem>>) {add = true}
          %dma_wait3A_101 = arith.constant 0 : i32
          %dma_wait3A_102 = tpu.memref_slice %arg20[%dma_wait3A_101] : memref<100352xf32, #tpu.memory_space<vmem_shared>> -> memref<100352xf32, #tpu.memory_space<vmem_shared>>
          tpu.wait_indirect_dma semaphore(%run_scoped3A : memref<!tpu.dma_semaphore, #tpu.memory_space<semaphore_mem>>) src(%arg12 : memref<10000xf32, #tpu.memory_space<vmem>>) dst(%dma_wait3A_102 : memref<100352xf32, #tpu.memory_space<vmem_shared>>)
          tpu.yield
        }) : () -> ()
      }
      %scan3A_52 = arith.constant 10 : i32
      %barrier3A_53 = arith.constant 0 : index
      tpu.barrier barrier_id(%barrier3A_53)
      %mul3A_54 = arith.constant 6272 : i32
      %mul3A_55 = arith.muli %arg1, %mul3A_54 : i32
      %add3A_56 = arith.constant 0 : i32
      %add3A_57 = arith.addi %mul3A_14, %add3A_56 : i32
      %mul3A_58 = arith.constant 6272 : i32
      %mul3A_59 = arith.muli %arg1, %mul3A_58 : i32
      "tpu.region"() ({
        %run_scoped3A = tpu.sem_alloc : memref<!tpu.dma_semaphore, #tpu.memory_space<semaphore_mem>>
        %dma_start3A = tpu.memref_slice %arg5[%add3A_57, %mul3A_59] : memref<48x100352xf32, #tpu.memory_space<hbm>> -> memref<1x6272xf32, #tpu.memory_space<hbm>>
        %dma_start3A_79 = tpu.memref_squeeze %dma_start3A : memref<1x6272xf32, #tpu.memory_space<hbm>> -> memref<6272xf32, #tpu.memory_space<hbm>>
        %dma_start3A_80 = tpu.memref_slice %arg17[%mul3A_55] : memref<100352xf32, #tpu.memory_space<vmem_shared>> -> memref<6272xf32, #tpu.memory_space<vmem_shared>>
        tpu.enqueue_dma source(%dma_start3A_80 : memref<6272xf32, #tpu.memory_space<vmem_shared>>) target(%dma_start3A_79 : memref<6272xf32, #tpu.memory_space<hbm>>) target_semaphore(%run_scoped3A : memref<!tpu.dma_semaphore, #tpu.memory_space<semaphore_mem>>)
        %dma_wait3A = tpu.memref_slice %arg5[%add3A_57, %mul3A_59] : memref<48x100352xf32, #tpu.memory_space<hbm>> -> memref<1x6272xf32, #tpu.memory_space<hbm>>
        %dma_wait3A_81 = tpu.memref_squeeze %dma_wait3A : memref<1x6272xf32, #tpu.memory_space<hbm>> -> memref<6272xf32, #tpu.memory_space<hbm>>
        %dma_wait3A_82 = tpu.memref_slice %arg17[%mul3A_55] : memref<100352xf32, #tpu.memory_space<vmem_shared>> -> memref<6272xf32, #tpu.memory_space<vmem_shared>>
        tpu.wait_dma2 semaphore(%run_scoped3A : memref<!tpu.dma_semaphore, #tpu.memory_space<semaphore_mem>>) src(%dma_wait3A_82 : memref<6272xf32, #tpu.memory_space<vmem_shared>>) dst(%dma_wait3A_81 : memref<6272xf32, #tpu.memory_space<hbm>>)
        tpu.yield
      }) : () -> ()
      %mul3A_60 = arith.constant 6272 : i32
      %mul3A_61 = arith.muli %arg1, %mul3A_60 : i32
      %add3A_62 = arith.constant 1 : i32
      %add3A_63 = arith.addi %mul3A_14, %add3A_62 : i32
      %mul3A_64 = arith.constant 6272 : i32
      %mul3A_65 = arith.muli %arg1, %mul3A_64 : i32
      "tpu.region"() ({
        %run_scoped3A = tpu.sem_alloc : memref<!tpu.dma_semaphore, #tpu.memory_space<semaphore_mem>>
        %dma_start3A = tpu.memref_slice %arg5[%add3A_63, %mul3A_65] : memref<48x100352xf32, #tpu.memory_space<hbm>> -> memref<1x6272xf32, #tpu.memory_space<hbm>>
        %dma_start3A_79 = tpu.memref_squeeze %dma_start3A : memref<1x6272xf32, #tpu.memory_space<hbm>> -> memref<6272xf32, #tpu.memory_space<hbm>>
        %dma_start3A_80 = tpu.memref_slice %arg18[%mul3A_61] : memref<100352xf32, #tpu.memory_space<vmem_shared>> -> memref<6272xf32, #tpu.memory_space<vmem_shared>>
        tpu.enqueue_dma source(%dma_start3A_80 : memref<6272xf32, #tpu.memory_space<vmem_shared>>) target(%dma_start3A_79 : memref<6272xf32, #tpu.memory_space<hbm>>) target_semaphore(%run_scoped3A : memref<!tpu.dma_semaphore, #tpu.memory_space<semaphore_mem>>)
        %dma_wait3A = tpu.memref_slice %arg5[%add3A_63, %mul3A_65] : memref<48x100352xf32, #tpu.memory_space<hbm>> -> memref<1x6272xf32, #tpu.memory_space<hbm>>
        %dma_wait3A_81 = tpu.memref_squeeze %dma_wait3A : memref<1x6272xf32, #tpu.memory_space<hbm>> -> memref<6272xf32, #tpu.memory_space<hbm>>
        %dma_wait3A_82 = tpu.memref_slice %arg18[%mul3A_61] : memref<100352xf32, #tpu.memory_space<vmem_shared>> -> memref<6272xf32, #tpu.memory_space<vmem_shared>>
        tpu.wait_dma2 semaphore(%run_scoped3A : memref<!tpu.dma_semaphore, #tpu.memory_space<semaphore_mem>>) src(%dma_wait3A_82 : memref<6272xf32, #tpu.memory_space<vmem_shared>>) dst(%dma_wait3A_81 : memref<6272xf32, #tpu.memory_space<hbm>>)
        tpu.yield
      }) : () -> ()
      %mul3A_66 = arith.constant 6272 : i32
      %mul3A_67 = arith.muli %arg1, %mul3A_66 : i32
      %add3A_68 = arith.constant 2 : i32
      %add3A_69 = arith.addi %mul3A_14, %add3A_68 : i32
      %mul3A_70 = arith.constant 6272 : i32
      %mul3A_71 = arith.muli %arg1, %mul3A_70 : i32
      "tpu.region"() ({
        %run_scoped3A = tpu.sem_alloc : memref<!tpu.dma_semaphore, #tpu.memory_space<semaphore_mem>>
        %dma_start3A = tpu.memref_slice %arg5[%add3A_69, %mul3A_71] : memref<48x100352xf32, #tpu.memory_space<hbm>> -> memref<1x6272xf32, #tpu.memory_space<hbm>>
        %dma_start3A_79 = tpu.memref_squeeze %dma_start3A : memref<1x6272xf32, #tpu.memory_space<hbm>> -> memref<6272xf32, #tpu.memory_space<hbm>>
        %dma_start3A_80 = tpu.memref_slice %arg19[%mul3A_67] : memref<100352xf32, #tpu.memory_space<vmem_shared>> -> memref<6272xf32, #tpu.memory_space<vmem_shared>>
        tpu.enqueue_dma source(%dma_start3A_80 : memref<6272xf32, #tpu.memory_space<vmem_shared>>) target(%dma_start3A_79 : memref<6272xf32, #tpu.memory_space<hbm>>) target_semaphore(%run_scoped3A : memref<!tpu.dma_semaphore, #tpu.memory_space<semaphore_mem>>)
        %dma_wait3A = tpu.memref_slice %arg5[%add3A_69, %mul3A_71] : memref<48x100352xf32, #tpu.memory_space<hbm>> -> memref<1x6272xf32, #tpu.memory_space<hbm>>
        %dma_wait3A_81 = tpu.memref_squeeze %dma_wait3A : memref<1x6272xf32, #tpu.memory_space<hbm>> -> memref<6272xf32, #tpu.memory_space<hbm>>
        %dma_wait3A_82 = tpu.memref_slice %arg19[%mul3A_67] : memref<100352xf32, #tpu.memory_space<vmem_shared>> -> memref<6272xf32, #tpu.memory_space<vmem_shared>>
        tpu.wait_dma2 semaphore(%run_scoped3A : memref<!tpu.dma_semaphore, #tpu.memory_space<semaphore_mem>>) src(%dma_wait3A_82 : memref<6272xf32, #tpu.memory_space<vmem_shared>>) dst(%dma_wait3A_81 : memref<6272xf32, #tpu.memory_space<hbm>>)
        tpu.yield
      }) : () -> ()
      %mul3A_72 = arith.constant 6272 : i32
      %mul3A_73 = arith.muli %arg1, %mul3A_72 : i32
      %add3A_74 = arith.constant 3 : i32
      %add3A_75 = arith.addi %mul3A_14, %add3A_74 : i32
      %mul3A_76 = arith.constant 6272 : i32
      %mul3A_77 = arith.muli %arg1, %mul3A_76 : i32
      "tpu.region"() ({
        %run_scoped3A = tpu.sem_alloc : memref<!tpu.dma_semaphore, #tpu.memory_space<semaphore_mem>>
        %dma_start3A = tpu.memref_slice %arg5[%add3A_75, %mul3A_77] : memref<48x100352xf32, #tpu.memory_space<hbm>> -> memref<1x6272xf32, #tpu.memory_space<hbm>>
        %dma_start3A_79 = tpu.memref_squeeze %dma_start3A : memref<1x6272xf32, #tpu.memory_space<hbm>> -> memref<6272xf32, #tpu.memory_space<hbm>>
        %dma_start3A_80 = tpu.memref_slice %arg20[%mul3A_73] : memref<100352xf32, #tpu.memory_space<vmem_shared>> -> memref<6272xf32, #tpu.memory_space<vmem_shared>>
        tpu.enqueue_dma source(%dma_start3A_80 : memref<6272xf32, #tpu.memory_space<vmem_shared>>) target(%dma_start3A_79 : memref<6272xf32, #tpu.memory_space<hbm>>) target_semaphore(%run_scoped3A : memref<!tpu.dma_semaphore, #tpu.memory_space<semaphore_mem>>)
        %dma_wait3A = tpu.memref_slice %arg5[%add3A_75, %mul3A_77] : memref<48x100352xf32, #tpu.memory_space<hbm>> -> memref<1x6272xf32, #tpu.memory_space<hbm>>
        %dma_wait3A_81 = tpu.memref_squeeze %dma_wait3A : memref<1x6272xf32, #tpu.memory_space<hbm>> -> memref<6272xf32, #tpu.memory_space<hbm>>
        %dma_wait3A_82 = tpu.memref_slice %arg20[%mul3A_73] : memref<100352xf32, #tpu.memory_space<vmem_shared>> -> memref<6272xf32, #tpu.memory_space<vmem_shared>>
        tpu.wait_dma2 semaphore(%run_scoped3A : memref<!tpu.dma_semaphore, #tpu.memory_space<semaphore_mem>>) src(%dma_wait3A_82 : memref<6272xf32, #tpu.memory_space<vmem_shared>>) dst(%dma_wait3A_81 : memref<6272xf32, #tpu.memory_space<hbm>>)
        tpu.yield
      }) : () -> ()
      %barrier3A_78 = arith.constant 0 : index
      tpu.barrier barrier_id(%barrier3A_78)
    }
    %scan3A_10 = arith.constant 6 : i32
    return
  }
}

#map = affine_map<(d0, d1) -> (0)>
#map1 = affine_map<(d0, d1) -> (0, 0)>
module attributes {stable_mosaic.version = 14 : i64} {
  func.func @body(%arg0: i32, %arg1: i32, %arg2: memref<1600000xi32, #tpu.memory_space<hbm>>, %arg3: memref<1600000xi32, #tpu.memory_space<hbm>>, %arg4: memref<1024x100352xf32, #tpu.memory_space<hbm>>, %arg5: memref<1024x100352xf32, #tpu.memory_space<hbm>>, %arg6: memref<10000xi32, #tpu.memory_space<vmem>>, %arg7: memref<10000xi32, #tpu.memory_space<vmem>>, %arg8: memref<6272xf32, #tpu.memory_space<vmem>>, %arg9: memref<10000xf32, #tpu.memory_space<vmem>>, %arg10: memref<10000xf32, #tpu.memory_space<vmem>>, %arg11: memref<10000xf32, #tpu.memory_space<vmem>>, %arg12: memref<10000xf32, #tpu.memory_space<vmem>>, %arg13: memref<100352xf32, #tpu.memory_space<vmem_shared>>, %arg14: memref<100352xf32, #tpu.memory_space<vmem_shared>>, %arg15: memref<100352xf32, #tpu.memory_space<vmem_shared>>, %arg16: memref<100352xf32, #tpu.memory_space<vmem_shared>>, %arg17: memref<100352xf32, #tpu.memory_space<vmem_shared>>, %arg18: memref<100352xf32, #tpu.memory_space<vmem_shared>>, %arg19: memref<100352xf32, #tpu.memory_space<vmem_shared>>, %arg20: memref<100352xf32, #tpu.memory_space<vmem_shared>>, %arg21: memref<!tpu.dma_semaphore, #tpu.memory_space<semaphore_mem>>, %arg22: memref<!tpu.dma_semaphore, #tpu.memory_space<semaphore_mem>>, %arg23: memref<!tpu.dma_semaphore, #tpu.memory_space<semaphore_mem>>, %arg24: memref<!tpu.dma_semaphore, #tpu.memory_space<semaphore_mem>>) attributes {dimension_semantics = [#tpu.dimension_semantics<core_parallel>, #tpu.dimension_semantics<subcore_parallel>], iteration_bounds = array<i64: 2, 16>, scalar_prefetch = 0 : i64, scratch_operands = 19 : i64, tpu.core_type = #tpu.core_type<sc_vector_subcore>, window_params = [{transform_indices = #map}, {transform_indices = #map}, {transform_indices = #map1}, {transform_indices = #map1}]} {
    %scan3A = arith.constant 0 : i32
    %scan3A_0 = arith.constant 0 : i32
    %scan3A_1 = arith.constant 392 : i32
    %scan3A_2 = arith.addi %scan3A_0, %scan3A_1 : i32
    %scan3A_3 = arith.constant 1 : i32
    scf.for %scan3A_11 = %scan3A_0 to %scan3A_2 step %scan3A_3  : i32 {
      %broadcast_in_dim3A = arith.constant 0.000000e+00 : f32
      %broadcast_in_dim3A_12 = vector.broadcast %broadcast_in_dim3A : f32 to vector<16xf32>
      %mul3A = arith.constant 16 : i32
      %mul3A_13 = arith.muli %scan3A_11, %mul3A : i32
      %swap3A = arith.index_cast %mul3A_13 : i32 to index
      %swap3A_14 = tpu.vector_load %arg8[%swap3A] {strides = array<i32>} : memref<6272xf32, #tpu.memory_space<vmem>>, vector<16xf32>,
      tpu.vector_store %arg8[%swap3A], %broadcast_in_dim3A_12 {strides = array<i32>} : memref<6272xf32, #tpu.memory_space<vmem>>, vector<16xf32>,
    }
    %scan3A_4 = arith.constant 392 : i32
    %scan3A_5 = arith.constant 0 : i32
    %scan3A_6 = arith.constant 0 : i32
    %scan3A_7 = arith.constant 128 : i32
    %scan3A_8 = arith.addi %scan3A_6, %scan3A_7 : i32
    %scan3A_9 = arith.constant 1 : i32
    scf.for %scan3A_11 = %scan3A_6 to %scan3A_8 step %scan3A_9  : i32 {
      %mul3A = arith.constant 2 : i32
      %mul3A_12 = arith.muli %scan3A_11, %mul3A : i32
      %add3A = arith.addi %mul3A_12, %arg0 : i32
      %mul3A_13 = arith.constant 4 : i32
      %mul3A_14 = arith.muli %add3A, %mul3A_13 : i32
      %add3A_15 = arith.constant 0 : i32
      %add3A_16 = arith.addi %mul3A_14, %add3A_15 : i32
      %mul3A_17 = arith.constant 6272 : i32
      %mul3A_18 = arith.muli %arg1, %mul3A_17 : i32
      %mul3A_19 = arith.constant 6272 : i32
      %mul3A_20 = arith.muli %arg1, %mul3A_19 : i32
      "tpu.region"() ({
        %run_scoped3A = tpu.sem_alloc : memref<!tpu.dma_semaphore, #tpu.memory_space<semaphore_mem>>
        %dma_start3A = tpu.memref_slice %arg13[%mul3A_20] : memref<100352xf32, #tpu.memory_space<vmem_shared>> -> memref<6272xf32, #tpu.memory_space<vmem_shared>>
        %dma_start3A_79 = tpu.memref_slice %arg4[%add3A_16, %mul3A_18] : memref<1024x100352xf32, #tpu.memory_space<hbm>> -> memref<1x6272xf32, #tpu.memory_space<hbm>>
        %dma_start3A_80 = tpu.memref_squeeze %dma_start3A_79 : memref<1x6272xf32, #tpu.memory_space<hbm>> -> memref<6272xf32, #tpu.memory_space<hbm>>
        tpu.enqueue_dma source(%dma_start3A_80 : memref<6272xf32, #tpu.memory_space<hbm>>) target(%dma_start3A : memref<6272xf32, #tpu.memory_space<vmem_shared>>) target_semaphore(%run_scoped3A : memref<!tpu.dma_semaphore, #tpu.memory_space<semaphore_mem>>)
        %dma_wait3A = tpu.memref_slice %arg13[%mul3A_20] : memref<100352xf32, #tpu.memory_space<vmem_shared>> -> memref<6272xf32, #tpu.memory_space<vmem_shared>>
        %dma_wait3A_81 = tpu.memref_slice %arg4[%add3A_16, %mul3A_18] : memref<1024x100352xf32, #tpu.memory_space<hbm>> -> memref<1x6272xf32, #tpu.memory_space<hbm>>
        %dma_wait3A_82 = tpu.memref_squeeze %dma_wait3A_81 : memref<1x6272xf32, #tpu.memory_space<hbm>> -> memref<6272xf32, #tpu.memory_space<hbm>>
        tpu.wait_dma2 semaphore(%run_scoped3A : memref<!tpu.dma_semaphore, #tpu.memory_space<semaphore_mem>>) src(%dma_wait3A_82 : memref<6272xf32, #tpu.memory_space<hbm>>) dst(%dma_wait3A : memref<6272xf32, #tpu.memory_space<vmem_shared>>)
        tpu.yield
      }) : () -> ()
      %mul3A_21 = arith.constant 6272 : i32
      %mul3A_22 = arith.muli %arg1, %mul3A_21 : i32
      "tpu.region"() ({
        %run_scoped3A = tpu.sem_alloc : memref<!tpu.dma_semaphore, #tpu.memory_space<semaphore_mem>>
        %dma_start3A = tpu.memref_slice %arg17[%mul3A_22] : memref<100352xf32, #tpu.memory_space<vmem_shared>> -> memref<6272xf32, #tpu.memory_space<vmem_shared>>
        %dma_start3A_79 = tpu.memref_slice %arg17[%mul3A_22] : memref<100352xf32, #tpu.memory_space<vmem_shared>> -> memref<6272xf32, #tpu.memory_space<vmem_shared>>
        tpu.enqueue_dma source(%arg8 : memref<6272xf32, #tpu.memory_space<vmem>>) target(%dma_start3A_79 : memref<6272xf32, #tpu.memory_space<vmem_shared>>) target_semaphore(%run_scoped3A : memref<!tpu.dma_semaphore, #tpu.memory_space<semaphore_mem>>)
        %dma_wait3A = tpu.memref_slice %arg17[%mul3A_22] : memref<100352xf32, #tpu.memory_space<vmem_shared>> -> memref<6272xf32, #tpu.memory_space<vmem_shared>>
        %dma_wait3A_80 = tpu.memref_slice %arg17[%mul3A_22] : memref<100352xf32, #tpu.memory_space<vmem_shared>> -> memref<6272xf32, #tpu.memory_space<vmem_shared>>
        tpu.wait_dma2 semaphore(%run_scoped3A : memref<!tpu.dma_semaphore, #tpu.memory_space<semaphore_mem>>) src(%arg8 : memref<6272xf32, #tpu.memory_space<vmem>>) dst(%dma_wait3A_80 : memref<6272xf32, #tpu.memory_space<vmem_shared>>)
        tpu.yield
      }) : () -> ()
      %add3A_23 = arith.constant 1 : i32
      %add3A_24 = arith.addi %mul3A_14, %add3A_23 : i32
      %mul3A_25 = arith.constant 6272 : i32
      %mul3A_26 = arith.muli %arg1, %mul3A_25 : i32
      %mul3A_27 = arith.constant 6272 : i32
      %mul3A_28 = arith.muli %arg1, %mul3A_27 : i32
      "tpu.region"() ({
        %run_scoped3A = tpu.sem_alloc : memref<!tpu.dma_semaphore, #tpu.memory_space<semaphore_mem>>
        %dma_start3A = tpu.memref_slice %arg14[%mul3A_28] : memref<100352xf32, #tpu.memory_space<vmem_shared>> -> memref<6272xf32, #tpu.memory_space<vmem_shared>>
        %dma_start3A_79 = tpu.memref_slice %arg4[%add3A_24, %mul3A_26] : memref<1024x100352xf32, #tpu.memory_space<hbm>> -> memref<1x6272xf32, #tpu.memory_space<hbm>>
        %dma_start3A_80 = tpu.memref_squeeze %dma_start3A_79 : memref<1x6272xf32, #tpu.memory_space<hbm>> -> memref<6272xf32, #tpu.memory_space<hbm>>
        tpu.enqueue_dma source(%dma_start3A_80 : memref<6272xf32, #tpu.memory_space<hbm>>) target(%dma_start3A : memref<6272xf32, #tpu.memory_space<vmem_shared>>) target_semaphore(%run_scoped3A : memref<!tpu.dma_semaphore, #tpu.memory_space<semaphore_mem>>)
        %dma_wait3A = tpu.memref_slice %arg14[%mul3A_28] : memref<100352xf32, #tpu.memory_space<vmem_shared>> -> memref<6272xf32, #tpu.memory_space<vmem_shared>>
        %dma_wait3A_81 = tpu.memref_slice %arg4[%add3A_24, %mul3A_26] : memref<1024x100352xf32, #tpu.memory_space<hbm>> -> memref<1x6272xf32, #tpu.memory_space<hbm>>
        %dma_wait3A_82 = tpu.memref_squeeze %dma_wait3A_81 : memref<1x6272xf32, #tpu.memory_space<hbm>> -> memref<6272xf32, #tpu.memory_space<hbm>>
        tpu.wait_dma2 semaphore(%run_scoped3A : memref<!tpu.dma_semaphore, #tpu.memory_space<semaphore_mem>>) src(%dma_wait3A_82 : memref<6272xf32, #tpu.memory_space<hbm>>) dst(%dma_wait3A : memref<6272xf32, #tpu.memory_space<vmem_shared>>)
        tpu.yield
      }) : () -> ()
      %mul3A_29 = arith.constant 6272 : i32
      %mul3A_30 = arith.muli %arg1, %mul3A_29 : i32
      "tpu.region"() ({
        %run_scoped3A = tpu.sem_alloc : memref<!tpu.dma_semaphore, #tpu.memory_space<semaphore_mem>>
        %dma_start3A = tpu.memref_slice %arg18[%mul3A_30] : memref<100352xf32, #tpu.memory_space<vmem_shared>> -> memref<6272xf32, #tpu.memory_space<vmem_shared>>
        %dma_start3A_79 = tpu.memref_slice %arg18[%mul3A_30] : memref<100352xf32, #tpu.memory_space<vmem_shared>> -> memref<6272xf32, #tpu.memory_space<vmem_shared>>
        tpu.enqueue_dma source(%arg8 : memref<6272xf32, #tpu.memory_space<vmem>>) target(%dma_start3A_79 : memref<6272xf32, #tpu.memory_space<vmem_shared>>) target_semaphore(%run_scoped3A : memref<!tpu.dma_semaphore, #tpu.memory_space<semaphore_mem>>)
        %dma_wait3A = tpu.memref_slice %arg18[%mul3A_30] : memref<100352xf32, #tpu.memory_space<vmem_shared>> -> memref<6272xf32, #tpu.memory_space<vmem_shared>>
        %dma_wait3A_80 = tpu.memref_slice %arg18[%mul3A_30] : memref<100352xf32, #tpu.memory_space<vmem_shared>> -> memref<6272xf32, #tpu.memory_space<vmem_shared>>
        tpu.wait_dma2 semaphore(%run_scoped3A : memref<!tpu.dma_semaphore, #tpu.memory_space<semaphore_mem>>) src(%arg8 : memref<6272xf32, #tpu.memory_space<vmem>>) dst(%dma_wait3A_80 : memref<6272xf32, #tpu.memory_space<vmem_shared>>)
        tpu.yield
      }) : () -> ()
      %add3A_31 = arith.constant 2 : i32
      %add3A_32 = arith.addi %mul3A_14, %add3A_31 : i32
      %mul3A_33 = arith.constant 6272 : i32
      %mul3A_34 = arith.muli %arg1, %mul3A_33 : i32
      %mul3A_35 = arith.constant 6272 : i32
      %mul3A_36 = arith.muli %arg1, %mul3A_35 : i32
      "tpu.region"() ({
        %run_scoped3A = tpu.sem_alloc : memref<!tpu.dma_semaphore, #tpu.memory_space<semaphore_mem>>
        %dma_start3A = tpu.memref_slice %arg15[%mul3A_36] : memref<100352xf32, #tpu.memory_space<vmem_shared>> -> memref<6272xf32, #tpu.memory_space<vmem_shared>>
        %dma_start3A_79 = tpu.memref_slice %arg4[%add3A_32, %mul3A_34] : memref<1024x100352xf32, #tpu.memory_space<hbm>> -> memref<1x6272xf32, #tpu.memory_space<hbm>>
        %dma_start3A_80 = tpu.memref_squeeze %dma_start3A_79 : memref<1x6272xf32, #tpu.memory_space<hbm>> -> memref<6272xf32, #tpu.memory_space<hbm>>
        tpu.enqueue_dma source(%dma_start3A_80 : memref<6272xf32, #tpu.memory_space<hbm>>) target(%dma_start3A : memref<6272xf32, #tpu.memory_space<vmem_shared>>) target_semaphore(%run_scoped3A : memref<!tpu.dma_semaphore, #tpu.memory_space<semaphore_mem>>)
        %dma_wait3A = tpu.memref_slice %arg15[%mul3A_36] : memref<100352xf32, #tpu.memory_space<vmem_shared>> -> memref<6272xf32, #tpu.memory_space<vmem_shared>>
        %dma_wait3A_81 = tpu.memref_slice %arg4[%add3A_32, %mul3A_34] : memref<1024x100352xf32, #tpu.memory_space<hbm>> -> memref<1x6272xf32, #tpu.memory_space<hbm>>
        %dma_wait3A_82 = tpu.memref_squeeze %dma_wait3A_81 : memref<1x6272xf32, #tpu.memory_space<hbm>> -> memref<6272xf32, #tpu.memory_space<hbm>>
        tpu.wait_dma2 semaphore(%run_scoped3A : memref<!tpu.dma_semaphore, #tpu.memory_space<semaphore_mem>>) src(%dma_wait3A_82 : memref<6272xf32, #tpu.memory_space<hbm>>) dst(%dma_wait3A : memref<6272xf32, #tpu.memory_space<vmem_shared>>)
        tpu.yield
      }) : () -> ()
      %mul3A_37 = arith.constant 6272 : i32
      %mul3A_38 = arith.muli %arg1, %mul3A_37 : i32
      "tpu.region"() ({
        %run_scoped3A = tpu.sem_alloc : memref<!tpu.dma_semaphore, #tpu.memory_space<semaphore_mem>>
        %dma_start3A = tpu.memref_slice %arg19[%mul3A_38] : memref<100352xf32, #tpu.memory_space<vmem_shared>> -> memref<6272xf32, #tpu.memory_space<vmem_shared>>
        %dma_start3A_79 = tpu.memref_slice %arg19[%mul3A_38] : memref<100352xf32, #tpu.memory_space<vmem_shared>> -> memref<6272xf32, #tpu.memory_space<vmem_shared>>
        tpu.enqueue_dma source(%arg8 : memref<6272xf32, #tpu.memory_space<vmem>>) target(%dma_start3A_79 : memref<6272xf32, #tpu.memory_space<vmem_shared>>) target_semaphore(%run_scoped3A : memref<!tpu.dma_semaphore, #tpu.memory_space<semaphore_mem>>)
        %dma_wait3A = tpu.memref_slice %arg19[%mul3A_38] : memref<100352xf32, #tpu.memory_space<vmem_shared>> -> memref<6272xf32, #tpu.memory_space<vmem_shared>>
        %dma_wait3A_80 = tpu.memref_slice %arg19[%mul3A_38] : memref<100352xf32, #tpu.memory_space<vmem_shared>> -> memref<6272xf32, #tpu.memory_space<vmem_shared>>
        tpu.wait_dma2 semaphore(%run_scoped3A : memref<!tpu.dma_semaphore, #tpu.memory_space<semaphore_mem>>) src(%arg8 : memref<6272xf32, #tpu.memory_space<vmem>>) dst(%dma_wait3A_80 : memref<6272xf32, #tpu.memory_space<vmem_shared>>)
        tpu.yield
      }) : () -> ()
      %add3A_39 = arith.constant 3 : i32
      %add3A_40 = arith.addi %mul3A_14, %add3A_39 : i32
      %mul3A_41 = arith.constant 6272 : i32
      %mul3A_42 = arith.muli %arg1, %mul3A_41 : i32
      %mul3A_43 = arith.constant 6272 : i32
      %mul3A_44 = arith.muli %arg1, %mul3A_43 : i32
      "tpu.region"() ({
        %run_scoped3A = tpu.sem_alloc : memref<!tpu.dma_semaphore, #tpu.memory_space<semaphore_mem>>
        %dma_start3A = tpu.memref_slice %arg16[%mul3A_44] : memref<100352xf32, #tpu.memory_space<vmem_shared>> -> memref<6272xf32, #tpu.memory_space<vmem_shared>>
        %dma_start3A_79 = tpu.memref_slice %arg4[%add3A_40, %mul3A_42] : memref<1024x100352xf32, #tpu.memory_space<hbm>> -> memref<1x6272xf32, #tpu.memory_space<hbm>>
        %dma_start3A_80 = tpu.memref_squeeze %dma_start3A_79 : memref<1x6272xf32, #tpu.memory_space<hbm>> -> memref<6272xf32, #tpu.memory_space<hbm>>
        tpu.enqueue_dma source(%dma_start3A_80 : memref<6272xf32, #tpu.memory_space<hbm>>) target(%dma_start3A : memref<6272xf32, #tpu.memory_space<vmem_shared>>) target_semaphore(%run_scoped3A : memref<!tpu.dma_semaphore, #tpu.memory_space<semaphore_mem>>)
        %dma_wait3A = tpu.memref_slice %arg16[%mul3A_44] : memref<100352xf32, #tpu.memory_space<vmem_shared>> -> memref<6272xf32, #tpu.memory_space<vmem_shared>>
        %dma_wait3A_81 = tpu.memref_slice %arg4[%add3A_40, %mul3A_42] : memref<1024x100352xf32, #tpu.memory_space<hbm>> -> memref<1x6272xf32, #tpu.memory_space<hbm>>
        %dma_wait3A_82 = tpu.memref_squeeze %dma_wait3A_81 : memref<1x6272xf32, #tpu.memory_space<hbm>> -> memref<6272xf32, #tpu.memory_space<hbm>>
        tpu.wait_dma2 semaphore(%run_scoped3A : memref<!tpu.dma_semaphore, #tpu.memory_space<semaphore_mem>>) src(%dma_wait3A_82 : memref<6272xf32, #tpu.memory_space<hbm>>) dst(%dma_wait3A : memref<6272xf32, #tpu.memory_space<vmem_shared>>)
        tpu.yield
      }) : () -> ()
      %mul3A_45 = arith.constant 6272 : i32
      %mul3A_46 = arith.muli %arg1, %mul3A_45 : i32
      "tpu.region"() ({
        %run_scoped3A = tpu.sem_alloc : memref<!tpu.dma_semaphore, #tpu.memory_space<semaphore_mem>>
        %dma_start3A = tpu.memref_slice %arg20[%mul3A_46] : memref<100352xf32, #tpu.memory_space<vmem_shared>> -> memref<6272xf32, #tpu.memory_space<vmem_shared>>
        %dma_start3A_79 = tpu.memref_slice %arg20[%mul3A_46] : memref<100352xf32, #tpu.memory_space<vmem_shared>> -> memref<6272xf32, #tpu.memory_space<vmem_shared>>
        tpu.enqueue_dma source(%arg8 : memref<6272xf32, #tpu.memory_space<vmem>>) target(%dma_start3A_79 : memref<6272xf32, #tpu.memory_space<vmem_shared>>) target_semaphore(%run_scoped3A : memref<!tpu.dma_semaphore, #tpu.memory_space<semaphore_mem>>)
        %dma_wait3A = tpu.memref_slice %arg20[%mul3A_46] : memref<100352xf32, #tpu.memory_space<vmem_shared>> -> memref<6272xf32, #tpu.memory_space<vmem_shared>>
        %dma_wait3A_80 = tpu.memref_slice %arg20[%mul3A_46] : memref<100352xf32, #tpu.memory_space<vmem_shared>> -> memref<6272xf32, #tpu.memory_space<vmem_shared>>
        tpu.wait_dma2 semaphore(%run_scoped3A : memref<!tpu.dma_semaphore, #tpu.memory_space<semaphore_mem>>) src(%arg8 : memref<6272xf32, #tpu.memory_space<vmem>>) dst(%dma_wait3A_80 : memref<6272xf32, #tpu.memory_space<vmem_shared>>)
        tpu.yield
      }) : () -> ()
      %barrier3A = arith.constant 0 : index
      tpu.barrier barrier_id(%barrier3A)
      %scan3A_47 = arith.constant 0 : i32
      %scan3A_48 = arith.constant 0 : i32
      %scan3A_49 = arith.constant 10 : i32
      %scan3A_50 = arith.addi %scan3A_48, %scan3A_49 : i32
      %scan3A_51 = arith.constant 1 : i32
      scf.for %scan3A_79 = %scan3A_48 to %scan3A_50 step %scan3A_51  : i32 {
        %mul3A_80 = arith.constant 100000 : i32
        %mul3A_81 = arith.muli %arg1, %mul3A_80 : i32
        %mul3A_82 = arith.constant 10000 : i32
        %mul3A_83 = arith.muli %scan3A_79, %mul3A_82 : i32
        %add3A_84 = arith.addi %mul3A_81, %mul3A_83 : i32
        "tpu.region"() ({
          %run_scoped3A = tpu.sem_alloc : memref<!tpu.dma_semaphore, #tpu.memory_space<semaphore_mem>>
          %dma_start3A_99 = tpu.memref_slice %arg2[%add3A_84] : memref<1600000xi32, #tpu.memory_space<hbm>> -> memref<10000xi32, #tpu.memory_space<hbm>>
          %dma_start3A_100 = tpu.memref_slice %arg2[%add3A_84] : memref<1600000xi32, #tpu.memory_space<hbm>> -> memref<10000xi32, #tpu.memory_space<hbm>>
          tpu.enqueue_dma source(%dma_start3A_100 : memref<10000xi32, #tpu.memory_space<hbm>>) target(%arg6 : memref<10000xi32, #tpu.memory_space<vmem>>) target_semaphore(%run_scoped3A : memref<!tpu.dma_semaphore, #tpu.memory_space<semaphore_mem>>)
          %dma_wait3A_101 = tpu.memref_slice %arg2[%add3A_84] : memref<1600000xi32, #tpu.memory_space<hbm>> -> memref<10000xi32, #tpu.memory_space<hbm>>
          %dma_wait3A_102 = tpu.memref_slice %arg2[%add3A_84] : memref<1600000xi32, #tpu.memory_space<hbm>> -> memref<10000xi32, #tpu.memory_space<hbm>>
          tpu.wait_dma2 semaphore(%run_scoped3A : memref<!tpu.dma_semaphore, #tpu.memory_space<semaphore_mem>>) src(%dma_wait3A_102 : memref<10000xi32, #tpu.memory_space<hbm>>) dst(%arg6 : memref<10000xi32, #tpu.memory_space<vmem>>)
          tpu.yield
        }) : () -> ()
        "tpu.region"() ({
          %run_scoped3A = tpu.sem_alloc : memref<!tpu.dma_semaphore, #tpu.memory_space<semaphore_mem>>
          %dma_start3A_99 = tpu.memref_slice %arg3[%add3A_84] : memref<1600000xi32, #tpu.memory_space<hbm>> -> memref<10000xi32, #tpu.memory_space<hbm>>
          %dma_start3A_100 = tpu.memref_slice %arg3[%add3A_84] : memref<1600000xi32, #tpu.memory_space<hbm>> -> memref<10000xi32, #tpu.memory_space<hbm>>
          tpu.enqueue_dma source(%dma_start3A_100 : memref<10000xi32, #tpu.memory_space<hbm>>) target(%arg7 : memref<10000xi32, #tpu.memory_space<vmem>>) target_semaphore(%run_scoped3A : memref<!tpu.dma_semaphore, #tpu.memory_space<semaphore_mem>>)
          %dma_wait3A_101 = tpu.memref_slice %arg3[%add3A_84] : memref<1600000xi32, #tpu.memory_space<hbm>> -> memref<10000xi32, #tpu.memory_space<hbm>>
          %dma_wait3A_102 = tpu.memref_slice %arg3[%add3A_84] : memref<1600000xi32, #tpu.memory_space<hbm>> -> memref<10000xi32, #tpu.memory_space<hbm>>
          tpu.wait_dma2 semaphore(%run_scoped3A : memref<!tpu.dma_semaphore, #tpu.memory_space<semaphore_mem>>) src(%dma_wait3A_102 : memref<10000xi32, #tpu.memory_space<hbm>>) dst(%arg7 : memref<10000xi32, #tpu.memory_space<vmem>>)
          tpu.yield
        }) : () -> ()
        %dma_start3A = arith.constant 0 : i32
        %dma_start3A_85 = tpu.memref_slice %arg13[%dma_start3A] : memref<100352xf32, #tpu.memory_space<vmem_shared>> -> memref<100352xf32, #tpu.memory_space<vmem_shared>>
        tpu.enqueue_indirect_dma source(%dma_start3A_85 : memref<100352xf32, #tpu.memory_space<vmem_shared>>) target(%arg9 : memref<10000xf32, #tpu.memory_space<vmem>>) offsets(%arg6 : memref<10000xi32, #tpu.memory_space<vmem>>) semaphore(%arg21 : memref<!tpu.dma_semaphore, #tpu.memory_space<semaphore_mem>>)
        %dma_start3A_86 = arith.constant 0 : i32
        %dma_start3A_87 = tpu.memref_slice %arg14[%dma_start3A_86] : memref<100352xf32, #tpu.memory_space<vmem_shared>> -> memref<100352xf32, #tpu.memory_space<vmem_shared>>
        tpu.enqueue_indirect_dma source(%dma_start3A_87 : memref<100352xf32, #tpu.memory_space<vmem_shared>>) target(%arg10 : memref<10000xf32, #tpu.memory_space<vmem>>) offsets(%arg6 : memref<10000xi32, #tpu.memory_space<vmem>>) semaphore(%arg22 : memref<!tpu.dma_semaphore, #tpu.memory_space<semaphore_mem>>)
        %dma_start3A_88 = arith.constant 0 : i32
        %dma_start3A_89 = tpu.memref_slice %arg15[%dma_start3A_88] : memref<100352xf32, #tpu.memory_space<vmem_shared>> -> memref<100352xf32, #tpu.memory_space<vmem_shared>>
        tpu.enqueue_indirect_dma source(%dma_start3A_89 : memref<100352xf32, #tpu.memory_space<vmem_shared>>) target(%arg11 : memref<10000xf32, #tpu.memory_space<vmem>>) offsets(%arg6 : memref<10000xi32, #tpu.memory_space<vmem>>) semaphore(%arg23 : memref<!tpu.dma_semaphore, #tpu.memory_space<semaphore_mem>>)
        %dma_start3A_90 = arith.constant 0 : i32
        %dma_start3A_91 = tpu.memref_slice %arg16[%dma_start3A_90] : memref<100352xf32, #tpu.memory_space<vmem_shared>> -> memref<100352xf32, #tpu.memory_space<vmem_shared>>
        tpu.enqueue_indirect_dma source(%dma_start3A_91 : memref<100352xf32, #tpu.memory_space<vmem_shared>>) target(%arg12 : memref<10000xf32, #tpu.memory_space<vmem>>) offsets(%arg6 : memref<10000xi32, #tpu.memory_space<vmem>>) semaphore(%arg24 : memref<!tpu.dma_semaphore, #tpu.memory_space<semaphore_mem>>)
        %dma_wait3A = arith.constant 0 : i32
        %dma_wait3A_92 = tpu.memref_slice %arg13[%dma_wait3A] : memref<100352xf32, #tpu.memory_space<vmem_shared>> -> memref<100352xf32, #tpu.memory_space<vmem_shared>>
        tpu.wait_indirect_dma semaphore(%arg21 : memref<!tpu.dma_semaphore, #tpu.memory_space<semaphore_mem>>) src(%dma_wait3A_92 : memref<100352xf32, #tpu.memory_space<vmem_shared>>) dst(%arg9 : memref<10000xf32, #tpu.memory_space<vmem>>)
        "tpu.region"() ({
          %run_scoped3A = tpu.sem_alloc : memref<!tpu.dma_semaphore, #tpu.memory_space<semaphore_mem>>
          %dma_start3A_99 = arith.constant 0 : i32
          %dma_start3A_100 = tpu.memref_slice %arg17[%dma_start3A_99] : memref<100352xf32, #tpu.memory_space<vmem_shared>> -> memref<100352xf32, #tpu.memory_space<vmem_shared>>
          tpu.enqueue_indirect_dma source(%arg9 : memref<10000xf32, #tpu.memory_space<vmem>>) target(%dma_start3A_100 : memref<100352xf32, #tpu.memory_space<vmem_shared>>) offsets(%arg7 : memref<10000xi32, #tpu.memory_space<vmem>>) semaphore(%run_scoped3A : memref<!tpu.dma_semaphore, #tpu.memory_space<semaphore_mem>>) {add = true}
          %dma_wait3A_101 = arith.constant 0 : i32
          %dma_wait3A_102 = tpu.memref_slice %arg17[%dma_wait3A_101] : memref<100352xf32, #tpu.memory_space<vmem_shared>> -> memref<100352xf32, #tpu.memory_space<vmem_shared>>
          tpu.wait_indirect_dma semaphore(%run_scoped3A : memref<!tpu.dma_semaphore, #tpu.memory_space<semaphore_mem>>) src(%arg9 : memref<10000xf32, #tpu.memory_space<vmem>>) dst(%dma_wait3A_102 : memref<100352xf32, #tpu.memory_space<vmem_shared>>)
          tpu.yield
        }) : () -> ()
        %dma_wait3A_93 = arith.constant 0 : i32
        %dma_wait3A_94 = tpu.memref_slice %arg14[%dma_wait3A_93] : memref<100352xf32, #tpu.memory_space<vmem_shared>> -> memref<100352xf32, #tpu.memory_space<vmem_shared>>
        tpu.wait_indirect_dma semaphore(%arg22 : memref<!tpu.dma_semaphore, #tpu.memory_space<semaphore_mem>>) src(%dma_wait3A_94 : memref<100352xf32, #tpu.memory_space<vmem_shared>>) dst(%arg10 : memref<10000xf32, #tpu.memory_space<vmem>>)
        "tpu.region"() ({
          %run_scoped3A = tpu.sem_alloc : memref<!tpu.dma_semaphore, #tpu.memory_space<semaphore_mem>>
          %dma_start3A_99 = arith.constant 0 : i32
          %dma_start3A_100 = tpu.memref_slice %arg18[%dma_start3A_99] : memref<100352xf32, #tpu.memory_space<vmem_shared>> -> memref<100352xf32, #tpu.memory_space<vmem_shared>>
          tpu.enqueue_indirect_dma source(%arg10 : memref<10000xf32, #tpu.memory_space<vmem>>) target(%dma_start3A_100 : memref<100352xf32, #tpu.memory_space<vmem_shared>>) offsets(%arg7 : memref<10000xi32, #tpu.memory_space<vmem>>) semaphore(%run_scoped3A : memref<!tpu.dma_semaphore, #tpu.memory_space<semaphore_mem>>) {add = true}
          %dma_wait3A_101 = arith.constant 0 : i32
          %dma_wait3A_102 = tpu.memref_slice %arg18[%dma_wait3A_101] : memref<100352xf32, #tpu.memory_space<vmem_shared>> -> memref<100352xf32, #tpu.memory_space<vmem_shared>>
          tpu.wait_indirect_dma semaphore(%run_scoped3A : memref<!tpu.dma_semaphore, #tpu.memory_space<semaphore_mem>>) src(%arg10 : memref<10000xf32, #tpu.memory_space<vmem>>) dst(%dma_wait3A_102 : memref<100352xf32, #tpu.memory_space<vmem_shared>>)
          tpu.yield
        }) : () -> ()
        %dma_wait3A_95 = arith.constant 0 : i32
        %dma_wait3A_96 = tpu.memref_slice %arg15[%dma_wait3A_95] : memref<100352xf32, #tpu.memory_space<vmem_shared>> -> memref<100352xf32, #tpu.memory_space<vmem_shared>>
        tpu.wait_indirect_dma semaphore(%arg23 : memref<!tpu.dma_semaphore, #tpu.memory_space<semaphore_mem>>) src(%dma_wait3A_96 : memref<100352xf32, #tpu.memory_space<vmem_shared>>) dst(%arg11 : memref<10000xf32, #tpu.memory_space<vmem>>)
        "tpu.region"() ({
          %run_scoped3A = tpu.sem_alloc : memref<!tpu.dma_semaphore, #tpu.memory_space<semaphore_mem>>
          %dma_start3A_99 = arith.constant 0 : i32
          %dma_start3A_100 = tpu.memref_slice %arg19[%dma_start3A_99] : memref<100352xf32, #tpu.memory_space<vmem_shared>> -> memref<100352xf32, #tpu.memory_space<vmem_shared>>
          tpu.enqueue_indirect_dma source(%arg11 : memref<10000xf32, #tpu.memory_space<vmem>>) target(%dma_start3A_100 : memref<100352xf32, #tpu.memory_space<vmem_shared>>) offsets(%arg7 : memref<10000xi32, #tpu.memory_space<vmem>>) semaphore(%run_scoped3A : memref<!tpu.dma_semaphore, #tpu.memory_space<semaphore_mem>>) {add = true}
          %dma_wait3A_101 = arith.constant 0 : i32
          %dma_wait3A_102 = tpu.memref_slice %arg19[%dma_wait3A_101] : memref<100352xf32, #tpu.memory_space<vmem_shared>> -> memref<100352xf32, #tpu.memory_space<vmem_shared>>
          tpu.wait_indirect_dma semaphore(%run_scoped3A : memref<!tpu.dma_semaphore, #tpu.memory_space<semaphore_mem>>) src(%arg11 : memref<10000xf32, #tpu.memory_space<vmem>>) dst(%dma_wait3A_102 : memref<100352xf32, #tpu.memory_space<vmem_shared>>)
          tpu.yield
        }) : () -> ()
        %dma_wait3A_97 = arith.constant 0 : i32
        %dma_wait3A_98 = tpu.memref_slice %arg16[%dma_wait3A_97] : memref<100352xf32, #tpu.memory_space<vmem_shared>> -> memref<100352xf32, #tpu.memory_space<vmem_shared>>
        tpu.wait_indirect_dma semaphore(%arg24 : memref<!tpu.dma_semaphore, #tpu.memory_space<semaphore_mem>>) src(%dma_wait3A_98 : memref<100352xf32, #tpu.memory_space<vmem_shared>>) dst(%arg12 : memref<10000xf32, #tpu.memory_space<vmem>>)
        "tpu.region"() ({
          %run_scoped3A = tpu.sem_alloc : memref<!tpu.dma_semaphore, #tpu.memory_space<semaphore_mem>>
          %dma_start3A_99 = arith.constant 0 : i32
          %dma_start3A_100 = tpu.memref_slice %arg20[%dma_start3A_99] : memref<100352xf32, #tpu.memory_space<vmem_shared>> -> memref<100352xf32, #tpu.memory_space<vmem_shared>>
          tpu.enqueue_indirect_dma source(%arg12 : memref<10000xf32, #tpu.memory_space<vmem>>) target(%dma_start3A_100 : memref<100352xf32, #tpu.memory_space<vmem_shared>>) offsets(%arg7 : memref<10000xi32, #tpu.memory_space<vmem>>) semaphore(%run_scoped3A : memref<!tpu.dma_semaphore, #tpu.memory_space<semaphore_mem>>) {add = true}
          %dma_wait3A_101 = arith.constant 0 : i32
          %dma_wait3A_102 = tpu.memref_slice %arg20[%dma_wait3A_101] : memref<100352xf32, #tpu.memory_space<vmem_shared>> -> memref<100352xf32, #tpu.memory_space<vmem_shared>>
          tpu.wait_indirect_dma semaphore(%run_scoped3A : memref<!tpu.dma_semaphore, #tpu.memory_space<semaphore_mem>>) src(%arg12 : memref<10000xf32, #tpu.memory_space<vmem>>) dst(%dma_wait3A_102 : memref<100352xf32, #tpu.memory_space<vmem_shared>>)
          tpu.yield
        }) : () -> ()
      }
      %scan3A_52 = arith.constant 10 : i32
      %barrier3A_53 = arith.constant 0 : index
      tpu.barrier barrier_id(%barrier3A_53)
      %mul3A_54 = arith.constant 6272 : i32
      %mul3A_55 = arith.muli %arg1, %mul3A_54 : i32
      %add3A_56 = arith.constant 0 : i32
      %add3A_57 = arith.addi %mul3A_14, %add3A_56 : i32
      %mul3A_58 = arith.constant 6272 : i32
      %mul3A_59 = arith.muli %arg1, %mul3A_58 : i32
      "tpu.region"() ({
        %run_scoped3A = tpu.sem_alloc : memref<!tpu.dma_semaphore, #tpu.memory_space<semaphore_mem>>
        %dma_start3A = tpu.memref_slice %arg5[%add3A_57, %mul3A_59] : memref<1024x100352xf32, #tpu.memory_space<hbm>> -> memref<1x6272xf32, #tpu.memory_space<hbm>>
        %dma_start3A_79 = tpu.memref_squeeze %dma_start3A : memref<1x6272xf32, #tpu.memory_space<hbm>> -> memref<6272xf32, #tpu.memory_space<hbm>>
        %dma_start3A_80 = tpu.memref_slice %arg17[%mul3A_55] : memref<100352xf32, #tpu.memory_space<vmem_shared>> -> memref<6272xf32, #tpu.memory_space<vmem_shared>>
        tpu.enqueue_dma source(%dma_start3A_80 : memref<6272xf32, #tpu.memory_space<vmem_shared>>) target(%dma_start3A_79 : memref<6272xf32, #tpu.memory_space<hbm>>) target_semaphore(%run_scoped3A : memref<!tpu.dma_semaphore, #tpu.memory_space<semaphore_mem>>)
        %dma_wait3A = tpu.memref_slice %arg5[%add3A_57, %mul3A_59] : memref<1024x100352xf32, #tpu.memory_space<hbm>> -> memref<1x6272xf32, #tpu.memory_space<hbm>>
        %dma_wait3A_81 = tpu.memref_squeeze %dma_wait3A : memref<1x6272xf32, #tpu.memory_space<hbm>> -> memref<6272xf32, #tpu.memory_space<hbm>>
        %dma_wait3A_82 = tpu.memref_slice %arg17[%mul3A_55] : memref<100352xf32, #tpu.memory_space<vmem_shared>> -> memref<6272xf32, #tpu.memory_space<vmem_shared>>
        tpu.wait_dma2 semaphore(%run_scoped3A : memref<!tpu.dma_semaphore, #tpu.memory_space<semaphore_mem>>) src(%dma_wait3A_82 : memref<6272xf32, #tpu.memory_space<vmem_shared>>) dst(%dma_wait3A_81 : memref<6272xf32, #tpu.memory_space<hbm>>)
        tpu.yield
      }) : () -> ()
      %mul3A_60 = arith.constant 6272 : i32
      %mul3A_61 = arith.muli %arg1, %mul3A_60 : i32
      %add3A_62 = arith.constant 1 : i32
      %add3A_63 = arith.addi %mul3A_14, %add3A_62 : i32
      %mul3A_64 = arith.constant 6272 : i32
      %mul3A_65 = arith.muli %arg1, %mul3A_64 : i32
      "tpu.region"() ({
        %run_scoped3A = tpu.sem_alloc : memref<!tpu.dma_semaphore, #tpu.memory_space<semaphore_mem>>
        %dma_start3A = tpu.memref_slice %arg5[%add3A_63, %mul3A_65] : memref<1024x100352xf32, #tpu.memory_space<hbm>> -> memref<1x6272xf32, #tpu.memory_space<hbm>>
        %dma_start3A_79 = tpu.memref_squeeze %dma_start3A : memref<1x6272xf32, #tpu.memory_space<hbm>> -> memref<6272xf32, #tpu.memory_space<hbm>>
        %dma_start3A_80 = tpu.memref_slice %arg18[%mul3A_61] : memref<100352xf32, #tpu.memory_space<vmem_shared>> -> memref<6272xf32, #tpu.memory_space<vmem_shared>>
        tpu.enqueue_dma source(%dma_start3A_80 : memref<6272xf32, #tpu.memory_space<vmem_shared>>) target(%dma_start3A_79 : memref<6272xf32, #tpu.memory_space<hbm>>) target_semaphore(%run_scoped3A : memref<!tpu.dma_semaphore, #tpu.memory_space<semaphore_mem>>)
        %dma_wait3A = tpu.memref_slice %arg5[%add3A_63, %mul3A_65] : memref<1024x100352xf32, #tpu.memory_space<hbm>> -> memref<1x6272xf32, #tpu.memory_space<hbm>>
        %dma_wait3A_81 = tpu.memref_squeeze %dma_wait3A : memref<1x6272xf32, #tpu.memory_space<hbm>> -> memref<6272xf32, #tpu.memory_space<hbm>>
        %dma_wait3A_82 = tpu.memref_slice %arg18[%mul3A_61] : memref<100352xf32, #tpu.memory_space<vmem_shared>> -> memref<6272xf32, #tpu.memory_space<vmem_shared>>
        tpu.wait_dma2 semaphore(%run_scoped3A : memref<!tpu.dma_semaphore, #tpu.memory_space<semaphore_mem>>) src(%dma_wait3A_82 : memref<6272xf32, #tpu.memory_space<vmem_shared>>) dst(%dma_wait3A_81 : memref<6272xf32, #tpu.memory_space<hbm>>)
        tpu.yield
      }) : () -> ()
      %mul3A_66 = arith.constant 6272 : i32
      %mul3A_67 = arith.muli %arg1, %mul3A_66 : i32
      %add3A_68 = arith.constant 2 : i32
      %add3A_69 = arith.addi %mul3A_14, %add3A_68 : i32
      %mul3A_70 = arith.constant 6272 : i32
      %mul3A_71 = arith.muli %arg1, %mul3A_70 : i32
      "tpu.region"() ({
        %run_scoped3A = tpu.sem_alloc : memref<!tpu.dma_semaphore, #tpu.memory_space<semaphore_mem>>
        %dma_start3A = tpu.memref_slice %arg5[%add3A_69, %mul3A_71] : memref<1024x100352xf32, #tpu.memory_space<hbm>> -> memref<1x6272xf32, #tpu.memory_space<hbm>>
        %dma_start3A_79 = tpu.memref_squeeze %dma_start3A : memref<1x6272xf32, #tpu.memory_space<hbm>> -> memref<6272xf32, #tpu.memory_space<hbm>>
        %dma_start3A_80 = tpu.memref_slice %arg19[%mul3A_67] : memref<100352xf32, #tpu.memory_space<vmem_shared>> -> memref<6272xf32, #tpu.memory_space<vmem_shared>>
        tpu.enqueue_dma source(%dma_start3A_80 : memref<6272xf32, #tpu.memory_space<vmem_shared>>) target(%dma_start3A_79 : memref<6272xf32, #tpu.memory_space<hbm>>) target_semaphore(%run_scoped3A : memref<!tpu.dma_semaphore, #tpu.memory_space<semaphore_mem>>)
        %dma_wait3A = tpu.memref_slice %arg5[%add3A_69, %mul3A_71] : memref<1024x100352xf32, #tpu.memory_space<hbm>> -> memref<1x6272xf32, #tpu.memory_space<hbm>>
        %dma_wait3A_81 = tpu.memref_squeeze %dma_wait3A : memref<1x6272xf32, #tpu.memory_space<hbm>> -> memref<6272xf32, #tpu.memory_space<hbm>>
        %dma_wait3A_82 = tpu.memref_slice %arg19[%mul3A_67] : memref<100352xf32, #tpu.memory_space<vmem_shared>> -> memref<6272xf32, #tpu.memory_space<vmem_shared>>
        tpu.wait_dma2 semaphore(%run_scoped3A : memref<!tpu.dma_semaphore, #tpu.memory_space<semaphore_mem>>) src(%dma_wait3A_82 : memref<6272xf32, #tpu.memory_space<vmem_shared>>) dst(%dma_wait3A_81 : memref<6272xf32, #tpu.memory_space<hbm>>)
        tpu.yield
      }) : () -> ()
      %mul3A_72 = arith.constant 6272 : i32
      %mul3A_73 = arith.muli %arg1, %mul3A_72 : i32
      %add3A_74 = arith.constant 3 : i32
      %add3A_75 = arith.addi %mul3A_14, %add3A_74 : i32
      %mul3A_76 = arith.constant 6272 : i32
      %mul3A_77 = arith.muli %arg1, %mul3A_76 : i32
      "tpu.region"() ({
        %run_scoped3A = tpu.sem_alloc : memref<!tpu.dma_semaphore, #tpu.memory_space<semaphore_mem>>
        %dma_start3A = tpu.memref_slice %arg5[%add3A_75, %mul3A_77] : memref<1024x100352xf32, #tpu.memory_space<hbm>> -> memref<1x6272xf32, #tpu.memory_space<hbm>>
        %dma_start3A_79 = tpu.memref_squeeze %dma_start3A : memref<1x6272xf32, #tpu.memory_space<hbm>> -> memref<6272xf32, #tpu.memory_space<hbm>>
        %dma_start3A_80 = tpu.memref_slice %arg20[%mul3A_73] : memref<100352xf32, #tpu.memory_space<vmem_shared>> -> memref<6272xf32, #tpu.memory_space<vmem_shared>>
        tpu.enqueue_dma source(%dma_start3A_80 : memref<6272xf32, #tpu.memory_space<vmem_shared>>) target(%dma_start3A_79 : memref<6272xf32, #tpu.memory_space<hbm>>) target_semaphore(%run_scoped3A : memref<!tpu.dma_semaphore, #tpu.memory_space<semaphore_mem>>)
        %dma_wait3A = tpu.memref_slice %arg5[%add3A_75, %mul3A_77] : memref<1024x100352xf32, #tpu.memory_space<hbm>> -> memref<1x6272xf32, #tpu.memory_space<hbm>>
        %dma_wait3A_81 = tpu.memref_squeeze %dma_wait3A : memref<1x6272xf32, #tpu.memory_space<hbm>> -> memref<6272xf32, #tpu.memory_space<hbm>>
        %dma_wait3A_82 = tpu.memref_slice %arg20[%mul3A_73] : memref<100352xf32, #tpu.memory_space<vmem_shared>> -> memref<6272xf32, #tpu.memory_space<vmem_shared>>
        tpu.wait_dma2 semaphore(%run_scoped3A : memref<!tpu.dma_semaphore, #tpu.memory_space<semaphore_mem>>) src(%dma_wait3A_82 : memref<6272xf32, #tpu.memory_space<vmem_shared>>) dst(%dma_wait3A_81 : memref<6272xf32, #tpu.memory_space<hbm>>)
        tpu.yield
      }) : () -> ()
      %barrier3A_78 = arith.constant 0 : index
      tpu.barrier barrier_id(%barrier3A_78)
    }
    %scan3A_10 = arith.constant 128 : i32
    return
  }
}

#map = affine_map<(d0, d1) -> (0)>
module attributes {stable_mosaic.version = 14 : i64} {
  func.func @body(%arg0: i32, %arg1: i32, %arg2: memref<1600000xi32, #tpu.memory_space<hbm>>, %arg3: memref<100352xf32, #tpu.memory_space<hbm>>, %arg4: memref<10000xi32, #tpu.memory_space<vmem>>, %arg5: memref<10000xf32, #tpu.memory_space<vmem>>, %arg6: memref<6272xf32, #tpu.memory_space<vmem>>, %arg7: memref<100352xf32, #tpu.memory_space<vmem_shared>>) attributes {dimension_semantics = [#tpu.dimension_semantics<core_parallel>, #tpu.dimension_semantics<subcore_parallel>], iteration_bounds = array<i64: 2, 16>, scalar_prefetch = 0 : i64, scratch_operands = 4 : i64, tpu.core_type = #tpu.core_type<sc_vector_subcore>, window_params = [{transform_indices = #map}, {transform_indices = #map}]} {
    %scan3A = arith.constant 0 : i32
    %scan3A_0 = arith.constant 0 : i32
    %scan3A_1 = arith.constant 625 : i32
    %scan3A_2 = arith.addi %scan3A_0, %scan3A_1 : i32
    %scan3A_3 = arith.constant 1 : i32
    scf.for %scan3A_13 = %scan3A_0 to %scan3A_2 step %scan3A_3  : i32 {
      %broadcast_in_dim3A = arith.constant 1.000000e+00 : f32
      %broadcast_in_dim3A_14 = vector.broadcast %broadcast_in_dim3A : f32 to vector<16xf32>
      %mul3A = arith.constant 16 : i32
      %mul3A_15 = arith.muli %scan3A_13, %mul3A : i32
      %swap3A = arith.index_cast %mul3A_15 : i32 to index
      %swap3A_16 = tpu.vector_load %arg5[%swap3A] {strides = array<i32>} : memref<10000xf32, #tpu.memory_space<vmem>>, vector<16xf32>,
      tpu.vector_store %arg5[%swap3A], %broadcast_in_dim3A_14 {strides = array<i32>} : memref<10000xf32, #tpu.memory_space<vmem>>, vector<16xf32>,
    }
    %scan3A_4 = arith.constant 625 : i32
    %scan3A_5 = arith.constant 0 : i32
    %scan3A_6 = arith.constant 0 : i32
    %scan3A_7 = arith.constant 392 : i32
    %scan3A_8 = arith.addi %scan3A_6, %scan3A_7 : i32
    %scan3A_9 = arith.constant 1 : i32
    scf.for %scan3A_13 = %scan3A_6 to %scan3A_8 step %scan3A_9  : i32 {
      %broadcast_in_dim3A = arith.constant 0.000000e+00 : f32
      %broadcast_in_dim3A_14 = vector.broadcast %broadcast_in_dim3A : f32 to vector<16xf32>
      %mul3A = arith.constant 16 : i32
      %mul3A_15 = arith.muli %scan3A_13, %mul3A : i32
      %swap3A = arith.index_cast %mul3A_15 : i32 to index
      %swap3A_16 = tpu.vector_load %arg6[%swap3A] {strides = array<i32>} : memref<6272xf32, #tpu.memory_space<vmem>>, vector<16xf32>,
      tpu.vector_store %arg6[%swap3A], %broadcast_in_dim3A_14 {strides = array<i32>} : memref<6272xf32, #tpu.memory_space<vmem>>, vector<16xf32>,
    }
    %scan3A_10 = arith.constant 392 : i32
    %eq3A = arith.constant 0 : i32
    %eq3A_11 = arith.cmpi eq, %arg0, %eq3A : i32
    %convert_element_type3A = arith.extui %eq3A_11 : i1 to i32
    %cond3A = arith.constant 0 : i32
    %cond3A_12 = arith.cmpi ne, %convert_element_type3A, %cond3A : i32
    scf.if %cond3A_12 {
      %mul3A = arith.constant 6272 : i32
      %mul3A_13 = arith.muli %arg1, %mul3A : i32
      "tpu.region"() ({
        %run_scoped3A = tpu.sem_alloc : memref<!tpu.dma_semaphore, #tpu.memory_space<semaphore_mem>>
        %dma_start3A = tpu.memref_slice %arg7[%mul3A_13] : memref<100352xf32, #tpu.memory_space<vmem_shared>> -> memref<6272xf32, #tpu.memory_space<vmem_shared>>
        %dma_start3A_25 = tpu.memref_slice %arg7[%mul3A_13] : memref<100352xf32, #tpu.memory_space<vmem_shared>> -> memref<6272xf32, #tpu.memory_space<vmem_shared>>
        tpu.enqueue_dma source(%arg6 : memref<6272xf32, #tpu.memory_space<vmem>>) target(%dma_start3A_25 : memref<6272xf32, #tpu.memory_space<vmem_shared>>) target_semaphore(%run_scoped3A : memref<!tpu.dma_semaphore, #tpu.memory_space<semaphore_mem>>)
        %dma_wait3A = tpu.memref_slice %arg7[%mul3A_13] : memref<100352xf32, #tpu.memory_space<vmem_shared>> -> memref<6272xf32, #tpu.memory_space<vmem_shared>>
        %dma_wait3A_26 = tpu.memref_slice %arg7[%mul3A_13] : memref<100352xf32, #tpu.memory_space<vmem_shared>> -> memref<6272xf32, #tpu.memory_space<vmem_shared>>
        tpu.wait_dma2 semaphore(%run_scoped3A : memref<!tpu.dma_semaphore, #tpu.memory_space<semaphore_mem>>) src(%arg6 : memref<6272xf32, #tpu.memory_space<vmem>>) dst(%dma_wait3A_26 : memref<6272xf32, #tpu.memory_space<vmem_shared>>)
        tpu.yield
      }) : () -> ()
      %barrier3A = arith.constant 0 : index
      tpu.barrier barrier_id(%barrier3A)
      %scan3A_14 = arith.constant 0 : i32
      %scan3A_15 = arith.constant 0 : i32
      %scan3A_16 = arith.constant 10 : i32
      %scan3A_17 = arith.addi %scan3A_15, %scan3A_16 : i32
      %scan3A_18 = arith.constant 1 : i32
      scf.for %scan3A_25 = %scan3A_15 to %scan3A_17 step %scan3A_18  : i32 {
        %mul3A_26 = arith.constant 100000 : i32
        %mul3A_27 = arith.muli %arg1, %mul3A_26 : i32
        %mul3A_28 = arith.constant 10000 : i32
        %mul3A_29 = arith.muli %scan3A_25, %mul3A_28 : i32
        %add3A = arith.addi %mul3A_27, %mul3A_29 : i32
        "tpu.region"() ({
          %run_scoped3A = tpu.sem_alloc : memref<!tpu.dma_semaphore, #tpu.memory_space<semaphore_mem>>
          %dma_start3A = tpu.memref_slice %arg2[%add3A] : memref<1600000xi32, #tpu.memory_space<hbm>> -> memref<10000xi32, #tpu.memory_space<hbm>>
          %dma_start3A_30 = tpu.memref_slice %arg2[%add3A] : memref<1600000xi32, #tpu.memory_space<hbm>> -> memref<10000xi32, #tpu.memory_space<hbm>>
          tpu.enqueue_dma source(%dma_start3A_30 : memref<10000xi32, #tpu.memory_space<hbm>>) target(%arg4 : memref<10000xi32, #tpu.memory_space<vmem>>) target_semaphore(%run_scoped3A : memref<!tpu.dma_semaphore, #tpu.memory_space<semaphore_mem>>)
          %dma_wait3A = tpu.memref_slice %arg2[%add3A] : memref<1600000xi32, #tpu.memory_space<hbm>> -> memref<10000xi32, #tpu.memory_space<hbm>>
          %dma_wait3A_31 = tpu.memref_slice %arg2[%add3A] : memref<1600000xi32, #tpu.memory_space<hbm>> -> memref<10000xi32, #tpu.memory_space<hbm>>
          tpu.wait_dma2 semaphore(%run_scoped3A : memref<!tpu.dma_semaphore, #tpu.memory_space<semaphore_mem>>) src(%dma_wait3A_31 : memref<10000xi32, #tpu.memory_space<hbm>>) dst(%arg4 : memref<10000xi32, #tpu.memory_space<vmem>>)
          tpu.yield
        }) : () -> ()
        "tpu.region"() ({
          %run_scoped3A = tpu.sem_alloc : memref<!tpu.dma_semaphore, #tpu.memory_space<semaphore_mem>>
          %dma_start3A = arith.constant 0 : i32
          %dma_start3A_30 = tpu.memref_slice %arg7[%dma_start3A] : memref<100352xf32, #tpu.memory_space<vmem_shared>> -> memref<100352xf32, #tpu.memory_space<vmem_shared>>
          tpu.enqueue_indirect_dma source(%arg5 : memref<10000xf32, #tpu.memory_space<vmem>>) target(%dma_start3A_30 : memref<100352xf32, #tpu.memory_space<vmem_shared>>) offsets(%arg4 : memref<10000xi32, #tpu.memory_space<vmem>>) semaphore(%run_scoped3A : memref<!tpu.dma_semaphore, #tpu.memory_space<semaphore_mem>>) {add = true}
          %dma_wait3A = arith.constant 0 : i32
          %dma_wait3A_31 = tpu.memref_slice %arg7[%dma_wait3A] : memref<100352xf32, #tpu.memory_space<vmem_shared>> -> memref<100352xf32, #tpu.memory_space<vmem_shared>>
          tpu.wait_indirect_dma semaphore(%run_scoped3A : memref<!tpu.dma_semaphore, #tpu.memory_space<semaphore_mem>>) src(%arg5 : memref<10000xf32, #tpu.memory_space<vmem>>) dst(%dma_wait3A_31 : memref<100352xf32, #tpu.memory_space<vmem_shared>>)
          tpu.yield
        }) : () -> ()
      }
      %scan3A_19 = arith.constant 10 : i32
      %barrier3A_20 = arith.constant 0 : index
      tpu.barrier barrier_id(%barrier3A_20)
      %mul3A_21 = arith.constant 6272 : i32
      %mul3A_22 = arith.muli %arg1, %mul3A_21 : i32
      %mul3A_23 = arith.constant 6272 : i32
      %mul3A_24 = arith.muli %arg1, %mul3A_23 : i32
      "tpu.region"() ({
        %run_scoped3A = tpu.sem_alloc : memref<!tpu.dma_semaphore, #tpu.memory_space<semaphore_mem>>
        %dma_start3A = tpu.memref_slice %arg3[%mul3A_24] : memref<100352xf32, #tpu.memory_space<hbm>> -> memref<6272xf32, #tpu.memory_space<hbm>>
        %dma_start3A_25 = tpu.memref_slice %arg7[%mul3A_22] : memref<100352xf32, #tpu.memory_space<vmem_shared>> -> memref<6272xf32, #tpu.memory_space<vmem_shared>>
        tpu.enqueue_dma source(%dma_start3A_25 : memref<6272xf32, #tpu.memory_space<vmem_shared>>) target(%dma_start3A : memref<6272xf32, #tpu.memory_space<hbm>>) target_semaphore(%run_scoped3A : memref<!tpu.dma_semaphore, #tpu.memory_space<semaphore_mem>>)
        %dma_wait3A = tpu.memref_slice %arg3[%mul3A_24] : memref<100352xf32, #tpu.memory_space<hbm>> -> memref<6272xf32, #tpu.memory_space<hbm>>
        %dma_wait3A_26 = tpu.memref_slice %arg7[%mul3A_22] : memref<100352xf32, #tpu.memory_space<vmem_shared>> -> memref<6272xf32, #tpu.memory_space<vmem_shared>>
        tpu.wait_dma2 semaphore(%run_scoped3A : memref<!tpu.dma_semaphore, #tpu.memory_space<semaphore_mem>>) src(%dma_wait3A_26 : memref<6272xf32, #tpu.memory_space<vmem_shared>>) dst(%dma_wait3A : memref<6272xf32, #tpu.memory_space<hbm>>)
        tpu.yield
      }) : () -> ()
    } else {
    }
    return
  }
}

module attributes {stable_mosaic.version = 14 : i64} {
  func.func @tc_body(%arg0: i32, %arg1: memref<1024x1024xf32, #tpu.memory_space<vmem>>, %arg2: memref<1x1024xf32, #tpu.memory_space<vmem>>, %arg3: memref<1024x1024xf32, #tpu.memory_space<vmem>>, %arg4: memref<1024x1024xf32, #tpu.memory_space<vmem>>, %arg5: memref<1024x1xf32, #tpu.memory_space<vmem>>, %arg6: memref<1024x1024xf32, #tpu.memory_space<vmem>>, %arg7: memref<1024x1024xf32, #tpu.memory_space<vmem>>) attributes {dimension_semantics = [#tpu.dimension_semantics<arbitrary>], iteration_bounds = array<i64: 98>, scalar_prefetch = 0 : i64, scratch_operands = 0 : i64, tpu.core_type = #tpu.core_type<tc>, window_params = [{transform_indices = @transform_0, window_bounds = array<i64: 1024, 1024>}, {transform_indices = @transform_1, window_bounds = array<i64: 1, 1024>}, {transform_indices = @transform_2, window_bounds = array<i64: 1024, 1024>}, {pipeline_mode = #tpu.pipeline_mode<synchronous>, transform_indices = @transform_3, window_bounds = array<i64: 1024, 1024>}, {pipeline_mode = #tpu.pipeline_mode<synchronous>, transform_indices = @transform_4, window_bounds = array<i64: 1024, 1>}, {pipeline_mode = #tpu.pipeline_mode<synchronous>, transform_indices = @transform_5, window_bounds = array<i64: 1024, 1024>}, {transform_indices = @transform_6, window_bounds = array<i64: 1024, 1024>}]} {
    %get3A = arith.constant 0 : index
    %get3A_0 = arith.constant 0 : index
    %get3A_1 = vector.load %arg2[%get3A, %get3A_0] : memref<1x1024xf32, #tpu.memory_space<vmem>>, vector<1x1024xf32>
    %max3A = arith.constant 1.000000e+00 : f32
    %max3A_2 = vector.broadcast %max3A : f32 to vector<1x1024xf32>
    %max3A_3 = arith.maximumf %get3A_1, %max3A_2 : vector<1x1024xf32>
    %div3A = arith.constant 1.000000e+00 : f32
    %div3A_4 = vector.broadcast %div3A : f32 to vector<1x1024xf32>
    %div3A_5 = arith.divf %div3A_4, %max3A_3 : vector<1x1024xf32>
    %get3A_6 = arith.constant 0 : index
    %get3A_7 = arith.constant 0 : index
    %get3A_8 = vector.load %arg1[%get3A_6, %get3A_7] : memref<1024x1024xf32, #tpu.memory_space<vmem>>, vector<1024x1024xf32>
    %mul3A = vector.broadcast %div3A_5 : vector<1x1024xf32> to vector<1024x1024xf32>
    %mul3A_9 = arith.mulf %get3A_8, %mul3A : vector<1024x1024xf32>
    %get3A_10 = arith.constant 0 : index
    %get3A_11 = arith.constant 0 : index
    %get3A_12 = vector.load %arg4[%get3A_10, %get3A_11] : memref<1024x1024xf32, #tpu.memory_space<vmem>>, vector<1024x1024xf32>
    %dot_general3A = arith.constant dense<0.000000e+00> : vector<1024x1024xf32>
    %dot_general3A_13 = tpu.matmul %get3A_12, %mul3A_9, %dot_general3A {dimension_numbers = #tpu.dot_dimension_numbers<[1], [0], [0], [1], [0, 0, 1, 1], [], []>, transpose_lhs_hint = false} : vector<1024x1024xf32>, vector<1024x1024xf32>, vector<1024x1024xf32> -> vector<1024x1024xf32>
    %get3A_14 = arith.constant 0 : index
    %get3A_15 = arith.constant 0 : index
    %get3A_16 = vector.load %arg6[%get3A_14, %get3A_15] : memref<1024x1024xf32, #tpu.memory_space<vmem>>, vector<1024x1024xf32>
    %get3A_17 = arith.constant 0 : index
    %get3A_18 = arith.constant 0 : index
    %get3A_19 = vector.load %arg3[%get3A_17, %get3A_18] : memref<1024x1024xf32, #tpu.memory_space<vmem>>, vector<1024x1024xf32>
    %dot_general3A_20 = arith.constant dense<0.000000e+00> : vector<1024x1024xf32>
    %dot_general3A_21 = tpu.matmul %get3A_16, %get3A_19, %dot_general3A_20 {dimension_numbers = #tpu.dot_dimension_numbers<[1], [0], [0], [1], [0, 0, 1, 1], [], []>, transpose_lhs_hint = false} : vector<1024x1024xf32>, vector<1024x1024xf32>, vector<1024x1024xf32> -> vector<1024x1024xf32>
    %add3A = arith.addf %dot_general3A_13, %dot_general3A_21 : vector<1024x1024xf32>
    %get3A_22 = arith.constant 0 : index
    %get3A_23 = arith.constant 0 : index
    %get3A_24 = vector.load %arg5[%get3A_22, %get3A_23] : memref<1024x1xf32, #tpu.memory_space<vmem>>, vector<1024x1xf32>
    %add3A_25 = vector.broadcast %get3A_24 : vector<1024x1xf32> to vector<1024x1024xf32>
    %add3A_26 = arith.addf %add3A, %add3A_25 : vector<1024x1024xf32>
    %max3A_27 = arith.constant 0.000000e+00 : f32
    %max3A_28 = vector.broadcast %max3A_27 : f32 to vector<1024x1024xf32>
    %max3A_29 = arith.maximumf %add3A_26, %max3A_28 : vector<1024x1024xf32>
    %swap3A = arith.constant 0 : index
    %swap3A_30 = arith.constant 0 : index
    %swap3A_31 = vector.load %arg7[%swap3A, %swap3A_30] : memref<1024x1024xf32, #tpu.memory_space<vmem>>, vector<1024x1024xf32>
    tpu.vector_store %arg7[%swap3A, %swap3A_30], %max3A_29 {strides = array<i32>} : memref<1024x1024xf32, #tpu.memory_space<vmem>>, vector<1024x1024xf32>,
    return
  }
  func.func @transform_0(%arg0: i32) -> (i32, i32) {
    %c0_i32 = arith.constant 0 : i32
    %c0_i32_0 = arith.constant 0 : i32
    return %c0_i32, %arg0 : i32, i32
  }
  func.func @transform_1(%arg0: i32) -> (i32, i32) {
    %c0_i32 = arith.constant 0 : i32
    %c0_i32_0 = arith.constant 0 : i32
    return %c0_i32, %arg0 : i32, i32
  }
  func.func @transform_2(%arg0: i32) -> (i32, i32) {
    %c0_i32 = arith.constant 0 : i32
    %c0_i32_0 = arith.constant 0 : i32
    return %c0_i32, %arg0 : i32, i32
  }
  func.func @transform_3(%arg0: i32) -> (i32, i32) {
    %c0_i32 = arith.constant 0 : i32
    %c0_i32_0 = arith.constant 0 : i32
    %c0_i32_1 = arith.constant 0 : i32
    return %c0_i32, %c0_i32_0 : i32, i32
  }
  func.func @transform_4(%arg0: i32) -> (i32, i32) {
    %c0_i32 = arith.constant 0 : i32
    %c0_i32_0 = arith.constant 0 : i32
    %c0_i32_1 = arith.constant 0 : i32
    return %c0_i32, %c0_i32_0 : i32, i32
  }
  func.func @transform_5(%arg0: i32) -> (i32, i32) {
    %c0_i32 = arith.constant 0 : i32
    %c0_i32_0 = arith.constant 0 : i32
    %c0_i32_1 = arith.constant 0 : i32
    return %c0_i32, %c0_i32_0 : i32, i32
  }
  func.func @transform_6(%arg0: i32) -> (i32, i32) {
    %c0_i32 = arith.constant 0 : i32
    %c0_i32_0 = arith.constant 0 : i32
    return %c0_i32, %arg0 : i32, i32
  }
}

module attributes {stable_mosaic.version = 14 : i64} {
  func.func @tc_body(%arg0: i32, %arg1: memref<48x1024xf32, #tpu.memory_space<vmem>>, %arg2: memref<1x1024xf32, #tpu.memory_space<vmem>>, %arg3: memref<48x1024xf32, #tpu.memory_space<vmem>>, %arg4: memref<1024x48xf32, #tpu.memory_space<vmem>>, %arg5: memref<1024x1xf32, #tpu.memory_space<vmem>>, %arg6: memref<1024x48xf32, #tpu.memory_space<vmem>>, %arg7: memref<1024x1024xf32, #tpu.memory_space<vmem>>) attributes {dimension_semantics = [#tpu.dimension_semantics<arbitrary>], iteration_bounds = array<i64: 98>, scalar_prefetch = 0 : i64, scratch_operands = 0 : i64, tpu.core_type = #tpu.core_type<tc>, window_params = [{transform_indices = @transform_0, window_bounds = array<i64: 48, 1024>}, {transform_indices = @transform_1, window_bounds = array<i64: 1, 1024>}, {transform_indices = @transform_2, window_bounds = array<i64: 48, 1024>}, {pipeline_mode = #tpu.pipeline_mode<synchronous>, transform_indices = @transform_3, window_bounds = array<i64: 1024, 48>}, {pipeline_mode = #tpu.pipeline_mode<synchronous>, transform_indices = @transform_4, window_bounds = array<i64: 1024, 1>}, {pipeline_mode = #tpu.pipeline_mode<synchronous>, transform_indices = @transform_5, window_bounds = array<i64: 1024, 48>}, {transform_indices = @transform_6, window_bounds = array<i64: 1024, 1024>}]} {
    %get3A = arith.constant 0 : index
    %get3A_0 = arith.constant 0 : index
    %get3A_1 = vector.load %arg2[%get3A, %get3A_0] : memref<1x1024xf32, #tpu.memory_space<vmem>>, vector<1x1024xf32>
    %max3A = arith.constant 1.000000e+00 : f32
    %max3A_2 = vector.broadcast %max3A : f32 to vector<1x1024xf32>
    %max3A_3 = arith.maximumf %get3A_1, %max3A_2 : vector<1x1024xf32>
    %div3A = arith.constant 1.000000e+00 : f32
    %div3A_4 = vector.broadcast %div3A : f32 to vector<1x1024xf32>
    %div3A_5 = arith.divf %div3A_4, %max3A_3 : vector<1x1024xf32>
    %get3A_6 = arith.constant 0 : index
    %get3A_7 = arith.constant 0 : index
    %get3A_8 = vector.load %arg1[%get3A_6, %get3A_7] : memref<48x1024xf32, #tpu.memory_space<vmem>>, vector<48x1024xf32>
    %mul3A = vector.broadcast %div3A_5 : vector<1x1024xf32> to vector<48x1024xf32>
    %mul3A_9 = arith.mulf %get3A_8, %mul3A : vector<48x1024xf32>
    %get3A_10 = arith.constant 0 : index
    %get3A_11 = arith.constant 0 : index
    %get3A_12 = vector.load %arg4[%get3A_10, %get3A_11] : memref<1024x48xf32, #tpu.memory_space<vmem>>, vector<1024x48xf32>
    %dot_general3A = arith.constant dense<0.000000e+00> : vector<1024x1024xf32>
    %dot_general3A_13 = tpu.matmul %get3A_12, %mul3A_9, %dot_general3A {dimension_numbers = #tpu.dot_dimension_numbers<[1], [0], [0], [1], [0, 0, 1, 1], [], []>, transpose_lhs_hint = false} : vector<1024x48xf32>, vector<48x1024xf32>, vector<1024x1024xf32> -> vector<1024x1024xf32>
    %get3A_14 = arith.constant 0 : index
    %get3A_15 = arith.constant 0 : index
    %get3A_16 = vector.load %arg6[%get3A_14, %get3A_15] : memref<1024x48xf32, #tpu.memory_space<vmem>>, vector<1024x48xf32>
    %get3A_17 = arith.constant 0 : index
    %get3A_18 = arith.constant 0 : index
    %get3A_19 = vector.load %arg3[%get3A_17, %get3A_18] : memref<48x1024xf32, #tpu.memory_space<vmem>>, vector<48x1024xf32>
    %dot_general3A_20 = arith.constant dense<0.000000e+00> : vector<1024x1024xf32>
    %dot_general3A_21 = tpu.matmul %get3A_16, %get3A_19, %dot_general3A_20 {dimension_numbers = #tpu.dot_dimension_numbers<[1], [0], [0], [1], [0, 0, 1, 1], [], []>, transpose_lhs_hint = false} : vector<1024x48xf32>, vector<48x1024xf32>, vector<1024x1024xf32> -> vector<1024x1024xf32>
    %add3A = arith.addf %dot_general3A_13, %dot_general3A_21 : vector<1024x1024xf32>
    %get3A_22 = arith.constant 0 : index
    %get3A_23 = arith.constant 0 : index
    %get3A_24 = vector.load %arg5[%get3A_22, %get3A_23] : memref<1024x1xf32, #tpu.memory_space<vmem>>, vector<1024x1xf32>
    %add3A_25 = vector.broadcast %get3A_24 : vector<1024x1xf32> to vector<1024x1024xf32>
    %add3A_26 = arith.addf %add3A, %add3A_25 : vector<1024x1024xf32>
    %max3A_27 = arith.constant 0.000000e+00 : f32
    %max3A_28 = vector.broadcast %max3A_27 : f32 to vector<1024x1024xf32>
    %max3A_29 = arith.maximumf %add3A_26, %max3A_28 : vector<1024x1024xf32>
    %swap3A = arith.constant 0 : index
    %swap3A_30 = arith.constant 0 : index
    %swap3A_31 = vector.load %arg7[%swap3A, %swap3A_30] : memref<1024x1024xf32, #tpu.memory_space<vmem>>, vector<1024x1024xf32>
    tpu.vector_store %arg7[%swap3A, %swap3A_30], %max3A_29 {strides = array<i32>} : memref<1024x1024xf32, #tpu.memory_space<vmem>>, vector<1024x1024xf32>,
    return
  }
  func.func @transform_0(%arg0: i32) -> (i32, i32) {
    %c0_i32 = arith.constant 0 : i32
    %c0_i32_0 = arith.constant 0 : i32
    return %c0_i32, %arg0 : i32, i32
  }
  func.func @transform_1(%arg0: i32) -> (i32, i32) {
    %c0_i32 = arith.constant 0 : i32
    %c0_i32_0 = arith.constant 0 : i32
    return %c0_i32, %arg0 : i32, i32
  }
  func.func @transform_2(%arg0: i32) -> (i32, i32) {
    %c0_i32 = arith.constant 0 : i32
    %c0_i32_0 = arith.constant 0 : i32
    return %c0_i32, %arg0 : i32, i32
  }
  func.func @transform_3(%arg0: i32) -> (i32, i32) {
    %c0_i32 = arith.constant 0 : i32
    %c0_i32_0 = arith.constant 0 : i32
    %c0_i32_1 = arith.constant 0 : i32
    return %c0_i32, %c0_i32_0 : i32, i32
  }
  func.func @transform_4(%arg0: i32) -> (i32, i32) {
    %c0_i32 = arith.constant 0 : i32
    %c0_i32_0 = arith.constant 0 : i32
    %c0_i32_1 = arith.constant 0 : i32
    return %c0_i32, %c0_i32_0 : i32, i32
  }
  func.func @transform_5(%arg0: i32) -> (i32, i32) {
    %c0_i32 = arith.constant 0 : i32
    %c0_i32_0 = arith.constant 0 : i32
    %c0_i32_1 = arith.constant 0 : i32
    return %c0_i32, %c0_i32_0 : i32, i32
  }
  func.func @transform_6(%arg0: i32) -> (i32, i32) {
    %c0_i32 = arith.constant 0 : i32
    %c0_i32_0 = arith.constant 0 : i32
    return %c0_i32, %arg0 : i32, i32
  }
}

module attributes {stable_mosaic.version = 14 : i64} {
  func.func @tc_body(%arg0: i32, %arg1: memref<1024x1024xf32, #tpu.memory_space<vmem>>, %arg2: memref<1x1024xf32, #tpu.memory_space<vmem>>, %arg3: memref<1024x1024xf32, #tpu.memory_space<vmem>>, %arg4: memref<1024x1024xf32, #tpu.memory_space<vmem>>, %arg5: memref<1024x1xf32, #tpu.memory_space<vmem>>, %arg6: memref<1024x1024xf32, #tpu.memory_space<vmem>>, %arg7: memref<1x1024xf32, #tpu.memory_space<vmem>>, %arg8: memref<1x1xf32, #tpu.memory_space<vmem>>, %arg9: memref<1024x1xf32, #tpu.memory_space<vmem>>) attributes {dimension_semantics = [#tpu.dimension_semantics<arbitrary>], iteration_bounds = array<i64: 98>, scalar_prefetch = 0 : i64, scratch_operands = 0 : i64, tpu.core_type = #tpu.core_type<tc>, window_params = [{transform_indices = @transform_0, window_bounds = array<i64: 1024, 1024>}, {transform_indices = @transform_1, window_bounds = array<i64: 1, 1024>}, {transform_indices = @transform_2, window_bounds = array<i64: 1024, 1024>}, {pipeline_mode = #tpu.pipeline_mode<synchronous>, transform_indices = @transform_3, window_bounds = array<i64: 1024, 1024>}, {pipeline_mode = #tpu.pipeline_mode<synchronous>, transform_indices = @transform_4, window_bounds = array<i64: 1024, 1>}, {pipeline_mode = #tpu.pipeline_mode<synchronous>, transform_indices = @transform_5, window_bounds = array<i64: 1024, 1024>}, {pipeline_mode = #tpu.pipeline_mode<synchronous>, transform_indices = @transform_6, window_bounds = array<i64: 1, 1024>}, {pipeline_mode = #tpu.pipeline_mode<synchronous>, transform_indices = @transform_7, window_bounds = array<i64: 1, 1>}, {transform_indices = @transform_8, window_bounds = array<i64: 1024, 1>}]} {
    %get3A = arith.constant 0 : index
    %get3A_0 = arith.constant 0 : index
    %get3A_1 = vector.load %arg2[%get3A, %get3A_0] : memref<1x1024xf32, #tpu.memory_space<vmem>>, vector<1x1024xf32>
    %max3A = arith.constant 1.000000e+00 : f32
    %max3A_2 = vector.broadcast %max3A : f32 to vector<1x1024xf32>
    %max3A_3 = arith.maximumf %get3A_1, %max3A_2 : vector<1x1024xf32>
    %div3A = arith.constant 1.000000e+00 : f32
    %div3A_4 = vector.broadcast %div3A : f32 to vector<1x1024xf32>
    %div3A_5 = arith.divf %div3A_4, %max3A_3 : vector<1x1024xf32>
    %get3A_6 = arith.constant 0 : index
    %get3A_7 = arith.constant 0 : index
    %get3A_8 = vector.load %arg1[%get3A_6, %get3A_7] : memref<1024x1024xf32, #tpu.memory_space<vmem>>, vector<1024x1024xf32>
    %mul3A = vector.broadcast %div3A_5 : vector<1x1024xf32> to vector<1024x1024xf32>
    %mul3A_9 = arith.mulf %get3A_8, %mul3A : vector<1024x1024xf32>
    %get3A_10 = arith.constant 0 : index
    %get3A_11 = arith.constant 0 : index
    %get3A_12 = vector.load %arg4[%get3A_10, %get3A_11] : memref<1024x1024xf32, #tpu.memory_space<vmem>>, vector<1024x1024xf32>
    %dot_general3A = arith.constant dense<0.000000e+00> : vector<1024x1024xf32>
    %dot_general3A_13 = tpu.matmul %get3A_12, %mul3A_9, %dot_general3A {dimension_numbers = #tpu.dot_dimension_numbers<[1], [0], [0], [1], [0, 0, 1, 1], [], []>, transpose_lhs_hint = false} : vector<1024x1024xf32>, vector<1024x1024xf32>, vector<1024x1024xf32> -> vector<1024x1024xf32>
    %get3A_14 = arith.constant 0 : index
    %get3A_15 = arith.constant 0 : index
    %get3A_16 = vector.load %arg6[%get3A_14, %get3A_15] : memref<1024x1024xf32, #tpu.memory_space<vmem>>, vector<1024x1024xf32>
    %get3A_17 = arith.constant 0 : index
    %get3A_18 = arith.constant 0 : index
    %get3A_19 = vector.load %arg3[%get3A_17, %get3A_18] : memref<1024x1024xf32, #tpu.memory_space<vmem>>, vector<1024x1024xf32>
    %dot_general3A_20 = arith.constant dense<0.000000e+00> : vector<1024x1024xf32>
    %dot_general3A_21 = tpu.matmul %get3A_16, %get3A_19, %dot_general3A_20 {dimension_numbers = #tpu.dot_dimension_numbers<[1], [0], [0], [1], [0, 0, 1, 1], [], []>, transpose_lhs_hint = false} : vector<1024x1024xf32>, vector<1024x1024xf32>, vector<1024x1024xf32> -> vector<1024x1024xf32>
    %add3A = arith.addf %dot_general3A_13, %dot_general3A_21 : vector<1024x1024xf32>
    %get3A_22 = arith.constant 0 : index
    %get3A_23 = arith.constant 0 : index
    %get3A_24 = vector.load %arg5[%get3A_22, %get3A_23] : memref<1024x1xf32, #tpu.memory_space<vmem>>, vector<1024x1xf32>
    %add3A_25 = vector.broadcast %get3A_24 : vector<1024x1xf32> to vector<1024x1024xf32>
    %add3A_26 = arith.addf %add3A, %add3A_25 : vector<1024x1024xf32>
    %max3A_27 = arith.constant 0.000000e+00 : f32
    %max3A_28 = vector.broadcast %max3A_27 : f32 to vector<1024x1024xf32>
    %max3A_29 = arith.maximumf %add3A_26, %max3A_28 : vector<1024x1024xf32>
    %get3A_30 = arith.constant 0 : index
    %get3A_31 = arith.constant 0 : index
    %get3A_32 = vector.load %arg7[%get3A_30, %get3A_31] : memref<1x1024xf32, #tpu.memory_space<vmem>>, vector<1x1024xf32>
    %dot_general3A_33 = arith.constant dense<0.000000e+00> : vector<1024x1xf32>
    %dot_general3A_34 = tpu.matmul %max3A_29, %get3A_32, %dot_general3A_33 {dimension_numbers = #tpu.dot_dimension_numbers<[0], [1], [1], [0], [0, 1, 1, 0], [], []>, transpose_lhs_hint = false} : vector<1024x1024xf32>, vector<1x1024xf32>, vector<1024x1xf32> -> vector<1024x1xf32>
    %get3A_35 = arith.constant 0 : index
    %get3A_36 = arith.constant 0 : index
    %get3A_37 = vector.load %arg8[%get3A_35, %get3A_36] : memref<1x1xf32, #tpu.memory_space<vmem>>, vector<1x1xf32>
    %add3A_38 = vector.broadcast %get3A_37 : vector<1x1xf32> to vector<1024x1xf32>
    %add3A_39 = arith.addf %dot_general3A_34, %add3A_38 : vector<1024x1xf32>
    %swap3A = arith.constant 0 : index
    %swap3A_40 = arith.constant 0 : index
    %swap3A_41 = vector.load %arg9[%swap3A, %swap3A_40] : memref<1024x1xf32, #tpu.memory_space<vmem>>, vector<1024x1xf32>
    tpu.vector_store %arg9[%swap3A, %swap3A_40], %add3A_39 {strides = array<i32>} : memref<1024x1xf32, #tpu.memory_space<vmem>>, vector<1024x1xf32>,
    return
  }
  func.func @transform_0(%arg0: i32) -> (i32, i32) {
    %c0_i32 = arith.constant 0 : i32
    %c0_i32_0 = arith.constant 0 : i32
    return %c0_i32, %arg0 : i32, i32
  }
  func.func @transform_1(%arg0: i32) -> (i32, i32) {
    %c0_i32 = arith.constant 0 : i32
    %c0_i32_0 = arith.constant 0 : i32
    return %c0_i32, %arg0 : i32, i32
  }
  func.func @transform_2(%arg0: i32) -> (i32, i32) {
    %c0_i32 = arith.constant 0 : i32
    %c0_i32_0 = arith.constant 0 : i32
    return %c0_i32, %arg0 : i32, i32
  }
  func.func @transform_3(%arg0: i32) -> (i32, i32) {
    %c0_i32 = arith.constant 0 : i32
    %c0_i32_0 = arith.constant 0 : i32
    %c0_i32_1 = arith.constant 0 : i32
    return %c0_i32, %c0_i32_0 : i32, i32
  }
  func.func @transform_4(%arg0: i32) -> (i32, i32) {
    %c0_i32 = arith.constant 0 : i32
    %c0_i32_0 = arith.constant 0 : i32
    %c0_i32_1 = arith.constant 0 : i32
    return %c0_i32, %c0_i32_0 : i32, i32
  }
  func.func @transform_5(%arg0: i32) -> (i32, i32) {
    %c0_i32 = arith.constant 0 : i32
    %c0_i32_0 = arith.constant 0 : i32
    %c0_i32_1 = arith.constant 0 : i32
    return %c0_i32, %c0_i32_0 : i32, i32
  }
  func.func @transform_6(%arg0: i32) -> (i32, i32) {
    %c0_i32 = arith.constant 0 : i32
    %c0_i32_0 = arith.constant 0 : i32
    %c0_i32_1 = arith.constant 0 : i32
    return %c0_i32, %c0_i32_0 : i32, i32
  }
  func.func @transform_7(%arg0: i32) -> (i32, i32) {
    %c0_i32 = arith.constant 0 : i32
    %c0_i32_0 = arith.constant 0 : i32
    %c0_i32_1 = arith.constant 0 : i32
    return %c0_i32, %c0_i32_0 : i32, i32
  }
  func.func @transform_8(%arg0: i32) -> (i32, i32) {
    %c0_i32 = arith.constant 0 : i32
    %c0_i32_0 = arith.constant 0 : i32
    return %arg0, %c0_i32 : i32, i32
  }
}

</mosaic_0001>

<sc_bundles>
// kernel: kernel.12.cloned.1.call-start
scs
__scs_entry_jumppad:
0x0: {  	(pc) =	sbr.rel $0x88, $3  }
0x1: {  	(tag) =	ssettag $0x0;
	lr =	simm.s32 $0x1  }
0x2: {  	[smem:$0x3F94] =	sst lr;
	_ =	strace $0xD0000000  }
0x3: {  	_ = 	snop  }
0x4: {  	_ = 	snop  }
0x5: {  	_ = 	snop  }
0x6: {  	_ = 	snop  }
0x7: {  	_ = 	snop  }
__scs_overlays_trampoline_lowered:
0x8: {  	[smem:$0x3FA3] =	sst s0  }
0x9: {  	[smem:$0x3FA4] =	sst s1  }
0xa: {  	[smem:$0x3FA5] =	sst s2  }
0xb: {  	[smem:$0x3FA6] =	sst s3  }
0xc: {  	[smem:$0x3FA7] =	sst s4  }
0xd: {  	[smem:$0x3FA8] =	sst s5  }
0xe: {  	[smem:$0x3FA9] =	sst s6  }
0xf: {  	[smem:$0x3FAA] =	sst s7  }
0x10: {  	[smem:$0x3FAB] =	sst s8  }
0x11: {  	[smem:$0x3FAC] =	sst s9;
	s0 =	simm.s32 @!p0 $0x0  }
0x12: {  	s1 =	sld [smem:$0x3F92];
	s0 =	simm.s32 @p0 $0x1  }
0x13: {  	[smem:$0x3FAD] =	sst s0;
	s0 =	simm.s32 @!p1 $0x0  }
0x14: {  	s2 =	sld [smem:$0x3F91];
	s0 =	simm.s32 @p1 $0x1  }
0x15: {  	[smem:$0x3FAE] =	sst s0;
	s0 =	simm.s32 @!p2 $0x0  }
0x16: {  	s3 =	sld [smem:$0x3FDB];
	s0 =	simm.s32 @p2 $0x1  }
0x17: {  	s4 =	simm.s32 $0x1BF5;
	[smem:$0x3FB0] =	sst s0  }
0x18: {  	s0 =	sld [smem:$0x3F93];
	_ =	swait.ge [sflag:s4], $0x0  }
0x19: {  	s7 =	sld [smem:$0x3F94]  }
0x1a: {  	s8 =	sadd.s32 $0xFFFFE003, lr  }
0x1b: {  	s9 =	sadd.s32 $0xFFFFFEF7, lr;
	s5 =	simm.s32 $0xFFFFFFFF;
	p2 =	slt.u32 s8, $0xFFFFF086  }
0x1c: {  	p1 =	slt.u32 s9, $0xF7A;
	s5 =	simm.s32 @!p2 $0x0  }
0x1d: {  	s5 =	simm.s32 @p1 $0x1;
	p0 =	seq.s32 s7, s2  }
0x1e: {  	s7 =	smul.u32 @!p0 $0xF7A, s2;
	p2 =	seq.s32 @!p0 s5, $0x0  }
0x1f: {  	s9 =	smul.u32 $0xF7A, s1;
	s8 =	simm.s32 @!p0 $0x1BF5;
	p2 =	por !p2, p0  }
0x20: {  	[sflag:s8] =	ssyncset.s32 @!p0 $0xFFFFF086;
	s6 =	sadd.s32 @!p0 s3, s7;
	s7 =	simm.s32 @!p0 $0x108  }
0x21: {  	s3 =	sadd.s32 s3, s9;
	s6 =	sadd.s32 @!p0 $0x88, s6;
	s7 =	simm.s32 @p2 $0x1082  }
0x22: {  	[simem:s7], [sflag:s8] =	dma.local @!p0 [hbm:s6], $0xF7A  }
0x23: {  	s9 =	sor.u32 $0xD0000000, s2;
	s6 =	simm.s32 $0x108;
	_ =	swait.ge @!p0 [sflag:s8], $0x0  }
0x24: {  	s3 =	sadd.s32 $0x88, s3;
	s6 =	simm.s32 @!p1 $0x1082;
	[sflag:s4] =	ssyncset.s32 $0xFFFFF086  }
0x25: {  	[simem:s6], [sflag:s4] =	dma.local [hbm:s3], $0xF7A  }
0x26: {  	[smem:$0x3F94] =	sst s1;
	(tag) =	ssettag s2;
	_ =	strace s9  }
0x27: {  	s1 =	sld [smem:$0x3FA4]  }
0x28: {  	s2 =	sld [smem:$0x3FA5]  }
0x29: {  	s4 =	sld [smem:$0x3FA7]  }
0x2a: {  	p0 =	seq.s32 s5, $0x0;
	s5 =	sld [smem:$0x3FA8]  }
0x2b: {  	s6 =	sld [smem:$0x3FA9]  }
0x2c: {  	s7 =	sld [smem:$0x3FAA]  }
0x2d: {  	s3 =	simm.s32 $0x108;
	s8 =	sld [smem:$0x3FAB]  }
0x2e: {  	s3 =	simm.s32 @!p0 $0x1082;
	s9 =	sld [smem:$0x3FAC]  }
0x2f: {  	lr =	sadd.s32 s0, s3;
	s0 =	sld [smem:$0x3FA3]  }
0x30: {  	s3 =	sld [smem:$0x3FA6]  }
0x31: {  	[smem:$0x3FAF] =	sst s10  }
0x32: {  	s10 =	sld [smem:$0x3FAD];
	_ =	sdelay $0x3  }
0x33: {  	p0 =	seq.s32 s10, $0x1;
	s10 =	sld [smem:$0x3FAF];
	_ =	sdelay $0x3  }
0x34: {  	[smem:$0x3FAF] =	sst s10  }
0x35: {  	s10 =	sld [smem:$0x3FAE];
	_ =	sdelay $0x3  }
0x36: {  	p1 =	seq.s32 s10, $0x1;
	s10 =	sld [smem:$0x3FAF];
	_ =	sdelay $0x3  }
0x37: {  	[smem:$0x3FAF] =	sst s10  }
0x38: {  	s10 =	sld [smem:$0x3FB0]  }
0x39: {  	_ = 	snop;
	(pc) =	sbr.ind lr, $3  }
0x3a: {  	_ = 	snop  }
0x3b: {  	_ = 	snop  }
0x3c: {  	p2 =	seq.s32 s10, $0x1;
	s10 =	sld [smem:$0x3FAF]  }
0x3d: {  	_ =	shalt  }
0x3e: {  	_ =	shalt  }
0x3f: {  	_ =	shalt  }
0x40: {  	_ =	shalt  }
0x41: {  	_ =	shalt  }
0x42: {  	_ =	shalt  }
0x43: {  	_ =	shalt  }
0x44: {  	_ =	shalt  }
0x45: {  	_ =	shalt  }
0x46: {  	_ =	shalt  }
0x47: {  	_ =	shalt  }
0x48: {  	_ =	shalt  }
0x49: {  	_ =	shalt  }
0x4a: {  	_ =	shalt  }
0x4b: {  	_ =	shalt  }
0x4c: {  	_ =	shalt  }
0x4d: {  	_ =	shalt  }
0x4e: {  	_ =	shalt  }
0x4f: {  	_ =	shalt  }
0x50: {  	_ =	shalt  }
0x51: {  	_ =	shalt  }
0x52: {  	_ =	shalt  }
0x53: {  	_ =	shalt  }
0x54: {  	_ =	shalt  }
0x55: {  	_ =	shalt  }
0x56: {  	_ =	shalt  }
0x57: {  	_ =	shalt  }
0x58: {  	_ =	shalt  }
0x59: {  	_ =	shalt  }
0x5a: {  	_ =	shalt  }
0x5b: {  	_ =	shalt  }
0x5c: {  	_ =	shalt  }
0x5d: {  	_ =	shalt  }
0x5e: {  	_ =	shalt  }
0x5f: {  	_ =	shalt  }
0x60: {  	_ =	shalt  }
0x61: {  	_ =	shalt  }
0x62: {  	_ =	shalt  }
0x63: {  	_ =	shalt  }
0x64: {  	_ =	shalt  }
0x65: {  	_ =	shalt  }
0x66: {  	_ =	shalt  }
0x67: {  	_ =	shalt  }
0x68: {  	_ =	shalt  }
0x69: {  	_ =	shalt  }
0x6a: {  	_ =	shalt  }
0x6b: {  	_ =	shalt  }
0x6c: {  	_ =	shalt  }
0x6d: {  	_ =	shalt  }
0x6e: {  	_ =	shalt  }
0x6f: {  	_ =	shalt  }
0x70: {  	_ =	shalt  }
0x71: {  	_ =	shalt  }
0x72: {  	_ =	shalt  }
0x73: {  	_ =	shalt  }
0x74: {  	_ =	shalt  }
0x75: {  	_ =	shalt  }
0x76: {  	_ =	shalt  }
0x77: {  	_ =	shalt  }
0x78: {  	_ =	shalt  }
0x79: {  	_ =	shalt  }
0x7a: {  	_ =	shalt  }
0x7b: {  	_ =	shalt  }
0x7c: {  	_ =	shalt  }
0x7d: {  	_ =	shalt  }
0x7e: {  	_ =	shalt  }
0x7f: {  	_ =	shalt  }
0x80: {  	_ =	shalt  }
0x81: {  	_ =	shalt  }
0x82: {  	_ =	shalt  }
0x83: {  	_ =	shalt  }
0x84: {  	_ =	shalt  }
0x85: {  	_ =	shalt  }
0x86: {  	_ =	shalt  }
0x87: {  	_ =	shalt  }
.Lfunc_end0:
.L_simem_size_0:
called_computation.1_lowered:
.L_overlay_start_0:
0x88: {  	s2 =	sld [smem:$0x3FD9]  }
0x89: {  	s3 =	sld [smem:$0x3FFE];
	_ =	sdelay $0x1  }
0x8a: {  	s1 =	srdreg.scid  }
0x8b: {  	s0 =	sand.u32 $0x1, s1  }
0x8c: {  	s16 =	sshll.u32 s0, $0xA;
	s2 =	sadd.s32 s3, s2  }
0x8d: {  	s2 =	sadd.s32 s2, s16  }
0x8e: {  	[smem:$0x3FBB] =	sst s2  }
0x8f: {  	_ = 	snop  }
0x90: {  	(tm) =	ssettm $0x1  }
0x91: {  	s17 =	sld [smem:$0x3FFB];
	_ =	sdelay $0x3  }
0x92: {  	_ =	strace s17  }
0x93: {  	s2 =	sld [smem:$0x3FFC];
	_ =	sdelay $0x3  }
0x94: {  	_ =	strace s2  }
0x95: {  	s2 =	sld [smem:$0x3FFD];
	_ =	sdelay $0x3  }
0x96: {  	_ =	strace s2  }
0x97: {  	_ =	strace $0x8FFFFFFF  }
0x98: {  	s18 =	sld [smem:$0x3FDB];
	_ =	sdelay $0x1  }
0x99: {  	s19 =	simm.s32 $_scs_section_size  }
0x9a: {  	s4 =	simm.s32 $_size__tile_overlayer_lowered;
	s5 =	simm.s32 $_tile_overlayer_lowered  }
0x9b: {  	s22 =	simm.s32 $0x1BFF;
	s21 =	sshll.u32 s5, $0x1;
	s2 =	sadd.s32 s19, s18  }
0x9c: {  	s6 =	simm.s32 $0x0;
	s20 =	sshll.u32 s4, $0x1;
	s4 =	sadd.s32 s21, s2  }
0x9d: {  	[timem:s6], [sflag:s22] =	dma.local [hbm:s4], s20  }
0x9e: {  	_ =	swait.ge [sflag:s22], s20  }
0x9f: {  	s3 =	ssub.s32 $0x0, s20;
	[sflag:s22] =	ssyncset.done $0x0  }
0xa0: {  	[sflag:s22] =	ssyncadd.s32 s3;
	_ =	sdelay $0x1  }
0xa1: {  	s23 =	simm.s32 $0x1B8B  }
0xa2: {  	_ =	swait.ge [sflag:s23], $0x1  }
0xa3: {  	[sflag:s23] =	ssyncset.done $0x0  }
0xa4: {  	s25 =	simm.s32 $0x1B8E;
	s24 =	sld [smem:$0x3FFE];
	[sflag:s23] =	ssyncadd.s32 $0xFFFFFFFF  }
0xa5: {  	s26 =	simm.s32 $execute0_lowered;
	[smem:$0x3FD2] =	sst s25  }
0xa6: {  	s4 =	sshll.u32 s26, $0x1;
	_ =	strace $0x80000046;
	[dreg:$0x1] =	wrdreg $0xFFFFFFFF  }
0xa7: {  	s28 =	simm.s32 $_size_execute0_lowered;
	s2 =	sadd.s32 s2, s4;
	[dreg:$0x0] =	wrdreg $0x0  }
0xa8: {  	s4 =	sshll.u32 s28, $0x1;
	[dreg:$0x2] =	wrdreg s2  }
0xa9: {  	[dreg:$0x3] =	wrdreg s4  }
0xaa: {  	[dreg:$0x4] =	wrdreg $0xC0  }
0xab: {  	_ =	task [dreg:s6], $0x5FFFF  }
0xac: {  	[dreg:$0x1] =	wrdreg $0xFFFFFFFF  }
0xad: {  	[dreg:$0x0] =	wrdreg $0x60  }
0xae: {  	[dreg:$0x2] =	wrdreg s24  }
0xaf: {  	[dreg:$0x3] =	wrdreg $0x105800  }
0xb0: {  	[dreg:$0x4] =	wrdreg $0x167800  }
0xb1: {  	[dreg:$0x5] =	wrdreg $0x11E000  }
0xb2: {  	[dreg:$0x6] =	wrdreg $0x180000  }
0xb3: {  	[dreg:$0x7] =	wrdreg $0x136800  }
0xb4: {  	[dreg:$0x8] =	wrdreg $0x198800  }
0xb5: {  	[dreg:$0x9] =	wrdreg $0x14F000  }
0xb6: {  	[dreg:$0xa] =	wrdreg $0x1B1000  }
0xb7: {  	[dreg:$0xb] =	wrdreg $0xA  }
0xb8: {  	_ =	task.clear_ibuf [dreg:s6], $0xCFFFF;
	_ =	strace $0x90000046  }
0xb9: {  	s29 =	simm.s32 $0xA;
	_ =	strace $0x80000048  }
0xba: {  	_ =	swait.ge [sflag:s29], $0x1  }
0xbb: {  	[sflag:s29] =	ssyncadd.s32 $0xFFFFFFFF  }
0xbc: {  	_ =	strace $0x90000048  }
0xbd: {  	_ =	sfence  }
0xbe: {  	s30 =	sld [smem:$0x0];
	_ =	sdelay $0x2  }
0xbf: {  	s31 =	sshll.u32 s1, $0xD;
	s1 =	sshrl.u32 s1, $0x2  }
0xc0: {  	s3 =	sand.u32 $0x4000, s31;
	s1 =	sadd.s32 s1, s30  }
0xc1: {  	s0 =	sor.u32 s3, s0;
	s1 =	sshll.u32 s1, $0x11  }
0xc2: {  	s0 =	sor.u32 s1, s0  }
0xc3: {  	s0 =	sadd.s32 $0x8F2B, s0  }
0xc4: {  	[sflag:s0] =	ssyncadd.remote.s32 $0x1  }
0xc5: {  	_ =	sfence.sel $0xFFFF  }
0xc6: {  	[dreg:$0x0] =	wrdreg $0xFFFFFFFF;
	(pc) =	sbr.abs _section_cstart, $3  }
0xc7: {  	[dreg:$0x1] =	wrdreg $0xFFFFFFFF  }
0xc8: {  	_ =	task.clear_ibuf [dreg:s6], $0x2FFFF;
	_ =	strace $0x9FFFFFFF  }
0xc9: {  	(tm) =	ssettm $0x7FFFFFFF  }
tec
execute0_lowered:
.L_overlay_start_1:
0x0: {  	(tag) =	ssettag $0x1  }
0x1: {  	s2 =	rddreg [dreg:$0x0]  }
0x2: {  	s0 =	rddreg [dreg:$0x1]  }
0x3: {  	s1 =	rddreg [dreg:$0x2]  }
0x4: {  	s3 =	rddreg [dreg:$0x3]  }
0x5: {  	s4 =	rddreg [dreg:$0x4]  }
0x6: {  	s5 =	rddreg [dreg:$0x5]  }
0x7: {  	s6 =	rddreg [dreg:$0x6]  }
0x8: {  	s7 =	rddreg [dreg:$0x7]  }
0x9: {  	s9 =	rddreg [dreg:$0x8];
	s14 =	stileid.u32  }
0xa: {  	s10 =	simm.s32 $0x0;
	s11 =	srdreg.scid;
	s8 =	smul.u32 $0x30D4, s14  }
0xb: {  	[smem:$0x7FF] =	sst s10;
	s11 =	sand.u32 $0x1, s11;
	s13 =	smul.u32 $0x1880, s14  }
0xc: {  	s12 =	sadd.s32 $0x64200, s2;
	s23 =	smul.u32 $0xC400, s14;
	_ =	strace $0x80000047  }
0xd: {  	[dreg:$0xa] =	wrdreg s12;
	s17 =	sshll.u32 s11, $0x9;
	s8 =	sadd.s32 s8, s2  }
0xe: {  	s2 =	sadd.s32 $0xF7200, s2;
	[dreg:$0xc] =	wrdreg s23;
	s24 =	sadd.s32 s13, s0  }
0xf: {  	s18 =	sadd.s32 s13, s1;
	s25 =	sadd.s32 s13, s3;
	s16 =	sadd.s32 s13, s4  }
0x10: {  	s26 =	sadd.s32 s13, s5;
	s31 =	sadd.s32 s13, s6;
	[dreg:$0xd] =	wrdreg s17  }
0x11: {  	s15 =	sadd.s32 s13, s7;
	s13 =	sadd.s32 s13, s9;
	[dreg:$0xb] =	wrdreg s2  }
0x12: {  	[dreg:$0x11] =	wrdreg s13  }
0x13: {  	s30 =	simm.s32 $0x1;
	s28 =	simm.s32 $0x3;
	[dreg:$0xe] =	wrdreg s18  }
0x14: {  	s29 =	simm.s32 $0x4;
	s14 =	simm.s32 $0x2710;
	[dreg:$0xf] =	wrdreg s16  }
0x15: {  	s21 =	ssub.s32 $0x2, s11;
	s13 =	sshrl.u32 s24, $0x3;
	[dreg:$0x10] =	wrdreg s31  }
0x16: {  	s22 =	sshrl.u32 s21, $0x1;
	s19 =	sshrl.u32 s25, $0x3;
	[dreg:$0x13] =	wrdreg s13  }
0x17: {  	s2 =	ssub.s32 s21, s22;
	s22 =	sshrl.u32 s26, $0x3;
	[dreg:$0x14] =	wrdreg s19  }
0x18: {  	s20 =	sadd.s32 $0x2600, s8;
	s23 =	sshrl.u32 s15, $0x3;
	[dreg:$0x15] =	wrdreg s22  }
0x19: {  	s21 =	sadd.s32 $0x33400, s8;
	s24 =	sor.u32 $0x80, s17;
	[dreg:$0x16] =	wrdreg s23  }
0x1a: {  	s25 =	sor.u32 $0x100, s17;
	s26 =	sor.u32 $0x180, s17;
	[dreg:$0x17] =	wrdreg s24  }
0x1b: {  	s8 =	simm.s32 $0x0;
	s2 =	smax.u32 s2, $0x1;
	[dreg:$0x18] =	wrdreg s25  }
0x1c: {  	[dreg:$0x19] =	wrdreg s26;
	s19 =	simm.s32 $0x5;
	s13 =	simm.s32 $0x2780  }
0x1d: {  	s22 =	simm.s32 $0x6780;
	s23 =	simm.s32 $0x8F00;
	s24 =	simm.s32 $0xB680  }
0x1e: {  	v0 =	vimm.f32 $0.0e+00;
	s25 =	simm.s32 $0xDE00;
	s26 =	simm.s32 $0x2;
	[dreg:$0x12] =	wrdreg s2  }
.LBB2_1:
0x1f: {  	[dreg:$0x1a] =	wrdreg s8;
	s8 =	simm.s32 $0x40;
	s11 =	simm.s32 $0x0  }
.LBB2_2:
0x20: {  	p0 =	sne.s32 s8, $0x61C0;
	[tilespmem:s11+$0x4F00] =	vst v0;
	s11 =	smov.u32 s8;
	s8 =	sadd.s32 $0x40, s8  }
.Ltmp0:
0x21: {  	(pc) =	sbr.rel @p0 .LBB2_2-.Ltmp0, $2  }
0x22: {  	_ =	sdelay $0x2  }
0x23: {  	s11 =	sshra.s32 s11, $0x2  }
0x24: {  	[tilespmem:s11+$0x4F00] =	vst v0;
	s2 =	simm.s32 $0x0  }
.LBB2_4:
0x25: {  	[dreg:$0x1b] =	wrdreg s2  }
0x26: {  	s8 =	smul.u32 $0xC4000, s2;
	s12 =	rddreg [dreg:$0xc]  }
0x27: {  	s15 =	rddreg [dreg:$0xd];
	s17 =	stileid.u32  }
0x28: {  	s2 =	rddreg [dreg:$0xa];
	s31 =	sshll.u32 s17, $0x6;
	s11 =	sadd.s32 s12, s8  }
0x29: {  	s17 =	simm.s32 $0x80;
	s31 =	sor.u32 $0x1C05, s31;
	s8 =	sor.u32 s15, s11  }
0x2a: {  	s15 =	smov.u32 s16;
	s12 =	sshrl.u32 s8, $0x3;
	s8 =	rddreg [dreg:$0x13]  }
0x2b: {  	s16 =	simm.s32 $0x10;
	[dreg:$0x1d] =	wrdreg s12;
	s12 =	sadd.s32 s2, s12  }
0x2c: {  	[spmem:s8@s16], [sflag:s31] =	dma.strided [hbm:s12@s17], $0x310, s30, $0x10   }
0x2d: {  	_ =	swait.ge [sflag:s19], $0x310  }
0x2e: {  	[sflag:s19] =	ssyncset.done $0x0  }
0x2f: {  	s17 =	simm.s32 $0x4F00;
	[sflag:s19] =	ssyncadd.s32 $0xFFFFFCF0  }
0x30: {  	[spmem:s18] =	stream.linear.scatter [tilespmem:s17], [sflag:$0x5], $0x1880, $0x38;
	[tilespmem:$0x1C980] =	vst v63  }
0x31: {  	_ =	swait.ge [sflag:s19], $0x1880  }
0x32: {  	s12 =	rddreg [dreg:$0x17]  }
0x33: {  	s16 =	simm.s32 $0x10;
	s18 =	simm.s32 $0x80;
	s8 =	sor.u32 s12, s11  }
0x34: {  	[sflag:s19] =	ssyncset.done $0x0;
	s12 =	rddreg [dreg:$0x14];
	s8 =	sshrl.u32 s8, $0x3  }
0x35: {  	[sflag:s19] =	ssyncadd.s32 $0xFFFFE780;
	[dreg:$0x1e] =	wrdreg s8;
	s8 =	sadd.s32 s2, s8  }
0x36: {  	[spmem:s12@s16], [sflag:s31] =	dma.strided [hbm:s8@s18], $0x310, s30, $0x10   }
0x37: {  	_ =	swait.ge [sflag:s19], $0x310  }
0x38: {  	[sflag:s19] =	ssyncset.done $0x0  }
0x39: {  	[sflag:s19] =	ssyncadd.s32 $0xFFFFFCF0  }
0x3a: {  	[spmem:s15] =	stream.linear.scatter [tilespmem:s17], [sflag:$0x5], $0x1880, $0x38;
	[tilespmem:$0x1C980] =	vst v63  }
0x3b: {  	_ =	swait.ge [sflag:s19], $0x1880  }
0x3c: {  	s16 =	rddreg [dreg:$0x18]  }
0x3d: {  	s15 =	simm.s32 $0x80;
	[sflag:s19] =	ssyncset.done $0x0;
	s8 =	sor.u32 s16, s11  }
0x3e: {  	[sflag:s19] =	ssyncadd.s32 $0xFFFFE780;
	s16 =	rddreg [dreg:$0x15];
	s8 =	sshrl.u32 s8, $0x3  }
0x3f: {  	[smem:$0x7FD] =	sst s8;
	s18 =	sadd.s32 s2, s8;
	s8 =	simm.s32 $0x10  }
0x40: {  	[spmem:s16@s8], [sflag:s31] =	dma.strided [hbm:s18@s15], $0x310, s30, $0x10   }
0x41: {  	_ =	swait.ge [sflag:s19], $0x310  }
0x42: {  	[sflag:s19] =	ssyncset.done $0x0  }
0x43: {  	s18 =	rddreg [dreg:$0x10];
	[sflag:s19] =	ssyncadd.s32 $0xFFFFFCF0  }
0x44: {  	[spmem:s18] =	stream.linear.scatter [tilespmem:s17], [sflag:$0x5], $0x1880, $0x38;
	[tilespmem:$0x1C980] =	vst v63  }
0x45: {  	_ =	swait.ge [sflag:s19], $0x1880  }
0x46: {  	s15 =	rddreg [dreg:$0x19]  }
0x47: {  	[dreg:$0x1c] =	wrdreg s31;
	[sflag:s19] =	ssyncset.done $0x0;
	s11 =	sor.u32 s15, s11  }
0x48: {  	s18 =	rddreg [dreg:$0x16];
	[sflag:s19] =	ssyncadd.s32 $0xFFFFE780;
	s11 =	sshrl.u32 s11, $0x3  }
0x49: {  	[dreg:$0x1f] =	wrdreg s11;
	s16 =	sadd.s32 s2, s11;
	s11 =	simm.s32 $0x80  }
0x4a: {  	[spmem:s18@s8], [sflag:s31] =	dma.strided [hbm:s16@s11], $0x310, s30, $0x10   }
0x4b: {  	_ =	swait.ge [sflag:s19], $0x310  }
0x4c: {  	[sflag:s19] =	ssyncset.done $0x0  }
0x4d: {  	s15 =	rddreg [dreg:$0x11];
	[sflag:s19] =	ssyncadd.s32 $0xFFFFFCF0  }
0x4e: {  	[spmem:s15] =	stream.linear.scatter [tilespmem:s17], [sflag:$0x5], $0x1880, $0x38;
	[tilespmem:$0x1C980] =	vst v63  }
0x4f: {  	_ =	swait.ge [sflag:s19], $0x1880  }
0x50: {  	[sflag:s19] =	ssyncset.done $0x0  }
0x51: {  	[sflag:s19] =	ssyncadd.s32 $0xFFFFE780  }
0x52: {  	s18 =	sadd.s32 $0x0, s21;
	[bflag:$0x0] =	sbarrier.arrive $0xFFFF  }
0x53: {  	[tilespmem:s10], [sflag:$0x5] =	stream.linear.gather [hbm4b:s18+s10], $0x2710, $0x38;
	[tilespmem:$0x1C980] =	vst v63  }
0x54: {  	_ =	swait.ge [sflag:s19], $0x2710  }
0x55: {  	[sflag:s19] =	ssyncset.done $0x0  }
0x56: {  	s31 =	sadd.s32 $0x0, s20;
	[sflag:s19] =	ssyncadd.s32 $0xFFFFD8F0  }
0x57: {  	[tilespmem:s13], [sflag:$0x5] =	stream.linear.gather [hbm4b:s31+s10], $0x2710, $0x38;
	[tilespmem:$0x1C980] =	vst v63  }
0x58: {  	_ =	swait.ge [sflag:s19], $0x2710  }
0x59: {  	[sflag:s19] =	ssyncset.done $0x0  }
0x5a: {  	[sflag:s19] =	ssyncadd.s32 $0xFFFFD8F0  }
0x5b: {  	[tilespmem:s22], [sflag:$0x1] =	stream.indirect.gather [spmem:s0], $0x1, s10, s14, $0xb8;
	[tilespmem:$0x1C980] =	vst v63  }
0x5c: {  	_ = 	snop  }
0x5d: {  	[tilespmem:s23], [sflag:$0x2] =	stream.indirect.gather [spmem:s3], $0x1, s10, s14, $0xb8;
	[tilespmem:$0x1C980] =	vst v63  }
0x5e: {  	_ = 	snop  }
0x5f: {  	[tilespmem:s24], [sflag:$0x3] =	stream.indirect.gather [spmem:s5], $0x1, s10, s14, $0xb8;
	[tilespmem:$0x1C980] =	vst v63  }
0x60: {  	_ = 	snop  }
0x61: {  	[tilespmem:s25], [sflag:$0x4] =	stream.indirect.gather [spmem:s7], $0x1, s10, s14, $0xb8;
	[tilespmem:$0x1C980] =	vst v63  }
0x62: {  	_ =	swait.ge [sflag:s30], $0x2710  }
0x63: {  	[sflag:s30] =	ssyncset.done $0x0  }
0x64: {  	[sflag:s30] =	ssyncadd.s32 $0xFFFFD8F0  }
0x65: {  	[spmem:s1] =	stream.indirect.scatter.add.f32 [tilespmem:s22], [sflag:$0x5], $0x1, s13, s14, $0xb8;
	[tilespmem:$0x1C980] =	vst v63  }
0x66: {  	_ =	swait.ge [sflag:s19], $0x2710  }
0x67: {  	[sflag:s19] =	ssyncset.done $0x0  }
0x68: {  	[sflag:s19] =	ssyncadd.s32 $0xFFFFD8F0  }
0x69: {  	_ =	swait.ge [sflag:s26], $0x2710  }
0x6a: {  	[sflag:s26] =	ssyncset.done $0x0  }
0x6b: {  	[sflag:s26] =	ssyncadd.s32 $0xFFFFD8F0  }
0x6c: {  	[spmem:s4] =	stream.indirect.scatter.add.f32 [tilespmem:s23], [sflag:$0x5], $0x1, s13, s14, $0xb8;
	[tilespmem:$0x1C980] =	vst v63  }
0x6d: {  	_ =	swait.ge [sflag:s19], $0x2710  }
0x6e: {  	[sflag:s19] =	ssyncset.done $0x0  }
0x6f: {  	[sflag:s19] =	ssyncadd.s32 $0xFFFFD8F0  }
0x70: {  	_ =	swait.ge [sflag:s28], $0x2710  }
0x71: {  	[sflag:s28] =	ssyncset.done $0x0  }
0x72: {  	[sflag:s28] =	ssyncadd.s32 $0xFFFFD8F0  }
0x73: {  	[spmem:s6] =	stream.indirect.scatter.add.f32 [tilespmem:s24], [sflag:$0x5], $0x1, s13, s14, $0xb8;
	[tilespmem:$0x1C980] =	vst v63  }
0x74: {  	_ =	swait.ge [sflag:s19], $0x2710  }
0x75: {  	[sflag:s19] =	ssyncset.done $0x0  }
0x76: {  	[sflag:s19] =	ssyncadd.s32 $0xFFFFD8F0  }
0x77: {  	_ =	swait.ge [sflag:s29], $0x2710  }
0x78: {  	[sflag:s29] =	ssyncset.done $0x0  }
0x79: {  	[sflag:s29] =	ssyncadd.s32 $0xFFFFD8F0  }
0x7a: {  	[spmem:s9] =	stream.indirect.scatter.add.f32 [tilespmem:s25], [sflag:$0x5], $0x1, s13, s14, $0xb8;
	[tilespmem:$0x1C980] =	vst v63  }
0x7b: {  	s12 =	simm.s32 $0x4E2;
	_ =	swait.ge [sflag:s19], $0x2710  }
0x7c: {  	s16 =	simm.s32 $0x80;
	s17 =	simm.s32 $0x9C4;
	[sflag:s19] =	ssyncset.done $0x0  }
.LBB2_5:
0x7d: {  	s31 =	sadd.s32 s12, s21  }
0x7e: {  	[sflag:s19] =	ssyncadd.s32 $0xFFFFD8F0;
	s2 =	smov.u32 s17;
	s18 =	sadd.s32 $0x4E2, s17  }
0x7f: {  	[tilespmem:s10], [sflag:$0x5] =	stream.linear.gather [hbm4b:s31+s10], $0x2710, $0x38;
	[tilespmem:$0x1C980] =	vst v63  }
0x80: {  	p0 =	sne.s32 s17, $0x2BF2;
	_ =	swait.ge [sflag:s19], $0x2710  }
0x81: {  	[sflag:s19] =	ssyncset.done $0x0  }
0x82: {  	s17 =	sadd.s32 s12, s20;
	s12 =	smov.u32 s2;
	[sflag:s19] =	ssyncadd.s32 $0xFFFFD8F0  }
0x83: {  	[tilespmem:s13], [sflag:$0x5] =	stream.linear.gather [hbm4b:s17+s10], $0x2710, $0x38;
	[tilespmem:$0x1C980] =	vst v63  }
0x84: {  	_ =	swait.ge [sflag:s19], $0x2710  }
0x85: {  	[sflag:s19] =	ssyncset.done $0x0  }
0x86: {  	[sflag:s19] =	ssyncadd.s32 $0xFFFFD8F0  }
0x87: {  	[tilespmem:s22], [sflag:$0x1] =	stream.indirect.gather [spmem:s0], $0x1, s10, s14, $0xb8;
	[tilespmem:$0x1C980] =	vst v63  }
0x88: {  	_ = 	snop  }
0x89: {  	[tilespmem:s23], [sflag:$0x2] =	stream.indirect.gather [spmem:s3], $0x1, s10, s14, $0xb8;
	[tilespmem:$0x1C980] =	vst v63  }
0x8a: {  	_ = 	snop  }
0x8b: {  	[tilespmem:s24], [sflag:$0x3] =	stream.indirect.gather [spmem:s5], $0x1, s10, s14, $0xb8;
	[tilespmem:$0x1C980] =	vst v63  }
0x8c: {  	_ = 	snop  }
0x8d: {  	[tilespmem:s25], [sflag:$0x4] =	stream.indirect.gather [spmem:s7], $0x1, s10, s14, $0xb8;
	[tilespmem:$0x1C980] =	vst v63  }
0x8e: {  	_ =	swait.ge [sflag:s30], $0x2710  }
0x8f: {  	[sflag:s30] =	ssyncset.done $0x0  }
0x90: {  	[sflag:s30] =	ssyncadd.s32 $0xFFFFD8F0  }
0x91: {  	[spmem:s1] =	stream.indirect.scatter.add.f32 [tilespmem:s22], [sflag:$0x5], $0x1, s13, s14, $0xb8;
	[tilespmem:$0x1C980] =	vst v63  }
0x92: {  	_ =	swait.ge [sflag:s19], $0x2710  }
0x93: {  	[sflag:s19] =	ssyncset.done $0x0  }
0x94: {  	[sflag:s19] =	ssyncadd.s32 $0xFFFFD8F0  }
0x95: {  	_ =	swait.ge [sflag:s26], $0x2710  }
0x96: {  	[sflag:s26] =	ssyncset.done $0x0  }
0x97: {  	[sflag:s26] =	ssyncadd.s32 $0xFFFFD8F0  }
0x98: {  	[spmem:s4] =	stream.indirect.scatter.add.f32 [tilespmem:s23], [sflag:$0x5], $0x1, s13, s14, $0xb8;
	[tilespmem:$0x1C980] =	vst v63  }
0x99: {  	_ =	swait.ge [sflag:s19], $0x2710  }
0x9a: {  	[sflag:s19] =	ssyncset.done $0x0  }
0x9b: {  	[sflag:s19] =	ssyncadd.s32 $0xFFFFD8F0  }
0x9c: {  	_ =	swait.ge [sflag:s28], $0x2710  }
0x9d: {  	[sflag:s28] =	ssyncset.done $0x0  }
0x9e: {  	[sflag:s28] =	ssyncadd.s32 $0xFFFFD8F0  }
0x9f: {  	[spmem:s6] =	stream.indirect.scatter.add.f32 [tilespmem:s24], [sflag:$0x5], $0x1, s13, s14, $0xb8;
	[tilespmem:$0x1C980] =	vst v63  }
0xa0: {  	_ =	swait.ge [sflag:s19], $0x2710  }
0xa1: {  	[sflag:s19] =	ssyncset.done $0x0  }
0xa2: {  	[sflag:s19] =	ssyncadd.s32 $0xFFFFD8F0  }
0xa3: {  	_ =	swait.ge [sflag:s29], $0x2710  }
.Ltmp1:
0xa4: {  	[sflag:s29] =	ssyncset.done $0x0;
	(pc) =	sbr.rel @p0 .LBB2_5-.Ltmp1, $4  }
0xa5: {  	[sflag:s29] =	ssyncadd.s32 $0xFFFFD8F0  }
0xa6: {  	[spmem:s9] =	stream.indirect.scatter.add.f32 [tilespmem:s25], [sflag:$0x5], $0x1, s13, s14, $0xb8;
	[tilespmem:$0x1C980] =	vst v63  }
0xa7: {  	_ =	swait.ge [sflag:s19], $0x2710  }
0xa8: {  	s17 =	smov.u32 s18;
	[sflag:s19] =	ssyncset.done $0x0  }
0xa9: {  	s2 =	sadd.s32 s12, s21;
	[sflag:s19] =	ssyncadd.s32 $0xFFFFD8F0  }
0xaa: {  	[tilespmem:s10], [sflag:$0x5] =	stream.linear.gather [hbm4b:s2+s10], $0x2710, $0x38;
	[tilespmem:$0x1C980] =	vst v63  }
0xab: {  	_ =	swait.ge [sflag:s19], $0x2710  }
0xac: {  	[sflag:s19] =	ssyncset.done $0x0  }
0xad: {  	s31 =	sadd.s32 s12, s20;
	[sflag:s19] =	ssyncadd.s32 $0xFFFFD8F0  }
0xae: {  	[tilespmem:s13], [sflag:$0x5] =	stream.linear.gather [hbm4b:s31+s10], $0x2710, $0x38;
	[tilespmem:$0x1C980] =	vst v63  }
0xaf: {  	_ =	swait.ge [sflag:s19], $0x2710  }
0xb0: {  	[sflag:s19] =	ssyncset.done $0x0  }
0xb1: {  	[sflag:s19] =	ssyncadd.s32 $0xFFFFD8F0  }
0xb2: {  	[tilespmem:s22], [sflag:$0x1] =	stream.indirect.gather [spmem:s0], $0x1, s10, s14, $0xb8;
	[tilespmem:$0x1C980] =	vst v63  }
0xb3: {  	_ = 	snop  }
0xb4: {  	[tilespmem:s23], [sflag:$0x2] =	stream.indirect.gather [spmem:s3], $0x1, s10, s14, $0xb8;
	[tilespmem:$0x1C980] =	vst v63  }
0xb5: {  	_ = 	snop  }
0xb6: {  	[tilespmem:s24], [sflag:$0x3] =	stream.indirect.gather [spmem:s5], $0x1, s10, s14, $0xb8;
	[tilespmem:$0x1C980] =	vst v63  }
0xb7: {  	_ = 	snop  }
0xb8: {  	[tilespmem:s25], [sflag:$0x4] =	stream.indirect.gather [spmem:s7], $0x1, s10, s14, $0xb8;
	[tilespmem:$0x1C980] =	vst v63  }
0xb9: {  	_ =	swait.ge [sflag:s30], $0x2710  }
0xba: {  	[sflag:s30] =	ssyncset.done $0x0  }
0xbb: {  	[sflag:s30] =	ssyncadd.s32 $0xFFFFD8F0  }
0xbc: {  	[spmem:s1] =	stream.indirect.scatter.add.f32 [tilespmem:s22], [sflag:$0x5], $0x1, s13, s14, $0xb8;
	[tilespmem:$0x1C980] =	vst v63  }
0xbd: {  	_ =	swait.ge [sflag:s19], $0x2710  }
0xbe: {  	[sflag:s19] =	ssyncset.done $0x0  }
0xbf: {  	[sflag:s19] =	ssyncadd.s32 $0xFFFFD8F0  }
0xc0: {  	_ =	swait.ge [sflag:s26], $0x2710  }
0xc1: {  	[sflag:s26] =	ssyncset.done $0x0  }
0xc2: {  	[sflag:s26] =	ssyncadd.s32 $0xFFFFD8F0  }
0xc3: {  	[spmem:s4] =	stream.indirect.scatter.add.f32 [tilespmem:s23], [sflag:$0x5], $0x1, s13, s14, $0xb8;
	[tilespmem:$0x1C980] =	vst v63  }
0xc4: {  	_ =	swait.ge [sflag:s19], $0x2710  }
0xc5: {  	[sflag:s19] =	ssyncset.done $0x0  }
0xc6: {  	[sflag:s19] =	ssyncadd.s32 $0xFFFFD8F0  }
0xc7: {  	_ =	swait.ge [sflag:s28], $0x2710  }
0xc8: {  	[sflag:s28] =	ssyncset.done $0x0  }
0xc9: {  	[sflag:s28] =	ssyncadd.s32 $0xFFFFD8F0  }
0xca: {  	[spmem:s6] =	stream.indirect.scatter.add.f32 [tilespmem:s24], [sflag:$0x5], $0x1, s13, s14, $0xb8;
	[tilespmem:$0x1C980] =	vst v63  }
0xcb: {  	_ =	swait.ge [sflag:s19], $0x2710  }
0xcc: {  	[sflag:s19] =	ssyncset.done $0x0  }
0xcd: {  	[sflag:s19] =	ssyncadd.s32 $0xFFFFD8F0  }
0xce: {  	_ =	swait.ge [sflag:s29], $0x2710  }
0xcf: {  	[sflag:s29] =	ssyncset.done $0x0  }
0xd0: {  	[sflag:s29] =	ssyncadd.s32 $0xFFFFD8F0  }
0xd1: {  	[spmem:s9] =	stream.indirect.scatter.add.f32 [tilespmem:s25], [sflag:$0x5], $0x1, s13, s14, $0xb8;
	[tilespmem:$0x1C980] =	vst v63  }
0xd2: {  	_ =	swait.ge [sflag:s19], $0x2710  }
0xd3: {  	[sflag:s19] =	ssyncset.done $0x0  }
0xd4: {  	[sflag:s19] =	ssyncadd.s32 $0xFFFFD8F0  }
0xd5: {  	[bflag:$0x0] =	sbarrier.arrive $0xFFFF  }
0xd6: {  	s17 =	rddreg [dreg:$0xb]  }
0xd7: {  	s8 =	rddreg [dreg:$0x1d]  }
0xd8: {  	s15 =	simm.s32 $0x10;
	s18 =	rddreg [dreg:$0xe]  }
0xd9: {  	s31 =	rddreg [dreg:$0x1c];
	s2 =	sadd.s32 s17, s8;
	s11 =	sshrl.u32 s18, $0x3  }
0xda: {  	[hbm:s2@s16], [sflag:s31] =	dma.strided [spmem:s11@s15], $0x310, s30, $0x10   }
0xdb: {  	_ =	swait.ge [sflag:s19], $0x310  }
0xdc: {  	s16 =	rddreg [dreg:$0x1e]  }
0xdd: {  	[sflag:s19] =	ssyncset.done $0x0;
	s2 =	sadd.s32 s17, s16;
	s16 =	rddreg [dreg:$0xf]  }
0xde: {  	s11 =	simm.s32 $0x80;
	[sflag:s19] =	ssyncadd.s32 $0xFFFFFCF0;
	s8 =	sshrl.u32 s16, $0x3  }
0xdf: {  	[hbm:s2@s11], [sflag:s31] =	dma.strided [spmem:s8@s15], $0x310, s30, $0x10   }
0xe0: {  	_ =	swait.ge [sflag:s19], $0x310  }
0xe1: {  	s12 =	sld [smem:$0x7FD];
	_ =	sdelay $0x1  }
0xe2: {  	[sflag:s19] =	ssyncset.done $0x0;
	s8 =	rddreg [dreg:$0x10]  }
0xe3: {  	[sflag:s19] =	ssyncadd.s32 $0xFFFFFCF0;
	s8 =	sshrl.u32 s8, $0x3;
	s2 =	sadd.s32 s17, s12  }
0xe4: {  	[hbm:s2@s11], [sflag:s31] =	dma.strided [spmem:s8@s15], $0x310, s30, $0x10   }
0xe5: {  	_ =	swait.ge [sflag:s19], $0x310  }
0xe6: {  	s15 =	rddreg [dreg:$0x1f]  }
0xe7: {  	[sflag:s19] =	ssyncset.done $0x0;
	s2 =	sadd.s32 s17, s15;
	s15 =	rddreg [dreg:$0x11]  }
0xe8: {  	s8 =	simm.s32 $0x10;
	[sflag:s19] =	ssyncadd.s32 $0xFFFFFCF0;
	s17 =	sshrl.u32 s15, $0x3  }
0xe9: {  	[hbm:s2@s11], [sflag:s31] =	dma.strided [spmem:s17@s8], $0x310, s30, $0x10   }
0xea: {  	_ =	swait.ge [sflag:s19], $0x310  }
0xeb: {  	s31 =	rddreg [dreg:$0x1b]  }
0xec: {  	s2 =	sadd.s32 $0x1, s31  }
0xed: {  	p0 =	sne.s32 s2, $0x6  }
.Ltmp2:
0xee: {  	_ = 	snop;
	(pc) =	sbr.rel @p0 .LBB2_4-.Ltmp2, $3  }
0xef: {  	[sflag:s19] =	ssyncset.done $0x0  }
0xf0: {  	[sflag:s19] =	ssyncadd.s32 $0xFFFFFCF0  }
0xf1: {  	[bflag:$0x0] =	sbarrier.arrive $0xFFFF;
	_ =	sdelay $0x1  }
0xf2: {  	s8 =	rddreg [dreg:$0x1a]  }
0xf3: {  	s2 =	rddreg [dreg:$0x12];
	s8 =	sadd.s32 $0x1, s8  }
0xf4: {  	p0 =	sne.s32 s8, s2  }
.Ltmp3:
0xf5: {  	_ = 	snop;
	(pc) =	sbr.rel @p0 .LBB2_1-.Ltmp3, $1  }
0xf6: {  	_ =	sdelay $0x3  }
0xf7: {  	_ =	sfence.sel $0x180000  }
0xf8: {  	[bflag:$0x0] =	sbarrier.arrive $0xFFFF  }
0xf9: {  	_ =	strace $0x90000047  }
0xfa: {  	s0 =	stileid.u32;
	[bflag:$0x2] =	sbarrier.arrive $0xFFFF  }
0xfb: {  	p0 =	sne.s32 s0, $0x0;
	s0 =	rddreg [dreg:$0x9]  }
0xfc: {  	s0 =	sadd.s32 @!p0 $0x100000, s0  }
0xfd: {  	[sflag:s0] =	ssyncadd.tile.s32 @!p0 $0x1;
	_ =	shalt  }
.Lfunc_end2:
_tile_overlayer_lowered:
.L_overlay_start_2:
0xfe: {  	(tag) =	ssettag $0x2  }
0xff: {  	s0 =	rddreg [dreg:$0x0];
	s2 =	stileid.u32  }
0x100: {  	s1 =	rddreg [dreg:$0x1];
	p0 =	sne.s32 s2, $0x0  }
0x101: {  	s3 =	rddreg [dreg:$0x2];
	[bflag:$0x3] =	sbarrier.arrive $0xFFFF;
	s2 =	simm.s32 @!p0 $0x1C05  }
0x102: {  	[timem:s3], [sflag:s2] =	dma.local @!p0 [hbm:s0], s1  }
0x103: {  	s0 =	simm.s32 @!p0 $0x5  }
0x104: {  	_ =	swait.ge @!p0 [sflag:s0], s1  }
0x105: {  	s1 =	ssub.s32 @!p0 $0x0, s1;
	[sflag:s0] =	ssyncset.done @!p0 $0x0  }
0x106: {  	[sflag:s0] =	ssyncadd.s32 @!p0 s1  }
0x107: {  	[bflag:$0x3] =	sbarrier.arrive $0xFFFF  }
0x108: {  	_ =	shalt  }

// kernel: kernel.15.cloned.1.call-start
scs
__scs_entry_jumppad:
0x0: {  	(pc) =	sbr.rel $0x88, $3  }
0x1: {  	(tag) =	ssettag $0x0;
	lr =	simm.s32 $0x1  }
0x2: {  	[smem:$0x3F94] =	sst lr;
	_ =	strace $0xD0000000  }
0x3: {  	_ = 	snop  }
0x4: {  	_ = 	snop  }
0x5: {  	_ = 	snop  }
0x6: {  	_ = 	snop  }
0x7: {  	_ = 	snop  }
__scs_overlays_trampoline_lowered:
0x8: {  	[smem:$0x3FA3] =	sst s0  }
0x9: {  	[smem:$0x3FA4] =	sst s1  }
0xa: {  	[smem:$0x3FA5] =	sst s2  }
0xb: {  	[smem:$0x3FA6] =	sst s3  }
0xc: {  	[smem:$0x3FA7] =	sst s4  }
0xd: {  	[smem:$0x3FA8] =	sst s5  }
0xe: {  	[smem:$0x3FA9] =	sst s6  }
0xf: {  	[smem:$0x3FAA] =	sst s7  }
0x10: {  	[smem:$0x3FAB] =	sst s8  }
0x11: {  	[smem:$0x3FAC] =	sst s9;
	s0 =	simm.s32 @!p0 $0x0  }
0x12: {  	s1 =	sld [smem:$0x3F92];
	s0 =	simm.s32 @p0 $0x1  }
0x13: {  	[smem:$0x3FAD] =	sst s0;
	s0 =	simm.s32 @!p1 $0x0  }
0x14: {  	s2 =	sld [smem:$0x3F91];
	s0 =	simm.s32 @p1 $0x1  }
0x15: {  	[smem:$0x3FAE] =	sst s0;
	s0 =	simm.s32 @!p2 $0x0  }
0x16: {  	s3 =	sld [smem:$0x3FDB];
	s0 =	simm.s32 @p2 $0x1  }
0x17: {  	s4 =	simm.s32 $0x1BF5;
	[smem:$0x3FB0] =	sst s0  }
0x18: {  	s0 =	sld [smem:$0x3F93];
	_ =	swait.ge [sflag:s4], $0x0  }
0x19: {  	s7 =	sld [smem:$0x3F94]  }
0x1a: {  	s8 =	sadd.s32 $0xFFFFE003, lr  }
0x1b: {  	s9 =	sadd.s32 $0xFFFFFEF7, lr;
	s5 =	simm.s32 $0xFFFFFFFF;
	p2 =	slt.u32 s8, $0xFFFFF086  }
0x1c: {  	p1 =	slt.u32 s9, $0xF7A;
	s5 =	simm.s32 @!p2 $0x0  }
0x1d: {  	s5 =	simm.s32 @p1 $0x1;
	p0 =	seq.s32 s7, s2  }
0x1e: {  	s7 =	smul.u32 @!p0 $0xF7A, s2;
	p2 =	seq.s32 @!p0 s5, $0x0  }
0x1f: {  	s9 =	smul.u32 $0xF7A, s1;
	s8 =	simm.s32 @!p0 $0x1BF5;
	p2 =	por !p2, p0  }
0x20: {  	[sflag:s8] =	ssyncset.s32 @!p0 $0xFFFFF086;
	s6 =	sadd.s32 @!p0 s3, s7;
	s7 =	simm.s32 @!p0 $0x108  }
0x21: {  	s3 =	sadd.s32 s3, s9;
	s6 =	sadd.s32 @!p0 $0x88, s6;
	s7 =	simm.s32 @p2 $0x1082  }
0x22: {  	[simem:s7], [sflag:s8] =	dma.local @!p0 [hbm:s6], $0xF7A  }
0x23: {  	s9 =	sor.u32 $0xD0000000, s2;
	s6 =	simm.s32 $0x108;
	_ =	swait.ge @!p0 [sflag:s8], $0x0  }
0x24: {  	s3 =	sadd.s32 $0x88, s3;
	s6 =	simm.s32 @!p1 $0x1082;
	[sflag:s4] =	ssyncset.s32 $0xFFFFF086  }
0x25: {  	[simem:s6], [sflag:s4] =	dma.local [hbm:s3], $0xF7A  }
0x26: {  	[smem:$0x3F94] =	sst s1;
	(tag) =	ssettag s2;
	_ =	strace s9  }
0x27: {  	s1 =	sld [smem:$0x3FA4]  }
0x28: {  	s2 =	sld [smem:$0x3FA5]  }
0x29: {  	s4 =	sld [smem:$0x3FA7]  }
0x2a: {  	p0 =	seq.s32 s5, $0x0;
	s5 =	sld [smem:$0x3FA8]  }
0x2b: {  	s6 =	sld [smem:$0x3FA9]  }
0x2c: {  	s7 =	sld [smem:$0x3FAA]  }
0x2d: {  	s3 =	simm.s32 $0x108;
	s8 =	sld [smem:$0x3FAB]  }
0x2e: {  	s3 =	simm.s32 @!p0 $0x1082;
	s9 =	sld [smem:$0x3FAC]  }
0x2f: {  	lr =	sadd.s32 s0, s3;
	s0 =	sld [smem:$0x3FA3]  }
0x30: {  	s3 =	sld [smem:$0x3FA6]  }
0x31: {  	[smem:$0x3FAF] =	sst s10  }
0x32: {  	s10 =	sld [smem:$0x3FAD];
	_ =	sdelay $0x3  }
0x33: {  	p0 =	seq.s32 s10, $0x1;
	s10 =	sld [smem:$0x3FAF];
	_ =	sdelay $0x3  }
0x34: {  	[smem:$0x3FAF] =	sst s10  }
0x35: {  	s10 =	sld [smem:$0x3FAE];
	_ =	sdelay $0x3  }
0x36: {  	p1 =	seq.s32 s10, $0x1;
	s10 =	sld [smem:$0x3FAF];
	_ =	sdelay $0x3  }
0x37: {  	[smem:$0x3FAF] =	sst s10  }
0x38: {  	s10 =	sld [smem:$0x3FB0]  }
0x39: {  	_ = 	snop;
	(pc) =	sbr.ind lr, $3  }
0x3a: {  	_ = 	snop  }
0x3b: {  	_ = 	snop  }
0x3c: {  	p2 =	seq.s32 s10, $0x1;
	s10 =	sld [smem:$0x3FAF]  }
0x3d: {  	_ =	shalt  }
0x3e: {  	_ =	shalt  }
0x3f: {  	_ =	shalt  }
0x40: {  	_ =	shalt  }
0x41: {  	_ =	shalt  }
0x42: {  	_ =	shalt  }
0x43: {  	_ =	shalt  }
0x44: {  	_ =	shalt  }
0x45: {  	_ =	shalt  }
0x46: {  	_ =	shalt  }
0x47: {  	_ =	shalt  }
0x48: {  	_ =	shalt  }
0x49: {  	_ =	shalt  }
0x4a: {  	_ =	shalt  }
0x4b: {  	_ =	shalt  }
0x4c: {  	_ =	shalt  }
0x4d: {  	_ =	shalt  }
0x4e: {  	_ =	shalt  }
0x4f: {  	_ =	shalt  }
0x50: {  	_ =	shalt  }
0x51: {  	_ =	shalt  }
0x52: {  	_ =	shalt  }
0x53: {  	_ =	shalt  }
0x54: {  	_ =	shalt  }
0x55: {  	_ =	shalt  }
0x56: {  	_ =	shalt  }
0x57: {  	_ =	shalt  }
0x58: {  	_ =	shalt  }
0x59: {  	_ =	shalt  }
0x5a: {  	_ =	shalt  }
0x5b: {  	_ =	shalt  }
0x5c: {  	_ =	shalt  }
0x5d: {  	_ =	shalt  }
0x5e: {  	_ =	shalt  }
0x5f: {  	_ =	shalt  }
0x60: {  	_ =	shalt  }
0x61: {  	_ =	shalt  }
0x62: {  	_ =	shalt  }
0x63: {  	_ =	shalt  }
0x64: {  	_ =	shalt  }
0x65: {  	_ =	shalt  }
0x66: {  	_ =	shalt  }
0x67: {  	_ =	shalt  }
0x68: {  	_ =	shalt  }
0x69: {  	_ =	shalt  }
0x6a: {  	_ =	shalt  }
0x6b: {  	_ =	shalt  }
0x6c: {  	_ =	shalt  }
0x6d: {  	_ =	shalt  }
0x6e: {  	_ =	shalt  }
0x6f: {  	_ =	shalt  }
0x70: {  	_ =	shalt  }
0x71: {  	_ =	shalt  }
0x72: {  	_ =	shalt  }
0x73: {  	_ =	shalt  }
0x74: {  	_ =	shalt  }
0x75: {  	_ =	shalt  }
0x76: {  	_ =	shalt  }
0x77: {  	_ =	shalt  }
0x78: {  	_ =	shalt  }
0x79: {  	_ =	shalt  }
0x7a: {  	_ =	shalt  }
0x7b: {  	_ =	shalt  }
0x7c: {  	_ =	shalt  }
0x7d: {  	_ =	shalt  }
0x7e: {  	_ =	shalt  }
0x7f: {  	_ =	shalt  }
0x80: {  	_ =	shalt  }
0x81: {  	_ =	shalt  }
0x82: {  	_ =	shalt  }
0x83: {  	_ =	shalt  }
0x84: {  	_ =	shalt  }
0x85: {  	_ =	shalt  }
0x86: {  	_ =	shalt  }
0x87: {  	_ =	shalt  }
.Lfunc_end0:
.L_simem_size_0:
called_computation.2_lowered:
.L_overlay_start_0:
0x88: {  	s2 =	sld [smem:$0x3FD9]  }
0x89: {  	s3 =	sld [smem:$0x3FFE];
	_ =	sdelay $0x1  }
0x8a: {  	s1 =	srdreg.scid  }
0x8b: {  	s0 =	sand.u32 $0x1, s1  }
0x8c: {  	s16 =	sshll.u32 s0, $0xA;
	s2 =	sadd.s32 s3, s2  }
0x8d: {  	s2 =	sadd.s32 s2, s16  }
0x8e: {  	[smem:$0x3FBB] =	sst s2  }
0x8f: {  	_ = 	snop  }
0x90: {  	(tm) =	ssettm $0x1  }
0x91: {  	s17 =	sld [smem:$0x3FFB];
	_ =	sdelay $0x3  }
0x92: {  	_ =	strace s17  }
0x93: {  	s2 =	sld [smem:$0x3FFC];
	_ =	sdelay $0x3  }
0x94: {  	_ =	strace s2  }
0x95: {  	s2 =	sld [smem:$0x3FFD];
	_ =	sdelay $0x3  }
0x96: {  	_ =	strace s2  }
0x97: {  	_ =	strace $0x8FFFFFFF  }
0x98: {  	s18 =	sld [smem:$0x3FDB];
	_ =	sdelay $0x1  }
0x99: {  	s19 =	simm.s32 $_scs_section_size  }
0x9a: {  	s4 =	simm.s32 $_size__tile_overlayer_lowered;
	s5 =	simm.s32 $_tile_overlayer_lowered  }
0x9b: {  	s22 =	simm.s32 $0x1BFF;
	s21 =	sshll.u32 s5, $0x1;
	s2 =	sadd.s32 s19, s18  }
0x9c: {  	s6 =	simm.s32 $0x0;
	s20 =	sshll.u32 s4, $0x1;
	s4 =	sadd.s32 s21, s2  }
0x9d: {  	[timem:s6], [sflag:s22] =	dma.local [hbm:s4], s20  }
0x9e: {  	_ =	swait.ge [sflag:s22], s20  }
0x9f: {  	s3 =	ssub.s32 $0x0, s20;
	[sflag:s22] =	ssyncset.done $0x0  }
0xa0: {  	[sflag:s22] =	ssyncadd.s32 s3;
	_ =	sdelay $0x1  }
0xa1: {  	s23 =	simm.s32 $0x1B8B  }
0xa2: {  	_ =	swait.ge [sflag:s23], $0x1  }
0xa3: {  	[sflag:s23] =	ssyncset.done $0x0  }
0xa4: {  	s25 =	simm.s32 $0x1B8E;
	s24 =	sld [smem:$0x3FFE];
	[sflag:s23] =	ssyncadd.s32 $0xFFFFFFFF  }
0xa5: {  	s26 =	simm.s32 $execute0_lowered;
	[smem:$0x3FD2] =	sst s25  }
0xa6: {  	s4 =	sshll.u32 s26, $0x1;
	_ =	strace $0x8000004C;
	[dreg:$0x1] =	wrdreg $0xFFFFFFFF  }
0xa7: {  	s28 =	simm.s32 $_size_execute0_lowered;
	s2 =	sadd.s32 s2, s4;
	[dreg:$0x0] =	wrdreg $0x0  }
0xa8: {  	s4 =	sshll.u32 s28, $0x1;
	[dreg:$0x2] =	wrdreg s2  }
0xa9: {  	[dreg:$0x3] =	wrdreg s4  }
0xaa: {  	[dreg:$0x4] =	wrdreg $0xC0  }
0xab: {  	_ =	task [dreg:s6], $0x5FFFF  }
0xac: {  	[dreg:$0x1] =	wrdreg $0xFFFFFFFF  }
0xad: {  	[dreg:$0x0] =	wrdreg $0x60  }
0xae: {  	[dreg:$0x2] =	wrdreg s24  }
0xaf: {  	[dreg:$0x3] =	wrdreg $0x105800  }
0xb0: {  	[dreg:$0x4] =	wrdreg $0x167800  }
0xb1: {  	[dreg:$0x5] =	wrdreg $0x11E000  }
0xb2: {  	[dreg:$0x6] =	wrdreg $0x180000  }
0xb3: {  	[dreg:$0x7] =	wrdreg $0x136800  }
0xb4: {  	[dreg:$0x8] =	wrdreg $0x198800  }
0xb5: {  	[dreg:$0x9] =	wrdreg $0x14F000  }
0xb6: {  	[dreg:$0xa] =	wrdreg $0x1B1000  }
0xb7: {  	[dreg:$0xb] =	wrdreg $0x9  }
0xb8: {  	_ =	task.clear_ibuf [dreg:s6], $0xCFFFF;
	_ =	strace $0x9000004C  }
0xb9: {  	s29 =	simm.s32 $0x9;
	_ =	strace $0x8000004E  }
0xba: {  	_ =	swait.ge [sflag:s29], $0x1  }
0xbb: {  	[sflag:s29] =	ssyncadd.s32 $0xFFFFFFFF  }
0xbc: {  	_ =	strace $0x9000004E  }
0xbd: {  	_ =	sfence  }
0xbe: {  	s30 =	sld [smem:$0x0];
	_ =	sdelay $0x2  }
0xbf: {  	s31 =	sshll.u32 s1, $0xD;
	s1 =	sshrl.u32 s1, $0x2  }
0xc0: {  	s3 =	sand.u32 $0x4000, s31;
	s1 =	sadd.s32 s1, s30  }
0xc1: {  	s0 =	sor.u32 s3, s0;
	s1 =	sshll.u32 s1, $0x11  }
0xc2: {  	s0 =	sor.u32 s1, s0  }
0xc3: {  	s0 =	sadd.s32 $0x8F2B, s0  }
0xc4: {  	[sflag:s0] =	ssyncadd.remote.s32 $0x1  }
0xc5: {  	_ =	sfence.sel $0xFFFF  }
0xc6: {  	[dreg:$0x0] =	wrdreg $0xFFFFFFFF;
	(pc) =	sbr.abs _section_cstart, $3  }
0xc7: {  	[dreg:$0x1] =	wrdreg $0xFFFFFFFF  }
0xc8: {  	_ =	task.clear_ibuf [dreg:s6], $0x2FFFF;
	_ =	strace $0x9FFFFFFF  }
0xc9: {  	(tm) =	ssettm $0x7FFFFFFF  }
tec
execute0_lowered:
.L_overlay_start_1:
0x0: {  	(tag) =	ssettag $0x1  }
0x1: {  	s2 =	rddreg [dreg:$0x0]  }
0x2: {  	s0 =	rddreg [dreg:$0x1]  }
0x3: {  	s1 =	rddreg [dreg:$0x2]  }
0x4: {  	s3 =	rddreg [dreg:$0x3]  }
0x5: {  	s4 =	rddreg [dreg:$0x4]  }
0x6: {  	s5 =	rddreg [dreg:$0x5]  }
0x7: {  	s6 =	rddreg [dreg:$0x6]  }
0x8: {  	s7 =	rddreg [dreg:$0x7]  }
0x9: {  	s9 =	rddreg [dreg:$0x8];
	s14 =	stileid.u32  }
0xa: {  	s10 =	simm.s32 $0x0;
	s11 =	srdreg.scid;
	s8 =	smul.u32 $0x30D4, s14  }
0xb: {  	[smem:$0x7FF] =	sst s10;
	s12 =	sadd.s32 $0x18D400, s2;
	s13 =	smul.u32 $0x1880, s14  }
0xc: {  	s11 =	sand.u32 $0x1, s11;
	s23 =	smul.u32 $0xC400, s14;
	_ =	strace $0x8000004D  }
0xd: {  	[dreg:$0xa] =	wrdreg s12;
	s17 =	sshll.u32 s11, $0x9;
	s8 =	sadd.s32 s8, s2  }
0xe: {  	s2 =	sadd.s32 $0xDCD400, s2;
	[dreg:$0xc] =	wrdreg s23;
	s24 =	sadd.s32 s13, s0  }
0xf: {  	s18 =	sadd.s32 s13, s1;
	s25 =	sadd.s32 s13, s3;
	s16 =	sadd.s32 s13, s4  }
0x10: {  	s26 =	sadd.s32 s13, s5;
	s31 =	sadd.s32 s13, s6;
	[dreg:$0xd] =	wrdreg s17  }
0x11: {  	s15 =	sadd.s32 s13, s7;
	s13 =	sadd.s32 s13, s9;
	[dreg:$0xb] =	wrdreg s2  }
0x12: {  	[dreg:$0x11] =	wrdreg s13  }
0x13: {  	s30 =	simm.s32 $0x1;
	s28 =	simm.s32 $0x3;
	[dreg:$0xe] =	wrdreg s18  }
0x14: {  	s29 =	simm.s32 $0x4;
	s14 =	simm.s32 $0x2710;
	[dreg:$0xf] =	wrdreg s16  }
0x15: {  	s21 =	ssub.s32 $0x2, s11;
	s13 =	sshrl.u32 s24, $0x3;
	[dreg:$0x10] =	wrdreg s31  }
0x16: {  	s22 =	sshrl.u32 s21, $0x1;
	s19 =	sshrl.u32 s25, $0x3;
	[dreg:$0x13] =	wrdreg s13  }
0x17: {  	s2 =	ssub.s32 s21, s22;
	s22 =	sshrl.u32 s26, $0x3;
	[dreg:$0x14] =	wrdreg s19  }
0x18: {  	s20 =	sadd.s32 $0x2600, s8;
	s23 =	sshrl.u32 s15, $0x3;
	[dreg:$0x15] =	wrdreg s22  }
0x19: {  	s21 =	sadd.s32 $0x33400, s8;
	s24 =	sor.u32 $0x80, s17;
	[dreg:$0x16] =	wrdreg s23  }
0x1a: {  	s25 =	sor.u32 $0x100, s17;
	s26 =	sor.u32 $0x180, s17;
	[dreg:$0x17] =	wrdreg s24  }
0x1b: {  	s8 =	simm.s32 $0x0;
	s2 =	smax.u32 s2, $0x1;
	[dreg:$0x18] =	wrdreg s25  }
0x1c: {  	[dreg:$0x19] =	wrdreg s26;
	s19 =	simm.s32 $0x5;
	s13 =	simm.s32 $0x2780  }
0x1d: {  	s22 =	simm.s32 $0x6780;
	s23 =	simm.s32 $0x8F00;
	s24 =	simm.s32 $0xB680  }
0x1e: {  	v0 =	vimm.f32 $0.0e+00;
	s25 =	simm.s32 $0xDE00;
	s26 =	simm.s32 $0x2;
	[dreg:$0x12] =	wrdreg s2  }
.LBB2_1:
0x1f: {  	[dreg:$0x1a] =	wrdreg s8;
	s8 =	simm.s32 $0x40;
	s11 =	simm.s32 $0x0  }
.LBB2_2:
0x20: {  	p0 =	sne.s32 s8, $0x61C0;
	[tilespmem:s11+$0x4F00] =	vst v0;
	s11 =	smov.u32 s8;
	s8 =	sadd.s32 $0x40, s8  }
.Ltmp0:
0x21: {  	(pc) =	sbr.rel @p0 .LBB2_2-.Ltmp0, $2  }
0x22: {  	_ =	sdelay $0x2  }
0x23: {  	s11 =	sshra.s32 s11, $0x2  }
0x24: {  	[tilespmem:s11+$0x4F00] =	vst v0;
	s2 =	simm.s32 $0x0  }
.LBB2_4:
0x25: {  	[dreg:$0x1b] =	wrdreg s2  }
0x26: {  	s8 =	smul.u32 $0xC4000, s2;
	s12 =	rddreg [dreg:$0xc]  }
0x27: {  	s15 =	rddreg [dreg:$0xd];
	s17 =	stileid.u32  }
0x28: {  	s2 =	rddreg [dreg:$0xa];
	s31 =	sshll.u32 s17, $0x6;
	s11 =	sadd.s32 s12, s8  }
0x29: {  	s17 =	simm.s32 $0x80;
	s31 =	sor.u32 $0x1C05, s31;
	s8 =	sor.u32 s15, s11  }
0x2a: {  	s15 =	smov.u32 s16;
	s12 =	sshrl.u32 s8, $0x3;
	s8 =	rddreg [dreg:$0x13]  }
0x2b: {  	s16 =	simm.s32 $0x10;
	[dreg:$0x1d] =	wrdreg s12;
	s12 =	sadd.s32 s2, s12  }
0x2c: {  	[spmem:s8@s16], [sflag:s31] =	dma.strided [hbm:s12@s17], $0x310, s30, $0x10   }
0x2d: {  	_ =	swait.ge [sflag:s19], $0x310  }
0x2e: {  	[sflag:s19] =	ssyncset.done $0x0  }
0x2f: {  	s17 =	simm.s32 $0x4F00;
	[sflag:s19] =	ssyncadd.s32 $0xFFFFFCF0  }
0x30: {  	[spmem:s18] =	stream.linear.scatter [tilespmem:s17], [sflag:$0x5], $0x1880, $0x38;
	[tilespmem:$0x1C980] =	vst v63  }
0x31: {  	_ =	swait.ge [sflag:s19], $0x1880  }
0x32: {  	s12 =	rddreg [dreg:$0x17]  }
0x33: {  	s16 =	simm.s32 $0x10;
	s18 =	simm.s32 $0x80;
	s8 =	sor.u32 s12, s11  }
0x34: {  	[sflag:s19] =	ssyncset.done $0x0;
	s12 =	rddreg [dreg:$0x14];
	s8 =	sshrl.u32 s8, $0x3  }
0x35: {  	[sflag:s19] =	ssyncadd.s32 $0xFFFFE780;
	[dreg:$0x1e] =	wrdreg s8;
	s8 =	sadd.s32 s2, s8  }
0x36: {  	[spmem:s12@s16], [sflag:s31] =	dma.strided [hbm:s8@s18], $0x310, s30, $0x10   }
0x37: {  	_ =	swait.ge [sflag:s19], $0x310  }
0x38: {  	[sflag:s19] =	ssyncset.done $0x0  }
0x39: {  	[sflag:s19] =	ssyncadd.s32 $0xFFFFFCF0  }
0x3a: {  	[spmem:s15] =	stream.linear.scatter [tilespmem:s17], [sflag:$0x5], $0x1880, $0x38;
	[tilespmem:$0x1C980] =	vst v63  }
0x3b: {  	_ =	swait.ge [sflag:s19], $0x1880  }
0x3c: {  	s16 =	rddreg [dreg:$0x18]  }
0x3d: {  	s15 =	simm.s32 $0x80;
	[sflag:s19] =	ssyncset.done $0x0;
	s8 =	sor.u32 s16, s11  }
0x3e: {  	[sflag:s19] =	ssyncadd.s32 $0xFFFFE780;
	s16 =	rddreg [dreg:$0x15];
	s8 =	sshrl.u32 s8, $0x3  }
0x3f: {  	[smem:$0x7FD] =	sst s8;
	s18 =	sadd.s32 s2, s8;
	s8 =	simm.s32 $0x10  }
0x40: {  	[spmem:s16@s8], [sflag:s31] =	dma.strided [hbm:s18@s15], $0x310, s30, $0x10   }
0x41: {  	_ =	swait.ge [sflag:s19], $0x310  }
0x42: {  	[sflag:s19] =	ssyncset.done $0x0  }
0x43: {  	s18 =	rddreg [dreg:$0x10];
	[sflag:s19] =	ssyncadd.s32 $0xFFFFFCF0  }
0x44: {  	[spmem:s18] =	stream.linear.scatter [tilespmem:s17], [sflag:$0x5], $0x1880, $0x38;
	[tilespmem:$0x1C980] =	vst v63  }
0x45: {  	_ =	swait.ge [sflag:s19], $0x1880  }
0x46: {  	s15 =	rddreg [dreg:$0x19]  }
0x47: {  	[dreg:$0x1c] =	wrdreg s31;
	[sflag:s19] =	ssyncset.done $0x0;
	s11 =	sor.u32 s15, s11  }
0x48: {  	s18 =	rddreg [dreg:$0x16];
	[sflag:s19] =	ssyncadd.s32 $0xFFFFE780;
	s11 =	sshrl.u32 s11, $0x3  }
0x49: {  	[dreg:$0x1f] =	wrdreg s11;
	s16 =	sadd.s32 s2, s11;
	s11 =	simm.s32 $0x80  }
0x4a: {  	[spmem:s18@s8], [sflag:s31] =	dma.strided [hbm:s16@s11], $0x310, s30, $0x10   }
0x4b: {  	_ =	swait.ge [sflag:s19], $0x310  }
0x4c: {  	[sflag:s19] =	ssyncset.done $0x0  }
0x4d: {  	s15 =	rddreg [dreg:$0x11];
	[sflag:s19] =	ssyncadd.s32 $0xFFFFFCF0  }
0x4e: {  	[spmem:s15] =	stream.linear.scatter [tilespmem:s17], [sflag:$0x5], $0x1880, $0x38;
	[tilespmem:$0x1C980] =	vst v63  }
0x4f: {  	_ =	swait.ge [sflag:s19], $0x1880  }
0x50: {  	[sflag:s19] =	ssyncset.done $0x0  }
0x51: {  	[sflag:s19] =	ssyncadd.s32 $0xFFFFE780  }
0x52: {  	s18 =	sadd.s32 $0x0, s21;
	[bflag:$0x0] =	sbarrier.arrive $0xFFFF  }
0x53: {  	[tilespmem:s10], [sflag:$0x5] =	stream.linear.gather [hbm4b:s18+s10], $0x2710, $0x38;
	[tilespmem:$0x1C980] =	vst v63  }
0x54: {  	_ =	swait.ge [sflag:s19], $0x2710  }
0x55: {  	[sflag:s19] =	ssyncset.done $0x0  }
0x56: {  	s31 =	sadd.s32 $0x0, s20;
	[sflag:s19] =	ssyncadd.s32 $0xFFFFD8F0  }
0x57: {  	[tilespmem:s13], [sflag:$0x5] =	stream.linear.gather [hbm4b:s31+s10], $0x2710, $0x38;
	[tilespmem:$0x1C980] =	vst v63  }
0x58: {  	_ =	swait.ge [sflag:s19], $0x2710  }
0x59: {  	[sflag:s19] =	ssyncset.done $0x0  }
0x5a: {  	[sflag:s19] =	ssyncadd.s32 $0xFFFFD8F0  }
0x5b: {  	[tilespmem:s22], [sflag:$0x1] =	stream.indirect.gather [spmem:s0], $0x1, s10, s14, $0xb8;
	[tilespmem:$0x1C980] =	vst v63  }
0x5c: {  	_ = 	snop  }
0x5d: {  	[tilespmem:s23], [sflag:$0x2] =	stream.indirect.gather [spmem:s3], $0x1, s10, s14, $0xb8;
	[tilespmem:$0x1C980] =	vst v63  }
0x5e: {  	_ = 	snop  }
0x5f: {  	[tilespmem:s24], [sflag:$0x3] =	stream.indirect.gather [spmem:s5], $0x1, s10, s14, $0xb8;
	[tilespmem:$0x1C980] =	vst v63  }
0x60: {  	_ = 	snop  }
0x61: {  	[tilespmem:s25], [sflag:$0x4] =	stream.indirect.gather [spmem:s7], $0x1, s10, s14, $0xb8;
	[tilespmem:$0x1C980] =	vst v63  }
0x62: {  	_ =	swait.ge [sflag:s30], $0x2710  }
0x63: {  	[sflag:s30] =	ssyncset.done $0x0  }
0x64: {  	[sflag:s30] =	ssyncadd.s32 $0xFFFFD8F0  }
0x65: {  	[spmem:s1] =	stream.indirect.scatter.add.f32 [tilespmem:s22], [sflag:$0x5], $0x1, s13, s14, $0xb8;
	[tilespmem:$0x1C980] =	vst v63  }
0x66: {  	_ =	swait.ge [sflag:s19], $0x2710  }
0x67: {  	[sflag:s19] =	ssyncset.done $0x0  }
0x68: {  	[sflag:s19] =	ssyncadd.s32 $0xFFFFD8F0  }
0x69: {  	_ =	swait.ge [sflag:s26], $0x2710  }
0x6a: {  	[sflag:s26] =	ssyncset.done $0x0  }
0x6b: {  	[sflag:s26] =	ssyncadd.s32 $0xFFFFD8F0  }
0x6c: {  	[spmem:s4] =	stream.indirect.scatter.add.f32 [tilespmem:s23], [sflag:$0x5], $0x1, s13, s14, $0xb8;
	[tilespmem:$0x1C980] =	vst v63  }
0x6d: {  	_ =	swait.ge [sflag:s19], $0x2710  }
0x6e: {  	[sflag:s19] =	ssyncset.done $0x0  }
0x6f: {  	[sflag:s19] =	ssyncadd.s32 $0xFFFFD8F0  }
0x70: {  	_ =	swait.ge [sflag:s28], $0x2710  }
0x71: {  	[sflag:s28] =	ssyncset.done $0x0  }
0x72: {  	[sflag:s28] =	ssyncadd.s32 $0xFFFFD8F0  }
0x73: {  	[spmem:s6] =	stream.indirect.scatter.add.f32 [tilespmem:s24], [sflag:$0x5], $0x1, s13, s14, $0xb8;
	[tilespmem:$0x1C980] =	vst v63  }
0x74: {  	_ =	swait.ge [sflag:s19], $0x2710  }
0x75: {  	[sflag:s19] =	ssyncset.done $0x0  }
0x76: {  	[sflag:s19] =	ssyncadd.s32 $0xFFFFD8F0  }
0x77: {  	_ =	swait.ge [sflag:s29], $0x2710  }
0x78: {  	[sflag:s29] =	ssyncset.done $0x0  }
0x79: {  	[sflag:s29] =	ssyncadd.s32 $0xFFFFD8F0  }
0x7a: {  	[spmem:s9] =	stream.indirect.scatter.add.f32 [tilespmem:s25], [sflag:$0x5], $0x1, s13, s14, $0xb8;
	[tilespmem:$0x1C980] =	vst v63  }
0x7b: {  	s12 =	simm.s32 $0x4E2;
	_ =	swait.ge [sflag:s19], $0x2710  }
0x7c: {  	s16 =	simm.s32 $0x80;
	s17 =	simm.s32 $0x9C4;
	[sflag:s19] =	ssyncset.done $0x0  }
.LBB2_5:
0x7d: {  	s31 =	sadd.s32 s12, s21  }
0x7e: {  	[sflag:s19] =	ssyncadd.s32 $0xFFFFD8F0;
	s2 =	smov.u32 s17;
	s18 =	sadd.s32 $0x4E2, s17  }
0x7f: {  	[tilespmem:s10], [sflag:$0x5] =	stream.linear.gather [hbm4b:s31+s10], $0x2710, $0x38;
	[tilespmem:$0x1C980] =	vst v63  }
0x80: {  	p0 =	sne.s32 s17, $0x2BF2;
	_ =	swait.ge [sflag:s19], $0x2710  }
0x81: {  	[sflag:s19] =	ssyncset.done $0x0  }
0x82: {  	s17 =	sadd.s32 s12, s20;
	s12 =	smov.u32 s2;
	[sflag:s19] =	ssyncadd.s32 $0xFFFFD8F0  }
0x83: {  	[tilespmem:s13], [sflag:$0x5] =	stream.linear.gather [hbm4b:s17+s10], $0x2710, $0x38;
	[tilespmem:$0x1C980] =	vst v63  }
0x84: {  	_ =	swait.ge [sflag:s19], $0x2710  }
0x85: {  	[sflag:s19] =	ssyncset.done $0x0  }
0x86: {  	[sflag:s19] =	ssyncadd.s32 $0xFFFFD8F0  }
0x87: {  	[tilespmem:s22], [sflag:$0x1] =	stream.indirect.gather [spmem:s0], $0x1, s10, s14, $0xb8;
	[tilespmem:$0x1C980] =	vst v63  }
0x88: {  	_ = 	snop  }
0x89: {  	[tilespmem:s23], [sflag:$0x2] =	stream.indirect.gather [spmem:s3], $0x1, s10, s14, $0xb8;
	[tilespmem:$0x1C980] =	vst v63  }
0x8a: {  	_ = 	snop  }
0x8b: {  	[tilespmem:s24], [sflag:$0x3] =	stream.indirect.gather [spmem:s5], $0x1, s10, s14, $0xb8;
	[tilespmem:$0x1C980] =	vst v63  }
0x8c: {  	_ = 	snop  }
0x8d: {  	[tilespmem:s25], [sflag:$0x4] =	stream.indirect.gather [spmem:s7], $0x1, s10, s14, $0xb8;
	[tilespmem:$0x1C980] =	vst v63  }
0x8e: {  	_ =	swait.ge [sflag:s30], $0x2710  }
0x8f: {  	[sflag:s30] =	ssyncset.done $0x0  }
0x90: {  	[sflag:s30] =	ssyncadd.s32 $0xFFFFD8F0  }
0x91: {  	[spmem:s1] =	stream.indirect.scatter.add.f32 [tilespmem:s22], [sflag:$0x5], $0x1, s13, s14, $0xb8;
	[tilespmem:$0x1C980] =	vst v63  }
0x92: {  	_ =	swait.ge [sflag:s19], $0x2710  }
0x93: {  	[sflag:s19] =	ssyncset.done $0x0  }
0x94: {  	[sflag:s19] =	ssyncadd.s32 $0xFFFFD8F0  }
0x95: {  	_ =	swait.ge [sflag:s26], $0x2710  }
0x96: {  	[sflag:s26] =	ssyncset.done $0x0  }
0x97: {  	[sflag:s26] =	ssyncadd.s32 $0xFFFFD8F0  }
0x98: {  	[spmem:s4] =	stream.indirect.scatter.add.f32 [tilespmem:s23], [sflag:$0x5], $0x1, s13, s14, $0xb8;
	[tilespmem:$0x1C980] =	vst v63  }
0x99: {  	_ =	swait.ge [sflag:s19], $0x2710  }
0x9a: {  	[sflag:s19] =	ssyncset.done $0x0  }
0x9b: {  	[sflag:s19] =	ssyncadd.s32 $0xFFFFD8F0  }
0x9c: {  	_ =	swait.ge [sflag:s28], $0x2710  }
0x9d: {  	[sflag:s28] =	ssyncset.done $0x0  }
0x9e: {  	[sflag:s28] =	ssyncadd.s32 $0xFFFFD8F0  }
0x9f: {  	[spmem:s6] =	stream.indirect.scatter.add.f32 [tilespmem:s24], [sflag:$0x5], $0x1, s13, s14, $0xb8;
	[tilespmem:$0x1C980] =	vst v63  }
0xa0: {  	_ =	swait.ge [sflag:s19], $0x2710  }
0xa1: {  	[sflag:s19] =	ssyncset.done $0x0  }
0xa2: {  	[sflag:s19] =	ssyncadd.s32 $0xFFFFD8F0  }
0xa3: {  	_ =	swait.ge [sflag:s29], $0x2710  }
.Ltmp1:
0xa4: {  	[sflag:s29] =	ssyncset.done $0x0;
	(pc) =	sbr.rel @p0 .LBB2_5-.Ltmp1, $4  }
0xa5: {  	[sflag:s29] =	ssyncadd.s32 $0xFFFFD8F0  }
0xa6: {  	[spmem:s9] =	stream.indirect.scatter.add.f32 [tilespmem:s25], [sflag:$0x5], $0x1, s13, s14, $0xb8;
	[tilespmem:$0x1C980] =	vst v63  }
0xa7: {  	_ =	swait.ge [sflag:s19], $0x2710  }
0xa8: {  	s17 =	smov.u32 s18;
	[sflag:s19] =	ssyncset.done $0x0  }
0xa9: {  	s2 =	sadd.s32 s12, s21;
	[sflag:s19] =	ssyncadd.s32 $0xFFFFD8F0  }
0xaa: {  	[tilespmem:s10], [sflag:$0x5] =	stream.linear.gather [hbm4b:s2+s10], $0x2710, $0x38;
	[tilespmem:$0x1C980] =	vst v63  }
0xab: {  	_ =	swait.ge [sflag:s19], $0x2710  }
0xac: {  	[sflag:s19] =	ssyncset.done $0x0  }
0xad: {  	s31 =	sadd.s32 s12, s20;
	[sflag:s19] =	ssyncadd.s32 $0xFFFFD8F0  }
0xae: {  	[tilespmem:s13], [sflag:$0x5] =	stream.linear.gather [hbm4b:s31+s10], $0x2710, $0x38;
	[tilespmem:$0x1C980] =	vst v63  }
0xaf: {  	_ =	swait.ge [sflag:s19], $0x2710  }
0xb0: {  	[sflag:s19] =	ssyncset.done $0x0  }
0xb1: {  	[sflag:s19] =	ssyncadd.s32 $0xFFFFD8F0  }
0xb2: {  	[tilespmem:s22], [sflag:$0x1] =	stream.indirect.gather [spmem:s0], $0x1, s10, s14, $0xb8;
	[tilespmem:$0x1C980] =	vst v63  }
0xb3: {  	_ = 	snop  }
0xb4: {  	[tilespmem:s23], [sflag:$0x2] =	stream.indirect.gather [spmem:s3], $0x1, s10, s14, $0xb8;
	[tilespmem:$0x1C980] =	vst v63  }
0xb5: {  	_ = 	snop  }
0xb6: {  	[tilespmem:s24], [sflag:$0x3] =	stream.indirect.gather [spmem:s5], $0x1, s10, s14, $0xb8;
	[tilespmem:$0x1C980] =	vst v63  }
0xb7: {  	_ = 	snop  }
0xb8: {  	[tilespmem:s25], [sflag:$0x4] =	stream.indirect.gather [spmem:s7], $0x1, s10, s14, $0xb8;
	[tilespmem:$0x1C980] =	vst v63  }
0xb9: {  	_ =	swait.ge [sflag:s30], $0x2710  }
0xba: {  	[sflag:s30] =	ssyncset.done $0x0  }
0xbb: {  	[sflag:s30] =	ssyncadd.s32 $0xFFFFD8F0  }
0xbc: {  	[spmem:s1] =	stream.indirect.scatter.add.f32 [tilespmem:s22], [sflag:$0x5], $0x1, s13, s14, $0xb8;
	[tilespmem:$0x1C980] =	vst v63  }
0xbd: {  	_ =	swait.ge [sflag:s19], $0x2710  }
0xbe: {  	[sflag:s19] =	ssyncset.done $0x0  }
0xbf: {  	[sflag:s19] =	ssyncadd.s32 $0xFFFFD8F0  }
0xc0: {  	_ =	swait.ge [sflag:s26], $0x2710  }
0xc1: {  	[sflag:s26] =	ssyncset.done $0x0  }
0xc2: {  	[sflag:s26] =	ssyncadd.s32 $0xFFFFD8F0  }
0xc3: {  	[spmem:s4] =	stream.indirect.scatter.add.f32 [tilespmem:s23], [sflag:$0x5], $0x1, s13, s14, $0xb8;
	[tilespmem:$0x1C980] =	vst v63  }
0xc4: {  	_ =	swait.ge [sflag:s19], $0x2710  }
0xc5: {  	[sflag:s19] =	ssyncset.done $0x0  }
0xc6: {  	[sflag:s19] =	ssyncadd.s32 $0xFFFFD8F0  }
0xc7: {  	_ =	swait.ge [sflag:s28], $0x2710  }
0xc8: {  	[sflag:s28] =	ssyncset.done $0x0  }
0xc9: {  	[sflag:s28] =	ssyncadd.s32 $0xFFFFD8F0  }
0xca: {  	[spmem:s6] =	stream.indirect.scatter.add.f32 [tilespmem:s24], [sflag:$0x5], $0x1, s13, s14, $0xb8;
	[tilespmem:$0x1C980] =	vst v63  }
0xcb: {  	_ =	swait.ge [sflag:s19], $0x2710  }
0xcc: {  	[sflag:s19] =	ssyncset.done $0x0  }
0xcd: {  	[sflag:s19] =	ssyncadd.s32 $0xFFFFD8F0  }
0xce: {  	_ =	swait.ge [sflag:s29], $0x2710  }
0xcf: {  	[sflag:s29] =	ssyncset.done $0x0  }
0xd0: {  	[sflag:s29] =	ssyncadd.s32 $0xFFFFD8F0  }
0xd1: {  	[spmem:s9] =	stream.indirect.scatter.add.f32 [tilespmem:s25], [sflag:$0x5], $0x1, s13, s14, $0xb8;
	[tilespmem:$0x1C980] =	vst v63  }
0xd2: {  	_ =	swait.ge [sflag:s19], $0x2710  }
0xd3: {  	[sflag:s19] =	ssyncset.done $0x0  }
0xd4: {  	[sflag:s19] =	ssyncadd.s32 $0xFFFFD8F0  }
0xd5: {  	[bflag:$0x0] =	sbarrier.arrive $0xFFFF  }
0xd6: {  	s17 =	rddreg [dreg:$0xb]  }
0xd7: {  	s8 =	rddreg [dreg:$0x1d]  }
0xd8: {  	s15 =	simm.s32 $0x10;
	s18 =	rddreg [dreg:$0xe]  }
0xd9: {  	s31 =	rddreg [dreg:$0x1c];
	s2 =	sadd.s32 s17, s8;
	s11 =	sshrl.u32 s18, $0x3  }
0xda: {  	[hbm:s2@s16], [sflag:s31] =	dma.strided [spmem:s11@s15], $0x310, s30, $0x10   }
0xdb: {  	_ =	swait.ge [sflag:s19], $0x310  }
0xdc: {  	s16 =	rddreg [dreg:$0x1e]  }
0xdd: {  	[sflag:s19] =	ssyncset.done $0x0;
	s2 =	sadd.s32 s17, s16;
	s16 =	rddreg [dreg:$0xf]  }
0xde: {  	s11 =	simm.s32 $0x80;
	[sflag:s19] =	ssyncadd.s32 $0xFFFFFCF0;
	s8 =	sshrl.u32 s16, $0x3  }
0xdf: {  	[hbm:s2@s11], [sflag:s31] =	dma.strided [spmem:s8@s15], $0x310, s30, $0x10   }
0xe0: {  	_ =	swait.ge [sflag:s19], $0x310  }
0xe1: {  	s12 =	sld [smem:$0x7FD];
	_ =	sdelay $0x1  }
0xe2: {  	[sflag:s19] =	ssyncset.done $0x0;
	s8 =	rddreg [dreg:$0x10]  }
0xe3: {  	[sflag:s19] =	ssyncadd.s32 $0xFFFFFCF0;
	s8 =	sshrl.u32 s8, $0x3;
	s2 =	sadd.s32 s17, s12  }
0xe4: {  	[hbm:s2@s11], [sflag:s31] =	dma.strided [spmem:s8@s15], $0x310, s30, $0x10   }
0xe5: {  	_ =	swait.ge [sflag:s19], $0x310  }
0xe6: {  	s15 =	rddreg [dreg:$0x1f]  }
0xe7: {  	[sflag:s19] =	ssyncset.done $0x0;
	s2 =	sadd.s32 s17, s15;
	s15 =	rddreg [dreg:$0x11]  }
0xe8: {  	s8 =	simm.s32 $0x10;
	[sflag:s19] =	ssyncadd.s32 $0xFFFFFCF0;
	s17 =	sshrl.u32 s15, $0x3  }
0xe9: {  	[hbm:s2@s11], [sflag:s31] =	dma.strided [spmem:s17@s8], $0x310, s30, $0x10   }
0xea: {  	_ =	swait.ge [sflag:s19], $0x310  }
0xeb: {  	s31 =	rddreg [dreg:$0x1b]  }
0xec: {  	s2 =	sadd.s32 $0x1, s31  }
0xed: {  	p0 =	sne.s32 s2, $0x80  }
.Ltmp2:
0xee: {  	_ = 	snop;
	(pc) =	sbr.rel @p0 .LBB2_4-.Ltmp2, $3  }
0xef: {  	[sflag:s19] =	ssyncset.done $0x0  }
0xf0: {  	[sflag:s19] =	ssyncadd.s32 $0xFFFFFCF0  }
0xf1: {  	[bflag:$0x0] =	sbarrier.arrive $0xFFFF;
	_ =	sdelay $0x1  }
0xf2: {  	s8 =	rddreg [dreg:$0x1a]  }
0xf3: {  	s2 =	rddreg [dreg:$0x12];
	s8 =	sadd.s32 $0x1, s8  }
0xf4: {  	p0 =	sne.s32 s8, s2  }
.Ltmp3:
0xf5: {  	_ = 	snop;
	(pc) =	sbr.rel @p0 .LBB2_1-.Ltmp3, $1  }
0xf6: {  	_ =	sdelay $0x3  }
0xf7: {  	_ =	sfence.sel $0x180000  }
0xf8: {  	[bflag:$0x0] =	sbarrier.arrive $0xFFFF  }
0xf9: {  	_ =	strace $0x9000004D  }
0xfa: {  	s0 =	stileid.u32;
	[bflag:$0x2] =	sbarrier.arrive $0xFFFF  }
0xfb: {  	p0 =	sne.s32 s0, $0x0;
	s0 =	rddreg [dreg:$0x9]  }
0xfc: {  	s0 =	sadd.s32 @!p0 $0x100000, s0  }
0xfd: {  	[sflag:s0] =	ssyncadd.tile.s32 @!p0 $0x1;
	_ =	shalt  }
.Lfunc_end2:
_tile_overlayer_lowered:
.L_overlay_start_2:
0xfe: {  	(tag) =	ssettag $0x2  }
0xff: {  	s0 =	rddreg [dreg:$0x0];
	s2 =	stileid.u32  }
0x100: {  	s1 =	rddreg [dreg:$0x1];
	p0 =	sne.s32 s2, $0x0  }
0x101: {  	s3 =	rddreg [dreg:$0x2];
	[bflag:$0x3] =	sbarrier.arrive $0xFFFF;
	s2 =	simm.s32 @!p0 $0x1C05  }
0x102: {  	[timem:s3], [sflag:s2] =	dma.local @!p0 [hbm:s0], s1  }
0x103: {  	s0 =	simm.s32 @!p0 $0x5  }
0x104: {  	_ =	swait.ge @!p0 [sflag:s0], s1  }
0x105: {  	s1 =	ssub.s32 @!p0 $0x0, s1;
	[sflag:s0] =	ssyncset.done @!p0 $0x0  }
0x106: {  	[sflag:s0] =	ssyncadd.s32 @!p0 s1  }
0x107: {  	[bflag:$0x3] =	sbarrier.arrive $0xFFFF  }
0x108: {  	_ =	shalt  }

// kernel: kernel.18.cloned.1.call-start
scs
__scs_entry_jumppad:
0x0: {  	(pc) =	sbr.rel $0x88, $3  }
0x1: {  	(tag) =	ssettag $0x0;
	lr =	simm.s32 $0x1  }
0x2: {  	[smem:$0x3F94] =	sst lr;
	_ =	strace $0xD0000000  }
0x3: {  	_ = 	snop  }
0x4: {  	_ = 	snop  }
0x5: {  	_ = 	snop  }
0x6: {  	_ = 	snop  }
0x7: {  	_ = 	snop  }
__scs_overlays_trampoline_lowered:
0x8: {  	[smem:$0x3FA3] =	sst s0  }
0x9: {  	[smem:$0x3FA4] =	sst s1  }
0xa: {  	[smem:$0x3FA5] =	sst s2  }
0xb: {  	[smem:$0x3FA6] =	sst s3  }
0xc: {  	[smem:$0x3FA7] =	sst s4  }
0xd: {  	[smem:$0x3FA8] =	sst s5  }
0xe: {  	[smem:$0x3FA9] =	sst s6  }
0xf: {  	[smem:$0x3FAA] =	sst s7  }
0x10: {  	[smem:$0x3FAB] =	sst s8  }
0x11: {  	[smem:$0x3FAC] =	sst s9;
	s0 =	simm.s32 @!p0 $0x0  }
0x12: {  	s1 =	sld [smem:$0x3F92];
	s0 =	simm.s32 @p0 $0x1  }
0x13: {  	[smem:$0x3FAD] =	sst s0;
	s0 =	simm.s32 @!p1 $0x0  }
0x14: {  	s2 =	sld [smem:$0x3F91];
	s0 =	simm.s32 @p1 $0x1  }
0x15: {  	[smem:$0x3FAE] =	sst s0;
	s0 =	simm.s32 @!p2 $0x0  }
0x16: {  	s3 =	sld [smem:$0x3FDB];
	s0 =	simm.s32 @p2 $0x1  }
0x17: {  	s4 =	simm.s32 $0x1BF5;
	[smem:$0x3FB0] =	sst s0  }
0x18: {  	s0 =	sld [smem:$0x3F93];
	_ =	swait.ge [sflag:s4], $0x0  }
0x19: {  	s7 =	sld [smem:$0x3F94]  }
0x1a: {  	s8 =	sadd.s32 $0xFFFFE003, lr  }
0x1b: {  	s9 =	sadd.s32 $0xFFFFFEF7, lr;
	s5 =	simm.s32 $0xFFFFFFFF;
	p2 =	slt.u32 s8, $0xFFFFF086  }
0x1c: {  	p1 =	slt.u32 s9, $0xF7A;
	s5 =	simm.s32 @!p2 $0x0  }
0x1d: {  	s5 =	simm.s32 @p1 $0x1;
	p0 =	seq.s32 s7, s2  }
0x1e: {  	s7 =	smul.u32 @!p0 $0xF7A, s2;
	p2 =	seq.s32 @!p0 s5, $0x0  }
0x1f: {  	s9 =	smul.u32 $0xF7A, s1;
	s8 =	simm.s32 @!p0 $0x1BF5;
	p2 =	por !p2, p0  }
0x20: {  	[sflag:s8] =	ssyncset.s32 @!p0 $0xFFFFF086;
	s6 =	sadd.s32 @!p0 s3, s7;
	s7 =	simm.s32 @!p0 $0x108  }
0x21: {  	s3 =	sadd.s32 s3, s9;
	s6 =	sadd.s32 @!p0 $0x88, s6;
	s7 =	simm.s32 @p2 $0x1082  }
0x22: {  	[simem:s7], [sflag:s8] =	dma.local @!p0 [hbm:s6], $0xF7A  }
0x23: {  	s9 =	sor.u32 $0xD0000000, s2;
	s6 =	simm.s32 $0x108;
	_ =	swait.ge @!p0 [sflag:s8], $0x0  }
0x24: {  	s3 =	sadd.s32 $0x88, s3;
	s6 =	simm.s32 @!p1 $0x1082;
	[sflag:s4] =	ssyncset.s32 $0xFFFFF086  }
0x25: {  	[simem:s6], [sflag:s4] =	dma.local [hbm:s3], $0xF7A  }
0x26: {  	[smem:$0x3F94] =	sst s1;
	(tag) =	ssettag s2;
	_ =	strace s9  }
0x27: {  	s1 =	sld [smem:$0x3FA4]  }
0x28: {  	s2 =	sld [smem:$0x3FA5]  }
0x29: {  	s4 =	sld [smem:$0x3FA7]  }
0x2a: {  	p0 =	seq.s32 s5, $0x0;
	s5 =	sld [smem:$0x3FA8]  }
0x2b: {  	s6 =	sld [smem:$0x3FA9]  }
0x2c: {  	s7 =	sld [smem:$0x3FAA]  }
0x2d: {  	s3 =	simm.s32 $0x108;
	s8 =	sld [smem:$0x3FAB]  }
0x2e: {  	s3 =	simm.s32 @!p0 $0x1082;
	s9 =	sld [smem:$0x3FAC]  }
0x2f: {  	lr =	sadd.s32 s0, s3;
	s0 =	sld [smem:$0x3FA3]  }
0x30: {  	s3 =	sld [smem:$0x3FA6]  }
0x31: {  	[smem:$0x3FAF] =	sst s10  }
0x32: {  	s10 =	sld [smem:$0x3FAD];
	_ =	sdelay $0x3  }
0x33: {  	p0 =	seq.s32 s10, $0x1;
	s10 =	sld [smem:$0x3FAF];
	_ =	sdelay $0x3  }
0x34: {  	[smem:$0x3FAF] =	sst s10  }
0x35: {  	s10 =	sld [smem:$0x3FAE];
	_ =	sdelay $0x3  }
0x36: {  	p1 =	seq.s32 s10, $0x1;
	s10 =	sld [smem:$0x3FAF];
	_ =	sdelay $0x3  }
0x37: {  	[smem:$0x3FAF] =	sst s10  }
0x38: {  	s10 =	sld [smem:$0x3FB0]  }
0x39: {  	_ = 	snop;
	(pc) =	sbr.ind lr, $3  }
0x3a: {  	_ = 	snop  }
0x3b: {  	_ = 	snop  }
0x3c: {  	p2 =	seq.s32 s10, $0x1;
	s10 =	sld [smem:$0x3FAF]  }
0x3d: {  	_ =	shalt  }
0x3e: {  	_ =	shalt  }
0x3f: {  	_ =	shalt  }
0x40: {  	_ =	shalt  }
0x41: {  	_ =	shalt  }
0x42: {  	_ =	shalt  }
0x43: {  	_ =	shalt  }
0x44: {  	_ =	shalt  }
0x45: {  	_ =	shalt  }
0x46: {  	_ =	shalt  }
0x47: {  	_ =	shalt  }
0x48: {  	_ =	shalt  }
0x49: {  	_ =	shalt  }
0x4a: {  	_ =	shalt  }
0x4b: {  	_ =	shalt  }
0x4c: {  	_ =	shalt  }
0x4d: {  	_ =	shalt  }
0x4e: {  	_ =	shalt  }
0x4f: {  	_ =	shalt  }
0x50: {  	_ =	shalt  }
0x51: {  	_ =	shalt  }
0x52: {  	_ =	shalt  }
0x53: {  	_ =	shalt  }
0x54: {  	_ =	shalt  }
0x55: {  	_ =	shalt  }
0x56: {  	_ =	shalt  }
0x57: {  	_ =	shalt  }
0x58: {  	_ =	shalt  }
0x59: {  	_ =	shalt  }
0x5a: {  	_ =	shalt  }
0x5b: {  	_ =	shalt  }
0x5c: {  	_ =	shalt  }
0x5d: {  	_ =	shalt  }
0x5e: {  	_ =	shalt  }
0x5f: {  	_ =	shalt  }
0x60: {  	_ =	shalt  }
0x61: {  	_ =	shalt  }
0x62: {  	_ =	shalt  }
0x63: {  	_ =	shalt  }
0x64: {  	_ =	shalt  }
0x65: {  	_ =	shalt  }
0x66: {  	_ =	shalt  }
0x67: {  	_ =	shalt  }
0x68: {  	_ =	shalt  }
0x69: {  	_ =	shalt  }
0x6a: {  	_ =	shalt  }
0x6b: {  	_ =	shalt  }
0x6c: {  	_ =	shalt  }
0x6d: {  	_ =	shalt  }
0x6e: {  	_ =	shalt  }
0x6f: {  	_ =	shalt  }
0x70: {  	_ =	shalt  }
0x71: {  	_ =	shalt  }
0x72: {  	_ =	shalt  }
0x73: {  	_ =	shalt  }
0x74: {  	_ =	shalt  }
0x75: {  	_ =	shalt  }
0x76: {  	_ =	shalt  }
0x77: {  	_ =	shalt  }
0x78: {  	_ =	shalt  }
0x79: {  	_ =	shalt  }
0x7a: {  	_ =	shalt  }
0x7b: {  	_ =	shalt  }
0x7c: {  	_ =	shalt  }
0x7d: {  	_ =	shalt  }
0x7e: {  	_ =	shalt  }
0x7f: {  	_ =	shalt  }
0x80: {  	_ =	shalt  }
0x81: {  	_ =	shalt  }
0x82: {  	_ =	shalt  }
0x83: {  	_ =	shalt  }
0x84: {  	_ =	shalt  }
0x85: {  	_ =	shalt  }
0x86: {  	_ =	shalt  }
0x87: {  	_ =	shalt  }
.Lfunc_end0:
.L_simem_size_0:
called_computation.3_lowered:
.L_overlay_start_0:
0x88: {  	s2 =	sld [smem:$0x3FD9]  }
0x89: {  	s3 =	sld [smem:$0x3FFE];
	_ =	sdelay $0x1  }
0x8a: {  	s1 =	srdreg.scid  }
0x8b: {  	s0 =	sand.u32 $0x1, s1  }
0x8c: {  	s16 =	sshll.u32 s0, $0xA;
	s2 =	sadd.s32 s3, s2  }
0x8d: {  	s2 =	sadd.s32 s2, s16  }
0x8e: {  	[smem:$0x3FBB] =	sst s2  }
0x8f: {  	_ = 	snop  }
0x90: {  	(tm) =	ssettm $0x1  }
0x91: {  	s17 =	sld [smem:$0x3FFB];
	_ =	sdelay $0x3  }
0x92: {  	_ =	strace s17  }
0x93: {  	s2 =	sld [smem:$0x3FFC];
	_ =	sdelay $0x3  }
0x94: {  	_ =	strace s2  }
0x95: {  	s2 =	sld [smem:$0x3FFD];
	_ =	sdelay $0x3  }
0x96: {  	_ =	strace s2  }
0x97: {  	_ =	strace $0x8FFFFFFF  }
0x98: {  	s18 =	sld [smem:$0x3FDB];
	_ =	sdelay $0x1  }
0x99: {  	s19 =	simm.s32 $_scs_section_size  }
0x9a: {  	s4 =	simm.s32 $_size__tile_overlayer_lowered;
	s5 =	simm.s32 $_tile_overlayer_lowered  }
0x9b: {  	s22 =	simm.s32 $0x1BFF;
	s21 =	sshll.u32 s5, $0x1;
	s2 =	sadd.s32 s19, s18  }
0x9c: {  	s6 =	simm.s32 $0x0;
	s20 =	sshll.u32 s4, $0x1;
	s4 =	sadd.s32 s21, s2  }
0x9d: {  	[timem:s6], [sflag:s22] =	dma.local [hbm:s4], s20  }
0x9e: {  	_ =	swait.ge [sflag:s22], s20  }
0x9f: {  	s3 =	ssub.s32 $0x0, s20;
	[sflag:s22] =	ssyncset.done $0x0  }
0xa0: {  	[sflag:s22] =	ssyncadd.s32 s3;
	_ =	sdelay $0x1  }
0xa1: {  	s23 =	simm.s32 $0x1B8B  }
0xa2: {  	_ =	swait.ge [sflag:s23], $0x1  }
0xa3: {  	[sflag:s23] =	ssyncset.done $0x0  }
0xa4: {  	s25 =	simm.s32 $0x1B8E;
	s24 =	sld [smem:$0x3FFE];
	[sflag:s23] =	ssyncadd.s32 $0xFFFFFFFF  }
0xa5: {  	s26 =	simm.s32 $execute0_lowered;
	[smem:$0x3FD2] =	sst s25  }
0xa6: {  	s4 =	sshll.u32 s26, $0x1;
	_ =	strace $0x8000004F;
	[dreg:$0x1] =	wrdreg $0xFFFFFFFF  }
0xa7: {  	s28 =	simm.s32 $_size_execute0_lowered;
	s2 =	sadd.s32 s2, s4;
	[dreg:$0x0] =	wrdreg $0x0  }
0xa8: {  	s4 =	sshll.u32 s28, $0x1;
	[dreg:$0x2] =	wrdreg s2  }
0xa9: {  	[dreg:$0x3] =	wrdreg s4  }
0xaa: {  	[dreg:$0x4] =	wrdreg $0xC0  }
0xab: {  	_ =	task [dreg:s6], $0x5FFFF  }
0xac: {  	[dreg:$0x1] =	wrdreg $0xFFFFFFFF  }
0xad: {  	[dreg:$0x0] =	wrdreg $0x60  }
0xae: {  	[dreg:$0x2] =	wrdreg s24  }
0xaf: {  	[dreg:$0x3] =	wrdreg $0x105800  }
0xb0: {  	[dreg:$0x4] =	wrdreg $0x167800  }
0xb1: {  	[dreg:$0x5] =	wrdreg $0x11E000  }
0xb2: {  	[dreg:$0x6] =	wrdreg $0x180000  }
0xb3: {  	[dreg:$0x7] =	wrdreg $0x136800  }
0xb4: {  	[dreg:$0x8] =	wrdreg $0x198800  }
0xb5: {  	[dreg:$0x9] =	wrdreg $0x14F000  }
0xb6: {  	[dreg:$0xa] =	wrdreg $0x1B1000  }
0xb7: {  	[dreg:$0xb] =	wrdreg $0x9  }
0xb8: {  	_ =	task.clear_ibuf [dreg:s6], $0xCFFFF;
	_ =	strace $0x9000004F  }
0xb9: {  	s29 =	simm.s32 $0x9;
	_ =	strace $0x80000051  }
0xba: {  	_ =	swait.ge [sflag:s29], $0x1  }
0xbb: {  	[sflag:s29] =	ssyncadd.s32 $0xFFFFFFFF  }
0xbc: {  	_ =	strace $0x90000051  }
0xbd: {  	_ =	sfence  }
0xbe: {  	s30 =	sld [smem:$0x0];
	_ =	sdelay $0x2  }
0xbf: {  	s31 =	sshll.u32 s1, $0xD;
	s1 =	sshrl.u32 s1, $0x2  }
0xc0: {  	s3 =	sand.u32 $0x4000, s31;
	s1 =	sadd.s32 s1, s30  }
0xc1: {  	s0 =	sor.u32 s3, s0;
	s1 =	sshll.u32 s1, $0x11  }
0xc2: {  	s0 =	sor.u32 s1, s0  }
0xc3: {  	s0 =	sadd.s32 $0x8F2B, s0  }
0xc4: {  	[sflag:s0] =	ssyncadd.remote.s32 $0x1  }
0xc5: {  	_ =	sfence.sel $0xFFFF  }
0xc6: {  	[dreg:$0x0] =	wrdreg $0xFFFFFFFF;
	(pc) =	sbr.abs _section_cstart, $3  }
0xc7: {  	[dreg:$0x1] =	wrdreg $0xFFFFFFFF  }
0xc8: {  	_ =	task.clear_ibuf [dreg:s6], $0x2FFFF;
	_ =	strace $0x9FFFFFFF  }
0xc9: {  	(tm) =	ssettm $0x7FFFFFFF  }
tec
execute0_lowered:
.L_overlay_start_1:
0x0: {  	(tag) =	ssettag $0x1  }
0x1: {  	s2 =	rddreg [dreg:$0x0]  }
0x2: {  	s0 =	rddreg [dreg:$0x1]  }
0x3: {  	s1 =	rddreg [dreg:$0x2]  }
0x4: {  	s3 =	rddreg [dreg:$0x3]  }
0x5: {  	s4 =	rddreg [dreg:$0x4]  }
0x6: {  	s5 =	rddreg [dreg:$0x5]  }
0x7: {  	s6 =	rddreg [dreg:$0x6]  }
0x8: {  	s7 =	rddreg [dreg:$0x7]  }
0x9: {  	s9 =	rddreg [dreg:$0x8];
	s14 =	stileid.u32  }
0xa: {  	s10 =	simm.s32 $0x0;
	s11 =	srdreg.scid;
	s8 =	smul.u32 $0x30D4, s14  }
0xb: {  	[smem:$0x7FF] =	sst s10;
	s12 =	sadd.s32 $0x1A0D400, s2;
	s13 =	smul.u32 $0x1880, s14  }
0xc: {  	s11 =	sand.u32 $0x1, s11;
	s23 =	smul.u32 $0xC400, s14;
	_ =	strace $0x80000050  }
0xd: {  	[dreg:$0xa] =	wrdreg s12;
	s17 =	sshll.u32 s11, $0x9;
	s8 =	sadd.s32 s8, s2  }
0xe: {  	s2 =	sadd.s32 $0x18D400, s2;
	[dreg:$0xc] =	wrdreg s23;
	s24 =	sadd.s32 s13, s0  }
0xf: {  	s18 =	sadd.s32 s13, s1;
	s25 =	sadd.s32 s13, s3;
	s16 =	sadd.s32 s13, s4  }
0x10: {  	s26 =	sadd.s32 s13, s5;
	s31 =	sadd.s32 s13, s6;
	[dreg:$0xd] =	wrdreg s17  }
0x11: {  	s15 =	sadd.s32 s13, s7;
	s13 =	sadd.s32 s13, s9;
	[dreg:$0xb] =	wrdreg s2  }
0x12: {  	[dreg:$0x11] =	wrdreg s13  }
0x13: {  	s30 =	simm.s32 $0x1;
	s28 =	simm.s32 $0x3;
	[dreg:$0xe] =	wrdreg s18  }
0x14: {  	s29 =	simm.s32 $0x4;
	s14 =	simm.s32 $0x2710;
	[dreg:$0xf] =	wrdreg s16  }
0x15: {  	s21 =	ssub.s32 $0x2, s11;
	s13 =	sshrl.u32 s24, $0x3;
	[dreg:$0x10] =	wrdreg s31  }
0x16: {  	s22 =	sshrl.u32 s21, $0x1;
	s19 =	sshrl.u32 s25, $0x3;
	[dreg:$0x13] =	wrdreg s13  }
0x17: {  	s2 =	ssub.s32 s21, s22;
	s22 =	sshrl.u32 s26, $0x3;
	[dreg:$0x14] =	wrdreg s19  }
0x18: {  	s20 =	sadd.s32 $0x2600, s8;
	s23 =	sshrl.u32 s15, $0x3;
	[dreg:$0x15] =	wrdreg s22  }
0x19: {  	s21 =	sadd.s32 $0x33400, s8;
	s24 =	sor.u32 $0x80, s17;
	[dreg:$0x16] =	wrdreg s23  }
0x1a: {  	s25 =	sor.u32 $0x100, s17;
	s26 =	sor.u32 $0x180, s17;
	[dreg:$0x17] =	wrdreg s24  }
0x1b: {  	s8 =	simm.s32 $0x0;
	s2 =	smax.u32 s2, $0x1;
	[dreg:$0x18] =	wrdreg s25  }
0x1c: {  	[dreg:$0x19] =	wrdreg s26;
	s19 =	simm.s32 $0x5;
	s13 =	simm.s32 $0x2780  }
0x1d: {  	s22 =	simm.s32 $0x6780;
	s23 =	simm.s32 $0x8F00;
	s24 =	simm.s32 $0xB680  }
0x1e: {  	v0 =	vimm.f32 $0.0e+00;
	s25 =	simm.s32 $0xDE00;
	s26 =	simm.s32 $0x2;
	[dreg:$0x12] =	wrdreg s2  }
.LBB2_1:
0x1f: {  	[dreg:$0x1a] =	wrdreg s8;
	s8 =	simm.s32 $0x40;
	s11 =	simm.s32 $0x0  }
.LBB2_2:
0x20: {  	p0 =	sne.s32 s8, $0x61C0;
	[tilespmem:s11+$0x4F00] =	vst v0;
	s11 =	smov.u32 s8;
	s8 =	sadd.s32 $0x40, s8  }
.Ltmp0:
0x21: {  	(pc) =	sbr.rel @p0 .LBB2_2-.Ltmp0, $2  }
0x22: {  	_ =	sdelay $0x2  }
0x23: {  	s11 =	sshra.s32 s11, $0x2  }
0x24: {  	[tilespmem:s11+$0x4F00] =	vst v0;
	s2 =	simm.s32 $0x0  }
.LBB2_4:
0x25: {  	[dreg:$0x1b] =	wrdreg s2  }
0x26: {  	s8 =	smul.u32 $0xC4000, s2;
	s12 =	rddreg [dreg:$0xc]  }
0x27: {  	s15 =	rddreg [dreg:$0xd];
	s17 =	stileid.u32  }
0x28: {  	s2 =	rddreg [dreg:$0xa];
	s31 =	sshll.u32 s17, $0x6;
	s11 =	sadd.s32 s12, s8  }
0x29: {  	s17 =	simm.s32 $0x80;
	s31 =	sor.u32 $0x1C05, s31;
	s8 =	sor.u32 s15, s11  }
0x2a: {  	s15 =	smov.u32 s16;
	s12 =	sshrl.u32 s8, $0x3;
	s8 =	rddreg [dreg:$0x13]  }
0x2b: {  	s16 =	simm.s32 $0x10;
	[dreg:$0x1d] =	wrdreg s12;
	s12 =	sadd.s32 s2, s12  }
0x2c: {  	[spmem:s8@s16], [sflag:s31] =	dma.strided [hbm:s12@s17], $0x310, s30, $0x10   }
0x2d: {  	_ =	swait.ge [sflag:s19], $0x310  }
0x2e: {  	[sflag:s19] =	ssyncset.done $0x0  }
0x2f: {  	s17 =	simm.s32 $0x4F00;
	[sflag:s19] =	ssyncadd.s32 $0xFFFFFCF0  }
0x30: {  	[spmem:s18] =	stream.linear.scatter [tilespmem:s17], [sflag:$0x5], $0x1880, $0x38;
	[tilespmem:$0x1C980] =	vst v63  }
0x31: {  	_ =	swait.ge [sflag:s19], $0x1880  }
0x32: {  	s12 =	rddreg [dreg:$0x17]  }
0x33: {  	s16 =	simm.s32 $0x10;
	s18 =	simm.s32 $0x80;
	s8 =	sor.u32 s12, s11  }
0x34: {  	[sflag:s19] =	ssyncset.done $0x0;
	s12 =	rddreg [dreg:$0x14];
	s8 =	sshrl.u32 s8, $0x3  }
0x35: {  	[sflag:s19] =	ssyncadd.s32 $0xFFFFE780;
	[dreg:$0x1e] =	wrdreg s8;
	s8 =	sadd.s32 s2, s8  }
0x36: {  	[spmem:s12@s16], [sflag:s31] =	dma.strided [hbm:s8@s18], $0x310, s30, $0x10   }
0x37: {  	_ =	swait.ge [sflag:s19], $0x310  }
0x38: {  	[sflag:s19] =	ssyncset.done $0x0  }
0x39: {  	[sflag:s19] =	ssyncadd.s32 $0xFFFFFCF0  }
0x3a: {  	[spmem:s15] =	stream.linear.scatter [tilespmem:s17], [sflag:$0x5], $0x1880, $0x38;
	[tilespmem:$0x1C980] =	vst v63  }
0x3b: {  	_ =	swait.ge [sflag:s19], $0x1880  }
0x3c: {  	s16 =	rddreg [dreg:$0x18]  }
0x3d: {  	s15 =	simm.s32 $0x80;
	[sflag:s19] =	ssyncset.done $0x0;
	s8 =	sor.u32 s16, s11  }
0x3e: {  	[sflag:s19] =	ssyncadd.s32 $0xFFFFE780;
	s16 =	rddreg [dreg:$0x15];
	s8 =	sshrl.u32 s8, $0x3  }
0x3f: {  	[smem:$0x7FD] =	sst s8;
	s18 =	sadd.s32 s2, s8;
	s8 =	simm.s32 $0x10  }
0x40: {  	[spmem:s16@s8], [sflag:s31] =	dma.strided [hbm:s18@s15], $0x310, s30, $0x10   }
0x41: {  	_ =	swait.ge [sflag:s19], $0x310  }
0x42: {  	[sflag:s19] =	ssyncset.done $0x0  }
0x43: {  	s18 =	rddreg [dreg:$0x10];
	[sflag:s19] =	ssyncadd.s32 $0xFFFFFCF0  }
0x44: {  	[spmem:s18] =	stream.linear.scatter [tilespmem:s17], [sflag:$0x5], $0x1880, $0x38;
	[tilespmem:$0x1C980] =	vst v63  }
0x45: {  	_ =	swait.ge [sflag:s19], $0x1880  }
0x46: {  	s15 =	rddreg [dreg:$0x19]  }
0x47: {  	[dreg:$0x1c] =	wrdreg s31;
	[sflag:s19] =	ssyncset.done $0x0;
	s11 =	sor.u32 s15, s11  }
0x48: {  	s18 =	rddreg [dreg:$0x16];
	[sflag:s19] =	ssyncadd.s32 $0xFFFFE780;
	s11 =	sshrl.u32 s11, $0x3  }
0x49: {  	[dreg:$0x1f] =	wrdreg s11;
	s16 =	sadd.s32 s2, s11;
	s11 =	simm.s32 $0x80  }
0x4a: {  	[spmem:s18@s8], [sflag:s31] =	dma.strided [hbm:s16@s11], $0x310, s30, $0x10   }
0x4b: {  	_ =	swait.ge [sflag:s19], $0x310  }
0x4c: {  	[sflag:s19] =	ssyncset.done $0x0  }
0x4d: {  	s15 =	rddreg [dreg:$0x11];
	[sflag:s19] =	ssyncadd.s32 $0xFFFFFCF0  }
0x4e: {  	[spmem:s15] =	stream.linear.scatter [tilespmem:s17], [sflag:$0x5], $0x1880, $0x38;
	[tilespmem:$0x1C980] =	vst v63  }
0x4f: {  	_ =	swait.ge [sflag:s19], $0x1880  }
0x50: {  	[sflag:s19] =	ssyncset.done $0x0  }
0x51: {  	[sflag:s19] =	ssyncadd.s32 $0xFFFFE780  }
0x52: {  	s18 =	sadd.s32 $0x0, s21;
	[bflag:$0x0] =	sbarrier.arrive $0xFFFF  }
0x53: {  	[tilespmem:s10], [sflag:$0x5] =	stream.linear.gather [hbm4b:s18+s10], $0x2710, $0x38;
	[tilespmem:$0x1C980] =	vst v63  }
0x54: {  	_ =	swait.ge [sflag:s19], $0x2710  }
0x55: {  	[sflag:s19] =	ssyncset.done $0x0  }
0x56: {  	s31 =	sadd.s32 $0x0, s20;
	[sflag:s19] =	ssyncadd.s32 $0xFFFFD8F0  }
0x57: {  	[tilespmem:s13], [sflag:$0x5] =	stream.linear.gather [hbm4b:s31+s10], $0x2710, $0x38;
	[tilespmem:$0x1C980] =	vst v63  }
0x58: {  	_ =	swait.ge [sflag:s19], $0x2710  }
0x59: {  	[sflag:s19] =	ssyncset.done $0x0  }
0x5a: {  	[sflag:s19] =	ssyncadd.s32 $0xFFFFD8F0  }
0x5b: {  	[tilespmem:s22], [sflag:$0x1] =	stream.indirect.gather [spmem:s0], $0x1, s10, s14, $0xb8;
	[tilespmem:$0x1C980] =	vst v63  }
0x5c: {  	_ = 	snop  }
0x5d: {  	[tilespmem:s23], [sflag:$0x2] =	stream.indirect.gather [spmem:s3], $0x1, s10, s14, $0xb8;
	[tilespmem:$0x1C980] =	vst v63  }
0x5e: {  	_ = 	snop  }
0x5f: {  	[tilespmem:s24], [sflag:$0x3] =	stream.indirect.gather [spmem:s5], $0x1, s10, s14, $0xb8;
	[tilespmem:$0x1C980] =	vst v63  }
0x60: {  	_ = 	snop  }
0x61: {  	[tilespmem:s25], [sflag:$0x4] =	stream.indirect.gather [spmem:s7], $0x1, s10, s14, $0xb8;
	[tilespmem:$0x1C980] =	vst v63  }
0x62: {  	_ =	swait.ge [sflag:s30], $0x2710  }
0x63: {  	[sflag:s30] =	ssyncset.done $0x0  }
0x64: {  	[sflag:s30] =	ssyncadd.s32 $0xFFFFD8F0  }
0x65: {  	[spmem:s1] =	stream.indirect.scatter.add.f32 [tilespmem:s22], [sflag:$0x5], $0x1, s13, s14, $0xb8;
	[tilespmem:$0x1C980] =	vst v63  }
0x66: {  	_ =	swait.ge [sflag:s19], $0x2710  }
0x67: {  	[sflag:s19] =	ssyncset.done $0x0  }
0x68: {  	[sflag:s19] =	ssyncadd.s32 $0xFFFFD8F0  }
0x69: {  	_ =	swait.ge [sflag:s26], $0x2710  }
0x6a: {  	[sflag:s26] =	ssyncset.done $0x0  }
0x6b: {  	[sflag:s26] =	ssyncadd.s32 $0xFFFFD8F0  }
0x6c: {  	[spmem:s4] =	stream.indirect.scatter.add.f32 [tilespmem:s23], [sflag:$0x5], $0x1, s13, s14, $0xb8;
	[tilespmem:$0x1C980] =	vst v63  }
0x6d: {  	_ =	swait.ge [sflag:s19], $0x2710  }
0x6e: {  	[sflag:s19] =	ssyncset.done $0x0  }
0x6f: {  	[sflag:s19] =	ssyncadd.s32 $0xFFFFD8F0  }
0x70: {  	_ =	swait.ge [sflag:s28], $0x2710  }
0x71: {  	[sflag:s28] =	ssyncset.done $0x0  }
0x72: {  	[sflag:s28] =	ssyncadd.s32 $0xFFFFD8F0  }
0x73: {  	[spmem:s6] =	stream.indirect.scatter.add.f32 [tilespmem:s24], [sflag:$0x5], $0x1, s13, s14, $0xb8;
	[tilespmem:$0x1C980] =	vst v63  }
0x74: {  	_ =	swait.ge [sflag:s19], $0x2710  }
0x75: {  	[sflag:s19] =	ssyncset.done $0x0  }
0x76: {  	[sflag:s19] =	ssyncadd.s32 $0xFFFFD8F0  }
0x77: {  	_ =	swait.ge [sflag:s29], $0x2710  }
0x78: {  	[sflag:s29] =	ssyncset.done $0x0  }
0x79: {  	[sflag:s29] =	ssyncadd.s32 $0xFFFFD8F0  }
0x7a: {  	[spmem:s9] =	stream.indirect.scatter.add.f32 [tilespmem:s25], [sflag:$0x5], $0x1, s13, s14, $0xb8;
	[tilespmem:$0x1C980] =	vst v63  }
0x7b: {  	s12 =	simm.s32 $0x4E2;
	_ =	swait.ge [sflag:s19], $0x2710  }
0x7c: {  	s16 =	simm.s32 $0x80;
	s17 =	simm.s32 $0x9C4;
	[sflag:s19] =	ssyncset.done $0x0  }
.LBB2_5:
0x7d: {  	s31 =	sadd.s32 s12, s21  }
0x7e: {  	[sflag:s19] =	ssyncadd.s32 $0xFFFFD8F0;
	s2 =	smov.u32 s17;
	s18 =	sadd.s32 $0x4E2, s17  }
0x7f: {  	[tilespmem:s10], [sflag:$0x5] =	stream.linear.gather [hbm4b:s31+s10], $0x2710, $0x38;
	[tilespmem:$0x1C980] =	vst v63  }
0x80: {  	p0 =	sne.s32 s17, $0x2BF2;
	_ =	swait.ge [sflag:s19], $0x2710  }
0x81: {  	[sflag:s19] =	ssyncset.done $0x0  }
0x82: {  	s17 =	sadd.s32 s12, s20;
	s12 =	smov.u32 s2;
	[sflag:s19] =	ssyncadd.s32 $0xFFFFD8F0  }
0x83: {  	[tilespmem:s13], [sflag:$0x5] =	stream.linear.gather [hbm4b:s17+s10], $0x2710, $0x38;
	[tilespmem:$0x1C980] =	vst v63  }
0x84: {  	_ =	swait.ge [sflag:s19], $0x2710  }
0x85: {  	[sflag:s19] =	ssyncset.done $0x0  }
0x86: {  	[sflag:s19] =	ssyncadd.s32 $0xFFFFD8F0  }
0x87: {  	[tilespmem:s22], [sflag:$0x1] =	stream.indirect.gather [spmem:s0], $0x1, s10, s14, $0xb8;
	[tilespmem:$0x1C980] =	vst v63  }
0x88: {  	_ = 	snop  }
0x89: {  	[tilespmem:s23], [sflag:$0x2] =	stream.indirect.gather [spmem:s3], $0x1, s10, s14, $0xb8;
	[tilespmem:$0x1C980] =	vst v63  }
0x8a: {  	_ = 	snop  }
0x8b: {  	[tilespmem:s24], [sflag:$0x3] =	stream.indirect.gather [spmem:s5], $0x1, s10, s14, $0xb8;
	[tilespmem:$0x1C980] =	vst v63  }
0x8c: {  	_ = 	snop  }
0x8d: {  	[tilespmem:s25], [sflag:$0x4] =	stream.indirect.gather [spmem:s7], $0x1, s10, s14, $0xb8;
	[tilespmem:$0x1C980] =	vst v63  }
0x8e: {  	_ =	swait.ge [sflag:s30], $0x2710  }
0x8f: {  	[sflag:s30] =	ssyncset.done $0x0  }
0x90: {  	[sflag:s30] =	ssyncadd.s32 $0xFFFFD8F0  }
0x91: {  	[spmem:s1] =	stream.indirect.scatter.add.f32 [tilespmem:s22], [sflag:$0x5], $0x1, s13, s14, $0xb8;
	[tilespmem:$0x1C980] =	vst v63  }
0x92: {  	_ =	swait.ge [sflag:s19], $0x2710  }
0x93: {  	[sflag:s19] =	ssyncset.done $0x0  }
0x94: {  	[sflag:s19] =	ssyncadd.s32 $0xFFFFD8F0  }
0x95: {  	_ =	swait.ge [sflag:s26], $0x2710  }
0x96: {  	[sflag:s26] =	ssyncset.done $0x0  }
0x97: {  	[sflag:s26] =	ssyncadd.s32 $0xFFFFD8F0  }
0x98: {  	[spmem:s4] =	stream.indirect.scatter.add.f32 [tilespmem:s23], [sflag:$0x5], $0x1, s13, s14, $0xb8;
	[tilespmem:$0x1C980] =	vst v63  }
0x99: {  	_ =	swait.ge [sflag:s19], $0x2710  }
0x9a: {  	[sflag:s19] =	ssyncset.done $0x0  }
0x9b: {  	[sflag:s19] =	ssyncadd.s32 $0xFFFFD8F0  }
0x9c: {  	_ =	swait.ge [sflag:s28], $0x2710  }
0x9d: {  	[sflag:s28] =	ssyncset.done $0x0  }
0x9e: {  	[sflag:s28] =	ssyncadd.s32 $0xFFFFD8F0  }
0x9f: {  	[spmem:s6] =	stream.indirect.scatter.add.f32 [tilespmem:s24], [sflag:$0x5], $0x1, s13, s14, $0xb8;
	[tilespmem:$0x1C980] =	vst v63  }
0xa0: {  	_ =	swait.ge [sflag:s19], $0x2710  }
0xa1: {  	[sflag:s19] =	ssyncset.done $0x0  }
0xa2: {  	[sflag:s19] =	ssyncadd.s32 $0xFFFFD8F0  }
0xa3: {  	_ =	swait.ge [sflag:s29], $0x2710  }
.Ltmp1:
0xa4: {  	[sflag:s29] =	ssyncset.done $0x0;
	(pc) =	sbr.rel @p0 .LBB2_5-.Ltmp1, $4  }
0xa5: {  	[sflag:s29] =	ssyncadd.s32 $0xFFFFD8F0  }
0xa6: {  	[spmem:s9] =	stream.indirect.scatter.add.f32 [tilespmem:s25], [sflag:$0x5], $0x1, s13, s14, $0xb8;
	[tilespmem:$0x1C980] =	vst v63  }
0xa7: {  	_ =	swait.ge [sflag:s19], $0x2710  }
0xa8: {  	s17 =	smov.u32 s18;
	[sflag:s19] =	ssyncset.done $0x0  }
0xa9: {  	s2 =	sadd.s32 s12, s21;
	[sflag:s19] =	ssyncadd.s32 $0xFFFFD8F0  }
0xaa: {  	[tilespmem:s10], [sflag:$0x5] =	stream.linear.gather [hbm4b:s2+s10], $0x2710, $0x38;
	[tilespmem:$0x1C980] =	vst v63  }
0xab: {  	_ =	swait.ge [sflag:s19], $0x2710  }
0xac: {  	[sflag:s19] =	ssyncset.done $0x0  }
0xad: {  	s31 =	sadd.s32 s12, s20;
	[sflag:s19] =	ssyncadd.s32 $0xFFFFD8F0  }
0xae: {  	[tilespmem:s13], [sflag:$0x5] =	stream.linear.gather [hbm4b:s31+s10], $0x2710, $0x38;
	[tilespmem:$0x1C980] =	vst v63  }
0xaf: {  	_ =	swait.ge [sflag:s19], $0x2710  }
0xb0: {  	[sflag:s19] =	ssyncset.done $0x0  }
0xb1: {  	[sflag:s19] =	ssyncadd.s32 $0xFFFFD8F0  }
0xb2: {  	[tilespmem:s22], [sflag:$0x1] =	stream.indirect.gather [spmem:s0], $0x1, s10, s14, $0xb8;
	[tilespmem:$0x1C980] =	vst v63  }
0xb3: {  	_ = 	snop  }
0xb4: {  	[tilespmem:s23], [sflag:$0x2] =	stream.indirect.gather [spmem:s3], $0x1, s10, s14, $0xb8;
	[tilespmem:$0x1C980] =	vst v63  }
0xb5: {  	_ = 	snop  }
0xb6: {  	[tilespmem:s24], [sflag:$0x3] =	stream.indirect.gather [spmem:s5], $0x1, s10, s14, $0xb8;
	[tilespmem:$0x1C980] =	vst v63  }
0xb7: {  	_ = 	snop  }
0xb8: {  	[tilespmem:s25], [sflag:$0x4] =	stream.indirect.gather [spmem:s7], $0x1, s10, s14, $0xb8;
	[tilespmem:$0x1C980] =	vst v63  }
0xb9: {  	_ =	swait.ge [sflag:s30], $0x2710  }
0xba: {  	[sflag:s30] =	ssyncset.done $0x0  }
0xbb: {  	[sflag:s30] =	ssyncadd.s32 $0xFFFFD8F0  }
0xbc: {  	[spmem:s1] =	stream.indirect.scatter.add.f32 [tilespmem:s22], [sflag:$0x5], $0x1, s13, s14, $0xb8;
	[tilespmem:$0x1C980] =	vst v63  }
0xbd: {  	_ =	swait.ge [sflag:s19], $0x2710  }
0xbe: {  	[sflag:s19] =	ssyncset.done $0x0  }
0xbf: {  	[sflag:s19] =	ssyncadd.s32 $0xFFFFD8F0  }
0xc0: {  	_ =	swait.ge [sflag:s26], $0x2710  }
0xc1: {  	[sflag:s26] =	ssyncset.done $0x0  }
0xc2: {  	[sflag:s26] =	ssyncadd.s32 $0xFFFFD8F0  }
0xc3: {  	[spmem:s4] =	stream.indirect.scatter.add.f32 [tilespmem:s23], [sflag:$0x5], $0x1, s13, s14, $0xb8;
	[tilespmem:$0x1C980] =	vst v63  }
0xc4: {  	_ =	swait.ge [sflag:s19], $0x2710  }
0xc5: {  	[sflag:s19] =	ssyncset.done $0x0  }
0xc6: {  	[sflag:s19] =	ssyncadd.s32 $0xFFFFD8F0  }
0xc7: {  	_ =	swait.ge [sflag:s28], $0x2710  }
0xc8: {  	[sflag:s28] =	ssyncset.done $0x0  }
0xc9: {  	[sflag:s28] =	ssyncadd.s32 $0xFFFFD8F0  }
0xca: {  	[spmem:s6] =	stream.indirect.scatter.add.f32 [tilespmem:s24], [sflag:$0x5], $0x1, s13, s14, $0xb8;
	[tilespmem:$0x1C980] =	vst v63  }
0xcb: {  	_ =	swait.ge [sflag:s19], $0x2710  }
0xcc: {  	[sflag:s19] =	ssyncset.done $0x0  }
0xcd: {  	[sflag:s19] =	ssyncadd.s32 $0xFFFFD8F0  }
0xce: {  	_ =	swait.ge [sflag:s29], $0x2710  }
0xcf: {  	[sflag:s29] =	ssyncset.done $0x0  }
0xd0: {  	[sflag:s29] =	ssyncadd.s32 $0xFFFFD8F0  }
0xd1: {  	[spmem:s9] =	stream.indirect.scatter.add.f32 [tilespmem:s25], [sflag:$0x5], $0x1, s13, s14, $0xb8;
	[tilespmem:$0x1C980] =	vst v63  }
0xd2: {  	_ =	swait.ge [sflag:s19], $0x2710  }
0xd3: {  	[sflag:s19] =	ssyncset.done $0x0  }
0xd4: {  	[sflag:s19] =	ssyncadd.s32 $0xFFFFD8F0  }
0xd5: {  	[bflag:$0x0] =	sbarrier.arrive $0xFFFF  }
0xd6: {  	s17 =	rddreg [dreg:$0xb]  }
0xd7: {  	s8 =	rddreg [dreg:$0x1d]  }
0xd8: {  	s15 =	simm.s32 $0x10;
	s18 =	rddreg [dreg:$0xe]  }
0xd9: {  	s31 =	rddreg [dreg:$0x1c];
	s2 =	sadd.s32 s17, s8;
	s11 =	sshrl.u32 s18, $0x3  }
0xda: {  	[hbm:s2@s16], [sflag:s31] =	dma.strided [spmem:s11@s15], $0x310, s30, $0x10   }
0xdb: {  	_ =	swait.ge [sflag:s19], $0x310  }
0xdc: {  	s16 =	rddreg [dreg:$0x1e]  }
0xdd: {  	[sflag:s19] =	ssyncset.done $0x0;
	s2 =	sadd.s32 s17, s16;
	s16 =	rddreg [dreg:$0xf]  }
0xde: {  	s11 =	simm.s32 $0x80;
	[sflag:s19] =	ssyncadd.s32 $0xFFFFFCF0;
	s8 =	sshrl.u32 s16, $0x3  }
0xdf: {  	[hbm:s2@s11], [sflag:s31] =	dma.strided [spmem:s8@s15], $0x310, s30, $0x10   }
0xe0: {  	_ =	swait.ge [sflag:s19], $0x310  }
0xe1: {  	s12 =	sld [smem:$0x7FD];
	_ =	sdelay $0x1  }
0xe2: {  	[sflag:s19] =	ssyncset.done $0x0;
	s8 =	rddreg [dreg:$0x10]  }
0xe3: {  	[sflag:s19] =	ssyncadd.s32 $0xFFFFFCF0;
	s8 =	sshrl.u32 s8, $0x3;
	s2 =	sadd.s32 s17, s12  }
0xe4: {  	[hbm:s2@s11], [sflag:s31] =	dma.strided [spmem:s8@s15], $0x310, s30, $0x10   }
0xe5: {  	_ =	swait.ge [sflag:s19], $0x310  }
0xe6: {  	s15 =	rddreg [dreg:$0x1f]  }
0xe7: {  	[sflag:s19] =	ssyncset.done $0x0;
	s2 =	sadd.s32 s17, s15;
	s15 =	rddreg [dreg:$0x11]  }
0xe8: {  	s8 =	simm.s32 $0x10;
	[sflag:s19] =	ssyncadd.s32 $0xFFFFFCF0;
	s17 =	sshrl.u32 s15, $0x3  }
0xe9: {  	[hbm:s2@s11], [sflag:s31] =	dma.strided [spmem:s17@s8], $0x310, s30, $0x10   }
0xea: {  	_ =	swait.ge [sflag:s19], $0x310  }
0xeb: {  	s31 =	rddreg [dreg:$0x1b]  }
0xec: {  	s2 =	sadd.s32 $0x1, s31  }
0xed: {  	p0 =	sne.s32 s2, $0x80  }
.Ltmp2:
0xee: {  	_ = 	snop;
	(pc) =	sbr.rel @p0 .LBB2_4-.Ltmp2, $3  }
0xef: {  	[sflag:s19] =	ssyncset.done $0x0  }
0xf0: {  	[sflag:s19] =	ssyncadd.s32 $0xFFFFFCF0  }
0xf1: {  	[bflag:$0x0] =	sbarrier.arrive $0xFFFF;
	_ =	sdelay $0x1  }
0xf2: {  	s8 =	rddreg [dreg:$0x1a]  }
0xf3: {  	s2 =	rddreg [dreg:$0x12];
	s8 =	sadd.s32 $0x1, s8  }
0xf4: {  	p0 =	sne.s32 s8, s2  }
.Ltmp3:
0xf5: {  	_ = 	snop;
	(pc) =	sbr.rel @p0 .LBB2_1-.Ltmp3, $1  }
0xf6: {  	_ =	sdelay $0x3  }
0xf7: {  	_ =	sfence.sel $0x180000  }
0xf8: {  	[bflag:$0x0] =	sbarrier.arrive $0xFFFF  }
0xf9: {  	_ =	strace $0x90000050  }
0xfa: {  	s0 =	stileid.u32;
	[bflag:$0x2] =	sbarrier.arrive $0xFFFF  }
0xfb: {  	p0 =	sne.s32 s0, $0x0;
	s0 =	rddreg [dreg:$0x9]  }
0xfc: {  	s0 =	sadd.s32 @!p0 $0x100000, s0  }
0xfd: {  	[sflag:s0] =	ssyncadd.tile.s32 @!p0 $0x1;
	_ =	shalt  }
.Lfunc_end2:
_tile_overlayer_lowered:
.L_overlay_start_2:
0xfe: {  	(tag) =	ssettag $0x2  }
0xff: {  	s0 =	rddreg [dreg:$0x0];
	s2 =	stileid.u32  }
0x100: {  	s1 =	rddreg [dreg:$0x1];
	p0 =	sne.s32 s2, $0x0  }
0x101: {  	s3 =	rddreg [dreg:$0x2];
	[bflag:$0x3] =	sbarrier.arrive $0xFFFF;
	s2 =	simm.s32 @!p0 $0x1C05  }
0x102: {  	[timem:s3], [sflag:s2] =	dma.local @!p0 [hbm:s0], s1  }
0x103: {  	s0 =	simm.s32 @!p0 $0x5  }
0x104: {  	_ =	swait.ge @!p0 [sflag:s0], s1  }
0x105: {  	s1 =	ssub.s32 @!p0 $0x0, s1;
	[sflag:s0] =	ssyncset.done @!p0 $0x0  }
0x106: {  	[sflag:s0] =	ssyncadd.s32 @!p0 s1  }
0x107: {  	[bflag:$0x3] =	sbarrier.arrive $0xFFFF  }
0x108: {  	_ =	shalt  }

// kernel: kernel.9.cloned.1.call-start
scs
__scs_entry_jumppad:
0x0: {  	(pc) =	sbr.rel $0x88, $3  }
0x1: {  	(tag) =	ssettag $0x0;
	lr =	simm.s32 $0x1  }
0x2: {  	[smem:$0x3F94] =	sst lr;
	_ =	strace $0xD0000000  }
0x3: {  	_ = 	snop  }
0x4: {  	_ = 	snop  }
0x5: {  	_ = 	snop  }
0x6: {  	_ = 	snop  }
0x7: {  	_ = 	snop  }
__scs_overlays_trampoline_lowered:
0x8: {  	[smem:$0x3FA3] =	sst s0  }
0x9: {  	[smem:$0x3FA4] =	sst s1  }
0xa: {  	[smem:$0x3FA5] =	sst s2  }
0xb: {  	[smem:$0x3FA6] =	sst s3  }
0xc: {  	[smem:$0x3FA7] =	sst s4  }
0xd: {  	[smem:$0x3FA8] =	sst s5  }
0xe: {  	[smem:$0x3FA9] =	sst s6  }
0xf: {  	[smem:$0x3FAA] =	sst s7  }
0x10: {  	[smem:$0x3FAB] =	sst s8  }
0x11: {  	[smem:$0x3FAC] =	sst s9;
	s0 =	simm.s32 @!p0 $0x0  }
0x12: {  	s1 =	sld [smem:$0x3F92];
	s0 =	simm.s32 @p0 $0x1  }
0x13: {  	[smem:$0x3FAD] =	sst s0;
	s0 =	simm.s32 @!p1 $0x0  }
0x14: {  	s2 =	sld [smem:$0x3F91];
	s0 =	simm.s32 @p1 $0x1  }
0x15: {  	[smem:$0x3FAE] =	sst s0;
	s0 =	simm.s32 @!p2 $0x0  }
0x16: {  	s3 =	sld [smem:$0x3FDB];
	s0 =	simm.s32 @p2 $0x1  }
0x17: {  	s4 =	simm.s32 $0x1BF5;
	[smem:$0x3FB0] =	sst s0  }
0x18: {  	s0 =	sld [smem:$0x3F93];
	_ =	swait.ge [sflag:s4], $0x0  }
0x19: {  	s7 =	sld [smem:$0x3F94]  }
0x1a: {  	s8 =	sadd.s32 $0xFFFFE003, lr  }
0x1b: {  	s9 =	sadd.s32 $0xFFFFFEF7, lr;
	s5 =	simm.s32 $0xFFFFFFFF;
	p2 =	slt.u32 s8, $0xFFFFF086  }
0x1c: {  	p1 =	slt.u32 s9, $0xF7A;
	s5 =	simm.s32 @!p2 $0x0  }
0x1d: {  	s5 =	simm.s32 @p1 $0x1;
	p0 =	seq.s32 s7, s2  }
0x1e: {  	s7 =	smul.u32 @!p0 $0xF7A, s2;
	p2 =	seq.s32 @!p0 s5, $0x0  }
0x1f: {  	s9 =	smul.u32 $0xF7A, s1;
	s8 =	simm.s32 @!p0 $0x1BF5;
	p2 =	por !p2, p0  }
0x20: {  	[sflag:s8] =	ssyncset.s32 @!p0 $0xFFFFF086;
	s6 =	sadd.s32 @!p0 s3, s7;
	s7 =	simm.s32 @!p0 $0x108  }
0x21: {  	s3 =	sadd.s32 s3, s9;
	s6 =	sadd.s32 @!p0 $0x88, s6;
	s7 =	simm.s32 @p2 $0x1082  }
0x22: {  	[simem:s7], [sflag:s8] =	dma.local @!p0 [hbm:s6], $0xF7A  }
0x23: {  	s9 =	sor.u32 $0xD0000000, s2;
	s6 =	simm.s32 $0x108;
	_ =	swait.ge @!p0 [sflag:s8], $0x0  }
0x24: {  	s3 =	sadd.s32 $0x88, s3;
	s6 =	simm.s32 @!p1 $0x1082;
	[sflag:s4] =	ssyncset.s32 $0xFFFFF086  }
0x25: {  	[simem:s6], [sflag:s4] =	dma.local [hbm:s3], $0xF7A  }
0x26: {  	[smem:$0x3F94] =	sst s1;
	(tag) =	ssettag s2;
	_ =	strace s9  }
0x27: {  	s1 =	sld [smem:$0x3FA4]  }
0x28: {  	s2 =	sld [smem:$0x3FA5]  }
0x29: {  	s4 =	sld [smem:$0x3FA7]  }
0x2a: {  	p0 =	seq.s32 s5, $0x0;
	s5 =	sld [smem:$0x3FA8]  }
0x2b: {  	s6 =	sld [smem:$0x3FA9]  }
0x2c: {  	s7 =	sld [smem:$0x3FAA]  }
0x2d: {  	s3 =	simm.s32 $0x108;
	s8 =	sld [smem:$0x3FAB]  }
0x2e: {  	s3 =	simm.s32 @!p0 $0x1082;
	s9 =	sld [smem:$0x3FAC]  }
0x2f: {  	lr =	sadd.s32 s0, s3;
	s0 =	sld [smem:$0x3FA3]  }
0x30: {  	s3 =	sld [smem:$0x3FA6]  }
0x31: {  	[smem:$0x3FAF] =	sst s10  }
0x32: {  	s10 =	sld [smem:$0x3FAD];
	_ =	sdelay $0x3  }
0x33: {  	p0 =	seq.s32 s10, $0x1;
	s10 =	sld [smem:$0x3FAF];
	_ =	sdelay $0x3  }
0x34: {  	[smem:$0x3FAF] =	sst s10  }
0x35: {  	s10 =	sld [smem:$0x3FAE];
	_ =	sdelay $0x3  }
0x36: {  	p1 =	seq.s32 s10, $0x1;
	s10 =	sld [smem:$0x3FAF];
	_ =	sdelay $0x3  }
0x37: {  	[smem:$0x3FAF] =	sst s10  }
0x38: {  	s10 =	sld [smem:$0x3FB0]  }
0x39: {  	_ = 	snop;
	(pc) =	sbr.ind lr, $3  }
0x3a: {  	_ = 	snop  }
0x3b: {  	_ = 	snop  }
0x3c: {  	p2 =	seq.s32 s10, $0x1;
	s10 =	sld [smem:$0x3FAF]  }
0x3d: {  	_ =	shalt  }
0x3e: {  	_ =	shalt  }
0x3f: {  	_ =	shalt  }
0x40: {  	_ =	shalt  }
0x41: {  	_ =	shalt  }
0x42: {  	_ =	shalt  }
0x43: {  	_ =	shalt  }
0x44: {  	_ =	shalt  }
0x45: {  	_ =	shalt  }
0x46: {  	_ =	shalt  }
0x47: {  	_ =	shalt  }
0x48: {  	_ =	shalt  }
0x49: {  	_ =	shalt  }
0x4a: {  	_ =	shalt  }
0x4b: {  	_ =	shalt  }
0x4c: {  	_ =	shalt  }
0x4d: {  	_ =	shalt  }
0x4e: {  	_ =	shalt  }
0x4f: {  	_ =	shalt  }
0x50: {  	_ =	shalt  }
0x51: {  	_ =	shalt  }
0x52: {  	_ =	shalt  }
0x53: {  	_ =	shalt  }
0x54: {  	_ =	shalt  }
0x55: {  	_ =	shalt  }
0x56: {  	_ =	shalt  }
0x57: {  	_ =	shalt  }
0x58: {  	_ =	shalt  }
0x59: {  	_ =	shalt  }
0x5a: {  	_ =	shalt  }
0x5b: {  	_ =	shalt  }
0x5c: {  	_ =	shalt  }
0x5d: {  	_ =	shalt  }
0x5e: {  	_ =	shalt  }
0x5f: {  	_ =	shalt  }
0x60: {  	_ =	shalt  }
0x61: {  	_ =	shalt  }
0x62: {  	_ =	shalt  }
0x63: {  	_ =	shalt  }
0x64: {  	_ =	shalt  }
0x65: {  	_ =	shalt  }
0x66: {  	_ =	shalt  }
0x67: {  	_ =	shalt  }
0x68: {  	_ =	shalt  }
0x69: {  	_ =	shalt  }
0x6a: {  	_ =	shalt  }
0x6b: {  	_ =	shalt  }
0x6c: {  	_ =	shalt  }
0x6d: {  	_ =	shalt  }
0x6e: {  	_ =	shalt  }
0x6f: {  	_ =	shalt  }
0x70: {  	_ =	shalt  }
0x71: {  	_ =	shalt  }
0x72: {  	_ =	shalt  }
0x73: {  	_ =	shalt  }
0x74: {  	_ =	shalt  }
0x75: {  	_ =	shalt  }
0x76: {  	_ =	shalt  }
0x77: {  	_ =	shalt  }
0x78: {  	_ =	shalt  }
0x79: {  	_ =	shalt  }
0x7a: {  	_ =	shalt  }
0x7b: {  	_ =	shalt  }
0x7c: {  	_ =	shalt  }
0x7d: {  	_ =	shalt  }
0x7e: {  	_ =	shalt  }
0x7f: {  	_ =	shalt  }
0x80: {  	_ =	shalt  }
0x81: {  	_ =	shalt  }
0x82: {  	_ =	shalt  }
0x83: {  	_ =	shalt  }
0x84: {  	_ =	shalt  }
0x85: {  	_ =	shalt  }
0x86: {  	_ =	shalt  }
0x87: {  	_ =	shalt  }
.Lfunc_end0:
.L_simem_size_0:
called_computation_lowered:
.L_overlay_start_0:
0x88: {  	s2 =	sld [smem:$0x3FD9]  }
0x89: {  	s3 =	sld [smem:$0x3FFE];
	_ =	sdelay $0x1  }
0x8a: {  	s1 =	srdreg.scid  }
0x8b: {  	s0 =	sand.u32 $0x1, s1  }
0x8c: {  	s17 =	sshll.u32 s0, $0xA;
	s2 =	sadd.s32 s3, s2  }
0x8d: {  	s2 =	sadd.s32 s2, s17  }
0x8e: {  	[smem:$0x3FBB] =	sst s2  }
0x8f: {  	_ = 	snop  }
0x90: {  	(tm) =	ssettm $0x1  }
0x91: {  	s18 =	sld [smem:$0x3FFB];
	_ =	sdelay $0x3  }
0x92: {  	_ =	strace s18  }
0x93: {  	s2 =	sld [smem:$0x3FFC];
	_ =	sdelay $0x3  }
0x94: {  	_ =	strace s2  }
0x95: {  	s2 =	sld [smem:$0x3FFD];
	_ =	sdelay $0x3  }
0x96: {  	_ =	strace s2  }
0x97: {  	_ =	strace $0x8FFFFFFF  }
0x98: {  	s19 =	sld [smem:$0x3FDB];
	_ =	sdelay $0x1  }
0x99: {  	s20 =	simm.s32 $_scs_section_size  }
0x9a: {  	s4 =	simm.s32 $_size__tile_overlayer_lowered;
	s5 =	simm.s32 $_tile_overlayer_lowered  }
0x9b: {  	s6 =	simm.s32 $0x1BFF;
	s21 =	sshll.u32 s5, $0x1;
	s3 =	sadd.s32 s20, s19  }
0x9c: {  	s22 =	simm.s32 $0x0;
	s4 =	sshll.u32 s4, $0x1;
	s5 =	sadd.s32 s21, s3  }
0x9d: {  	[timem:s22], [sflag:s6] =	dma.local [hbm:s5], s4  }
0x9e: {  	_ =	swait.ge [sflag:s6], s4  }
0x9f: {  	s4 =	ssub.s32 $0x0, s4;
	[sflag:s6] =	ssyncset.done $0x0  }
0xa0: {  	[sflag:s6] =	ssyncadd.s32 s4;
	_ =	sdelay $0x1  }
0xa1: {  	s23 =	simm.s32 $0x1B8B  }
0xa2: {  	_ =	swait.ge [sflag:s23], $0x1  }
0xa3: {  	[sflag:s23] =	ssyncset.done $0x0  }
0xa4: {  	[sflag:s23] =	ssyncadd.s32 $0xFFFFFFFF  }
0xa5: {  	s4 =	sld [smem:$0x0]  }
0xa6: {  	s5 =	sand.u32 $0xFFFFFFFE, s1  }
0xa7: {  	p0 =	sne.s32 s1, s5  }
0xa8: {  	s5 =	sshll.u32 @p0 s5, $0xE  }
0xa9: {  	s5 =	sadd.s32 @p0 $0x11B8D, s5;
	s6 =	sshll.u32 @p0 s4, $0x11  }
0xaa: {  	s5 =	sor.u32 @p0 s6, s5  }
0xab: {  	[sflag:s5] =	ssyncadd.remote.s32 @p0 $0x1;
	_ =	sdelay $0x1  }
0xac: {  	s5 =	simm.s32 @p0 $0x1B8D  }
0xad: {  	_ =	swait.eq @p0 [sflag:s5], $0x1  }
0xae: {  	[sflag:s5] =	ssyncadd.s32 @p0 $0xFFFFFFFF  }
0xaf: {  	s6 =	sshll.u32 @!p0 s1, $0xE  }
0xb0: {  	s6 =	sor.u32 @!p0 $0x4000, s6;
	s5 =	simm.s32 @!p0 $0x1B8D  }
0xb1: {  	s4 =	sshll.u32 @!p0 s4, $0x11;
	s6 =	sadd.s32 @!p0 $0x11B8D, s6;
	_ =	swait.eq @!p0 [sflag:s5], $0x1  }
0xb2: {  	s4 =	sor.u32 @!p0 s4, s6;
	[sflag:s5] =	ssyncadd.s32 @!p0 $0xFFFFFFFF  }
0xb3: {  	s25 =	simm.s32 $0x1B8E;
	s24 =	sld [smem:$0x3FFE];
	[sflag:s4] =	ssyncadd.remote.s32 @!p0 $0x1  }
0xb4: {  	s26 =	simm.s32 $execute0_lowered;
	[smem:$0x3FD2] =	sst s25  }
0xb5: {  	s5 =	sshll.u32 s26, $0x1;
	_ =	strace $0x80000049;
	[dreg:$0x1] =	wrdreg $0xFFFFFFFF  }
0xb6: {  	s28 =	simm.s32 $_size_execute0_lowered;
	s3 =	sadd.s32 s3, s5;
	[dreg:$0x0] =	wrdreg $0x0  }
0xb7: {  	s5 =	sshll.u32 s28, $0x1;
	[dreg:$0x2] =	wrdreg s3  }
0xb8: {  	[dreg:$0x3] =	wrdreg s5  }
0xb9: {  	[dreg:$0x4] =	wrdreg $0xC0  }
0xba: {  	_ =	task [dreg:s22], $0x5FFFF  }
0xbb: {  	[dreg:$0x1] =	wrdreg $0xFFFFFFFF  }
0xbc: {  	[dreg:$0x0] =	wrdreg $0x60  }
0xbd: {  	[dreg:$0x2] =	wrdreg s24  }
0xbe: {  	[dreg:$0x3] =	wrdreg $0x67800  }
0xbf: {  	[dreg:$0x4] =	wrdreg $0x9  }
0xc0: {  	_ =	task.clear_ibuf [dreg:s22], $0x5FFFF;
	_ =	strace $0x90000049  }
0xc1: {  	s29 =	simm.s32 $0x9;
	_ =	strace $0x8000004B  }
0xc2: {  	_ =	swait.ge [sflag:s29], $0x1  }
0xc3: {  	[sflag:s29] =	ssyncadd.s32 $0xFFFFFFFF  }
0xc4: {  	_ =	strace $0x9000004B  }
0xc5: {  	_ =	sfence  }
0xc6: {  	s30 =	sld [smem:$0x0];
	_ =	sdelay $0x2  }
0xc7: {  	s31 =	sshll.u32 s1, $0xD;
	s1 =	sshrl.u32 s1, $0x2  }
0xc8: {  	s4 =	sand.u32 $0x4000, s31;
	s1 =	sadd.s32 s1, s30  }
0xc9: {  	s0 =	sor.u32 s4, s0;
	s1 =	sshll.u32 s1, $0x11  }
0xca: {  	s0 =	sor.u32 s1, s0  }
0xcb: {  	s0 =	sadd.s32 $0x8F2B, s0  }
0xcc: {  	[sflag:s0] =	ssyncadd.remote.s32 $0x1  }
0xcd: {  	_ =	sfence.sel $0xFFFF  }
0xce: {  	[dreg:$0x0] =	wrdreg $0xFFFFFFFF;
	(pc) =	sbr.abs _section_cstart, $3  }
0xcf: {  	[dreg:$0x1] =	wrdreg $0xFFFFFFFF  }
0xd0: {  	_ =	task.clear_ibuf [dreg:s22], $0x2FFFF;
	_ =	strace $0x9FFFFFFF  }
0xd1: {  	(tm) =	ssettm $0x7FFFFFFF  }
tec
execute0_lowered:
.L_overlay_start_1:
0x0: {  	(tag) =	ssettag $0x1  }
0x1: {  	s4 =	rddreg [dreg:$0x0]  }
0x2: {  	s2 =	rddreg [dreg:$0x1]  }
0x3: {  	s0 =	rddreg [dreg:$0x2];
	s1 =	stileid.u32;
	s3 =	simm.s32 $0x0  }
0x4: {  	s6 =	srdreg.scid;
	s18 =	simm.s32 $0x1;
	s19 =	simm.s32 $0x2710  }
0x5: {  	s20 =	simm.s32 $0x2780;
	s21 =	simm.s32 $0x0;
	s5 =	smul.u32 $0x186A0, s1  }
0x6: {  	[smem:$0x7FF] =	sst s3;
	s7 =	smul.u32 $0x1880, s1;
	s17 =	sand.u32 $0x1, s6  }
0x7: {  	_ =	strace $0x8000004A;
	s6 =	ssub.s32 $0x2, s17;
	p0 =	sne.s32 s17, $0x0  }
0x8: {  	s17 =	simm.s32 $0x4F00;
	s5 =	sshrl.u32 s5, $0x3;
	s31 =	sshrl.u32 s7, $0x3  }
0x9: {  	s8 =	sshrl.u32 s6, $0x1;
	s16 =	sadd.s32 s5, s4;
	s5 =	sadd.s32 s31, s4  }
.Ltmp0:
0xa: {  	s6 =	ssub.s32 s6, s8;
	s4 =	sadd.s32 s7, s2;
	(pc) =	sbr.rel .LBB2_1-.Ltmp0, $4  }
0xb: {  	s5 =	sadd.s32 $0x18A200, s5;
	s6 =	smax.u32 s6, $0x1;
	s7 =	sadd.s32 $0x2600, s16  }
0xc: {  	s8 =	sadd.s32 $0x2AE2, s16;
	s9 =	sadd.s32 $0x2FC4, s16;
	s10 =	sadd.s32 $0x34A6, s16  }
0xd: {  	s11 =	sadd.s32 $0x3988, s16;
	s12 =	sadd.s32 $0x3E6A, s16;
	s13 =	sadd.s32 $0x434C, s16  }
0xe: {  	v0 =	vimm.f32 $1.000000000e+00;
	v1 =	vimm.f32 $0.0e+00;
	s14 =	sadd.s32 $0x482E, s16;
	s15 =	sadd.s32 $0x4D10, s16;
	s16 =	sadd.s32 $0x51F2, s16  }
.LBB2_7:
0xf: {  	s21 =	sadd.s32 $0x1, s21  }
0x10: {  	p1 =	sne.s32 s21, s6  }
.Ltmp1:
0x11: {  	_ = 	snop;
	(pc) =	sbr.rel @!p1 .LBB2_8-.Ltmp1, $1  }
0x12: {  	_ =	sdelay $0x3  }
.LBB2_1:
0x13: {  	s22 =	simm.s32 $0x0  }
.LBB2_2:
0x14: {  	p1 =	sne.s32 s22, $0x9C00  }
.Ltmp2:
0x15: {  	_ = 	snop;
	(pc) =	sbr.rel @p1 .LBB2_2-.Ltmp2, $3  }
0x16: {  	_ =	sdelay $0x1  }
0x17: {  	s23 =	sshra.s32 s22, $0x2  }
0x18: {  	s22 =	sadd.s32 $0x40, s22;
	[tilespmem:s23+$0x2780] =	vst v0  }
0x19: {  	s22 =	simm.s32 $0x40;
	s23 =	simm.s32 $0x0  }
.LBB2_4:
0x1a: {  	p1 =	sne.s32 s22, $0x61C0;
	[tilespmem:s23+$0x4F00] =	vst v1;
	s23 =	smov.u32 s22;
	s22 =	sadd.s32 $0x40, s22  }
.Ltmp3:
0x1b: {  	(pc) =	sbr.rel @p1 .LBB2_4-.Ltmp3, $2  }
0x1c: {  	_ =	sdelay $0x2  }
0x1d: {  	s23 =	sshra.s32 s23, $0x2  }
.Ltmp4:
0x1e: {  	(pc) =	sbr.rel @p0 .LBB2_7-.Ltmp4, $2  }
0x1f: {  	_ =	sdelay $0x2  }
0x20: {  	[tilespmem:s23+$0x4F00] =	vst v1  }
0x21: {  	[spmem:s4] =	stream.linear.scatter [tilespmem:s17], [sflag:$0x1], $0x1880, $0x38;
	[tilespmem:$0x8000] =	vst v63  }
0x22: {  	_ =	swait.ge [sflag:s18], $0x1880  }
0x23: {  	[sflag:s18] =	ssyncset.done $0x0  }
0x24: {  	[sflag:s18] =	ssyncadd.s32 $0xFFFFE780  }
0x25: {  	[bflag:$0x0] =	sbarrier.arrive $0xFFFF  }
0x26: {  	[tilespmem:s3], [sflag:$0x1] =	stream.linear.gather [hbm4b:s7+s3], $0x2710, $0x38;
	[tilespmem:$0x8000] =	vst v63  }
0x27: {  	_ =	swait.ge [sflag:s18], $0x2710  }
0x28: {  	[sflag:s18] =	ssyncset.done $0x0  }
0x29: {  	[sflag:s18] =	ssyncadd.s32 $0xFFFFD8F0  }
0x2a: {  	[spmem:s2] =	stream.indirect.scatter.add.f32 [tilespmem:s20], [sflag:$0x1], $0x1, s3, s19, $0xb8;
	[tilespmem:$0x8000] =	vst v63  }
0x2b: {  	_ =	swait.ge [sflag:s18], $0x2710  }
0x2c: {  	[sflag:s18] =	ssyncset.done $0x0  }
0x2d: {  	[sflag:s18] =	ssyncadd.s32 $0xFFFFD8F0  }
0x2e: {  	[tilespmem:s3], [sflag:$0x1] =	stream.linear.gather [hbm4b:s8+s3], $0x2710, $0x38;
	[tilespmem:$0x8000] =	vst v63  }
0x2f: {  	_ =	swait.ge [sflag:s18], $0x2710  }
0x30: {  	[sflag:s18] =	ssyncset.done $0x0  }
0x31: {  	[sflag:s18] =	ssyncadd.s32 $0xFFFFD8F0  }
0x32: {  	[spmem:s2] =	stream.indirect.scatter.add.f32 [tilespmem:s20], [sflag:$0x1], $0x1, s3, s19, $0xb8;
	[tilespmem:$0x8000] =	vst v63  }
0x33: {  	_ =	swait.ge [sflag:s18], $0x2710  }
0x34: {  	[sflag:s18] =	ssyncset.done $0x0  }
0x35: {  	[sflag:s18] =	ssyncadd.s32 $0xFFFFD8F0  }
0x36: {  	[tilespmem:s3], [sflag:$0x1] =	stream.linear.gather [hbm4b:s9+s3], $0x2710, $0x38;
	[tilespmem:$0x8000] =	vst v63  }
0x37: {  	_ =	swait.ge [sflag:s18], $0x2710  }
0x38: {  	[sflag:s18] =	ssyncset.done $0x0  }
0x39: {  	[sflag:s18] =	ssyncadd.s32 $0xFFFFD8F0  }
0x3a: {  	[spmem:s2] =	stream.indirect.scatter.add.f32 [tilespmem:s20], [sflag:$0x1], $0x1, s3, s19, $0xb8;
	[tilespmem:$0x8000] =	vst v63  }
0x3b: {  	_ =	swait.ge [sflag:s18], $0x2710  }
0x3c: {  	[sflag:s18] =	ssyncset.done $0x0  }
0x3d: {  	[sflag:s18] =	ssyncadd.s32 $0xFFFFD8F0  }
0x3e: {  	[tilespmem:s3], [sflag:$0x1] =	stream.linear.gather [hbm4b:s10+s3], $0x2710, $0x38;
	[tilespmem:$0x8000] =	vst v63  }
0x3f: {  	_ =	swait.ge [sflag:s18], $0x2710  }
0x40: {  	[sflag:s18] =	ssyncset.done $0x0  }
0x41: {  	[sflag:s18] =	ssyncadd.s32 $0xFFFFD8F0  }
0x42: {  	[spmem:s2] =	stream.indirect.scatter.add.f32 [tilespmem:s20], [sflag:$0x1], $0x1, s3, s19, $0xb8;
	[tilespmem:$0x8000] =	vst v63  }
0x43: {  	_ =	swait.ge [sflag:s18], $0x2710  }
0x44: {  	[sflag:s18] =	ssyncset.done $0x0  }
0x45: {  	[sflag:s18] =	ssyncadd.s32 $0xFFFFD8F0  }
0x46: {  	[tilespmem:s3], [sflag:$0x1] =	stream.linear.gather [hbm4b:s11+s3], $0x2710, $0x38;
	[tilespmem:$0x8000] =	vst v63  }
0x47: {  	_ =	swait.ge [sflag:s18], $0x2710  }
0x48: {  	[sflag:s18] =	ssyncset.done $0x0  }
0x49: {  	[sflag:s18] =	ssyncadd.s32 $0xFFFFD8F0  }
0x4a: {  	[spmem:s2] =	stream.indirect.scatter.add.f32 [tilespmem:s20], [sflag:$0x1], $0x1, s3, s19, $0xb8;
	[tilespmem:$0x8000] =	vst v63  }
0x4b: {  	_ =	swait.ge [sflag:s18], $0x2710  }
0x4c: {  	[sflag:s18] =	ssyncset.done $0x0  }
0x4d: {  	[sflag:s18] =	ssyncadd.s32 $0xFFFFD8F0  }
0x4e: {  	[tilespmem:s3], [sflag:$0x1] =	stream.linear.gather [hbm4b:s12+s3], $0x2710, $0x38;
	[tilespmem:$0x8000] =	vst v63  }
0x4f: {  	_ =	swait.ge [sflag:s18], $0x2710  }
0x50: {  	[sflag:s18] =	ssyncset.done $0x0  }
0x51: {  	[sflag:s18] =	ssyncadd.s32 $0xFFFFD8F0  }
0x52: {  	[spmem:s2] =	stream.indirect.scatter.add.f32 [tilespmem:s20], [sflag:$0x1], $0x1, s3, s19, $0xb8;
	[tilespmem:$0x8000] =	vst v63  }
0x53: {  	_ =	swait.ge [sflag:s18], $0x2710  }
0x54: {  	[sflag:s18] =	ssyncset.done $0x0  }
0x55: {  	[sflag:s18] =	ssyncadd.s32 $0xFFFFD8F0  }
0x56: {  	[tilespmem:s3], [sflag:$0x1] =	stream.linear.gather [hbm4b:s13+s3], $0x2710, $0x38;
	[tilespmem:$0x8000] =	vst v63  }
0x57: {  	_ =	swait.ge [sflag:s18], $0x2710  }
0x58: {  	[sflag:s18] =	ssyncset.done $0x0  }
0x59: {  	[sflag:s18] =	ssyncadd.s32 $0xFFFFD8F0  }
0x5a: {  	[spmem:s2] =	stream.indirect.scatter.add.f32 [tilespmem:s20], [sflag:$0x1], $0x1, s3, s19, $0xb8;
	[tilespmem:$0x8000] =	vst v63  }
0x5b: {  	_ =	swait.ge [sflag:s18], $0x2710  }
0x5c: {  	[sflag:s18] =	ssyncset.done $0x0  }
0x5d: {  	[sflag:s18] =	ssyncadd.s32 $0xFFFFD8F0  }
0x5e: {  	[tilespmem:s3], [sflag:$0x1] =	stream.linear.gather [hbm4b:s14+s3], $0x2710, $0x38;
	[tilespmem:$0x8000] =	vst v63  }
0x5f: {  	_ =	swait.ge [sflag:s18], $0x2710  }
0x60: {  	[sflag:s18] =	ssyncset.done $0x0  }
0x61: {  	[sflag:s18] =	ssyncadd.s32 $0xFFFFD8F0  }
0x62: {  	[spmem:s2] =	stream.indirect.scatter.add.f32 [tilespmem:s20], [sflag:$0x1], $0x1, s3, s19, $0xb8;
	[tilespmem:$0x8000] =	vst v63  }
0x63: {  	_ =	swait.ge [sflag:s18], $0x2710  }
0x64: {  	[sflag:s18] =	ssyncset.done $0x0  }
0x65: {  	[sflag:s18] =	ssyncadd.s32 $0xFFFFD8F0  }
0x66: {  	[tilespmem:s3], [sflag:$0x1] =	stream.linear.gather [hbm4b:s15+s3], $0x2710, $0x38;
	[tilespmem:$0x8000] =	vst v63  }
0x67: {  	_ =	swait.ge [sflag:s18], $0x2710  }
0x68: {  	[sflag:s18] =	ssyncset.done $0x0  }
0x69: {  	[sflag:s18] =	ssyncadd.s32 $0xFFFFD8F0  }
0x6a: {  	[spmem:s2] =	stream.indirect.scatter.add.f32 [tilespmem:s20], [sflag:$0x1], $0x1, s3, s19, $0xb8;
	[tilespmem:$0x8000] =	vst v63  }
0x6b: {  	_ =	swait.ge [sflag:s18], $0x2710  }
0x6c: {  	[sflag:s18] =	ssyncset.done $0x0  }
0x6d: {  	[sflag:s18] =	ssyncadd.s32 $0xFFFFD8F0  }
0x6e: {  	[tilespmem:s3], [sflag:$0x1] =	stream.linear.gather [hbm4b:s16+s3], $0x2710, $0x38;
	[tilespmem:$0x8000] =	vst v63  }
0x6f: {  	_ =	swait.ge [sflag:s18], $0x2710  }
0x70: {  	[sflag:s18] =	ssyncset.done $0x0  }
0x71: {  	[sflag:s18] =	ssyncadd.s32 $0xFFFFD8F0  }
0x72: {  	[spmem:s2] =	stream.indirect.scatter.add.f32 [tilespmem:s20], [sflag:$0x1], $0x1, s3, s19, $0xb8;
	[tilespmem:$0x8000] =	vst v63  }
0x73: {  	_ =	swait.ge [sflag:s18], $0x2710  }
0x74: {  	[sflag:s18] =	ssyncset.done $0x0  }
0x75: {  	s22 =	sshll.u32 s1, $0x6;
	s23 =	sshrl.u32 s4, $0x3;
	[sflag:s18] =	ssyncadd.s32 $0xFFFFD8F0  }
.Ltmp5:
0x76: {  	s22 =	sor.u32 $0x1C01, s22;
	[bflag:$0x0] =	sbarrier.arrive $0xFFFF;
	(pc) =	sbr.rel .LBB2_7-.Ltmp5, $4  }
0x77: {  	[hbm:s5], [sflag:s22] =	dma.local [spmem:s23], $0x310  }
0x78: {  	_ =	swait.ge [sflag:s18], $0x310  }
0x79: {  	[sflag:s18] =	ssyncset.done $0x0  }
0x7a: {  	[sflag:s18] =	ssyncadd.s32 $0xFFFFFCF0  }
.LBB2_8:
0x7b: {  	_ =	sfence.sel $0x180000  }
0x7c: {  	[bflag:$0x0] =	sbarrier.arrive $0xFFFF  }
0x7d: {  	p0 =	sne.s32 s1, $0x0;
	_ =	strace $0x9000004A  }
0x7e: {  	s0 =	sadd.s32 @!p0 $0x100000, s0;
	[bflag:$0x2] =	sbarrier.arrive $0xFFFF  }
0x7f: {  	[sflag:s0] =	ssyncadd.tile.s32 @!p0 $0x1;
	_ =	shalt  }
.Lfunc_end2:
_tile_overlayer_lowered:
.L_overlay_start_2:
0x80: {  	(tag) =	ssettag $0x2  }
0x81: {  	s0 =	rddreg [dreg:$0x0];
	s2 =	stileid.u32  }
0x82: {  	s1 =	rddreg [dreg:$0x1];
	p0 =	sne.s32 s2, $0x0  }
0x83: {  	s3 =	rddreg [dreg:$0x2];
	[bflag:$0x3] =	sbarrier.arrive $0xFFFF;
	s2 =	simm.s32 @!p0 $0x1C01  }
0x84: {  	[timem:s3], [sflag:s2] =	dma.local @!p0 [hbm:s0], s1  }
0x85: {  	s0 =	simm.s32 @!p0 $0x1  }
0x86: {  	_ =	swait.ge @!p0 [sflag:s0], s1  }
0x87: {  	s1 =	ssub.s32 @!p0 $0x0, s1;
	[sflag:s0] =	ssyncset.done @!p0 $0x0  }
0x88: {  	[sflag:s0] =	ssyncadd.s32 @!p0 s1  }
0x89: {  	[bflag:$0x3] =	sbarrier.arrive $0xFFFF  }
0x8a: {  	_ =	shalt  }

</sc_bundles>
